<compile_context>
chip_gen: v7x
topology: tpu7x:2x2x1
jax: 0.10.2.dev20260603
libtpu: 0.0.44.dev20260713+nightly
codegen_flags: <defaults>
</compile_context>

<pallas_src>
import functools

import jax
import jax.numpy as jnp
from jax import lax
from jax.experimental import pallas as pl
from jax.experimental.pallas import tpu as pltpu
from jax.experimental.pallas import tpu_sc as plsc

H = 128
NUM_NODES = 100000
NUM_REL = 12
F = 8192
DEG = 32
M = 2048
K = 16


_AT = 2048


def _bf(x):
    return x.astype(jnp.bfloat16).astype(jnp.float32)


def _dot_nt(a, b):
    return lax.dot_general(a.astype(jnp.bfloat16), b.astype(jnp.bfloat16),
                           (((1,), (1,)), ((), ())),
                           preferred_element_type=jnp.float32)


def _alpha_body(h_ref, w1_ref, b1_ref, w2_ref, out_ref):
    a = jax.nn.relu(_dot_nt(h_ref[...], w1_ref[...]) + b1_ref[...][None, :])
    out_ref[...] = jnp.sum(_bf(a) * _bf(w2_ref[...])[None, :], axis=1)


def _alpha(h_frontier, exp_W1, exp_b1, exp_w2):
    return pl.pallas_call(
        _alpha_body,
        grid=(F // _AT,),
        in_specs=[
            pl.BlockSpec((_AT, H), lambda i: (i, 0)),
            pl.BlockSpec((H, H), lambda i: (0, 0)),
            pl.BlockSpec((H,), lambda i: (0,)),
            pl.BlockSpec((H,), lambda i: (0,)),
        ],
        out_specs=pl.BlockSpec((_AT,), lambda i: (i,)),
        out_shape=jax.ShapeDtypeStruct((F,), jnp.float32),
    )(h_frontier, exp_W1, exp_b1, exp_w2)



_TM = 128
_ROWS = _TM * (K + 1)


def _edges_body(he_ref, rel_ref, nbr_ref, node_ref, type_ref,
                wih_ref, whh_ref, bih_ref, bhh_ref, relemb_ref, typeemb_ref,
                nw1_ref, nb1_ref, nw2_ref, msg_ref, dst_ref):
    he = he_ref[...]
    wih = wih_ref[...]
    bih = bih_ref[...]
    rel_gi = _dot_nt(relemb_ref[...], wih[:, :H])
    type_gi = _dot_nt(typeemb_ref[...], wih[:, H:])
    A = _dot_nt(he, whh_ref[...]) + bhh_ref[...][None, :]
    typ = type_ref[...]
    T4 = jnp.zeros((_TM, 3 * H), jnp.float32)
    for t in range(4):
        T4 = jnp.where(typ[:, None] == t, type_gi[t][None, :], T4)
    TB = T4 + bih[None, :]
    c_r = TB[:, :H] + A[:, :H]
    c_z = TB[:, H:2 * H] + A[:, H:2 * H]
    ti_n = TB[:, 2 * H:]
    h_n = A[:, 2 * H:]
    rg_r = rel_gi[:, :H][None, :, :]
    rg_z = rel_gi[:, H:2 * H][None, :, :]
    rg_n = rel_gi[:, 2 * H:][None, :, :]
    r_all = jax.nn.sigmoid(rg_r + c_r[:, None, :])
    z_all = jax.nn.sigmoid(rg_z + c_z[:, None, :])
    n_all = jnp.tanh(rg_n + ti_n[:, None, :] + r_all * h_n[:, None, :])
    g_all = (1.0 - z_all) * n_all + z_all * he[:, None, :]
    u = jax.nn.relu(
        _dot_nt(g_all.reshape(_TM * NUM_REL, H), nw1_ref[...])
        + nb1_ref[...][None, :])
    beta_all = jnp.sum(_bf(u) * _bf(nw2_ref[...])[None, :],
                       axis=1).reshape(_TM, NUM_REL)
    rel = rel_ref[...]
    beta = jnp.zeros((_TM, DEG), jnp.float32)
    for rr in range(NUM_REL):
        beta = jnp.where(rel == rr, beta_all[:, rr][:, None], beta)
    nbr = nbr_ref[...]
    iota_e = lax.broadcasted_iota(jnp.int32, (_TM, DEG), 1)
    bw = beta
    d_ks = []
    r_ks = []
    for _ in range(K):
        mx = jnp.max(bw, axis=1, keepdims=True)
        cand = jnp.where(bw == mx, iota_e, DEG)
        j = jnp.min(cand, axis=1)
        ohk = iota_e == j[:, None]
        d_ks.append(jnp.sum(jnp.where(ohk, nbr, 0), axis=1))
        r_ks.append(jnp.sum(jnp.where(ohk, rel, 0), axis=1))
        bw = jnp.where(ohk, -1e30, bw)
    dst_sel = jnp.stack(d_ks, axis=1)
    rel_sel = jnp.stack(r_ks, axis=1)
    g_sel = jnp.zeros((_TM, K, H), jnp.float32)
    for rr in range(NUM_REL):
        g_sel = jnp.where(rel_sel[:, :, None] == rr,
                          g_all[:, rr, :][:, None, :], g_sel)
    msg_ref[...] = jnp.concatenate(
        [jnp.exp(g_sel).reshape(_TM * K, H), jnp.exp(he)], axis=0)
    dst_ref[...] = dst_sel


def _edges(hE, relE, nbrE, nodeE, typeE, W_ih, W_hh, b_ih, b_hh,
           rel_emb, type_emb, nbr_W1, nbr_b1, nbr_w2):
    full2 = lambda i: (0, 0)
    full1 = lambda i: (0,)
    return pl.pallas_call(
        _edges_body,
        grid=(M // _TM,),
        in_specs=[
            pl.BlockSpec((_TM, H), lambda i: (i, 0)),
            pl.BlockSpec((_TM, DEG), lambda i: (i, 0)),
            pl.BlockSpec((_TM, DEG), lambda i: (i, 0)),
            pl.BlockSpec((_TM,), lambda i: (i,)),
            pl.BlockSpec((_TM,), lambda i: (i,)),
            pl.BlockSpec((3 * H, 2 * H), full2),
            pl.BlockSpec((3 * H, H), full2),
            pl.BlockSpec((3 * H,), full1),
            pl.BlockSpec((3 * H,), full1),
            pl.BlockSpec((NUM_REL, H), full2),
            pl.BlockSpec((4, H), full2),
            pl.BlockSpec((H, H), full2),
            pl.BlockSpec((H,), full1),
            pl.BlockSpec((H,), full1),
        ],
        out_specs=[
            pl.BlockSpec((_ROWS, H), lambda i: (i, 0)),
            pl.BlockSpec((_TM, K), lambda i: (i, 0)),
        ],
        out_shape=[
            jax.ShapeDtypeStruct((M * (K + 1), H), jnp.float32),
            jax.ShapeDtypeStruct((M, K), jnp.int32),
        ],
    )(hE, relE, nbrE, nodeE, typeE, W_ih, W_hh, b_ih, b_hh,
      rel_emb, type_emb, nbr_W1, nbr_b1, nbr_w2)



NMSG = M * (K + 1)
CH = 12672
SP_ROWS = 12800
NCHUNK = 8
PAD_ROWS = NCHUNK * CH
NROUND = 4
_B = 128
_PER_SUB = NMSG // 16
_NBLK = _PER_SUB // _B
_ZR = 80


def _scatter_body(msg_hbm, dst_hbm, zeros_hbm, out_hbm,
                  shared, idx_v, msg_v, zero_v):
    c = lax.axis_index("c")
    s = lax.axis_index("s")
    pltpu.sync_copy(zeros_hbm, zero_v)

    def rnd_body(rnd, carry):
        chunk = rnd * 2 + c
        base = chunk * CH

        def zfill(z, cr):
            pltpu.sync_copy(zero_v,
                            shared.at[pl.ds(s * 800 + z * _ZR, _ZR), :])
            return cr

        lax.fori_loop(0, 10, zfill, 0)
        plsc.subcore_barrier()

        def blk(b, cr):
            off = s * _PER_SUB + b * _B
            pltpu.sync_copy(dst_hbm.at[pl.ds(off, _B)], idx_v)
            pltpu.sync_copy(msg_hbm.at[pl.ds(off, _B), :], msg_v)
            for k in range(_B // 16):
                iv = idx_v[pl.ds(k * 16, 16)]
                loc = iv - base
                ok = (loc >= 0) & (loc < CH)
                idx_v[pl.ds(k * 16, 16)] = jnp.where(ok, loc, CH)
            pltpu.sync_copy(msg_v, shared.at[idx_v], add=True)
            return cr

        lax.fori_loop(0, _NBLK, blk, 0)
        plsc.subcore_barrier()
        pltpu.sync_copy(shared.at[pl.ds(s * 792, 792), :],
                        out_hbm.at[pl.ds(base + s * 792, 792), :])
        plsc.subcore_barrier()
        return carry

    lax.fori_loop(0, NROUND, rnd_body, 0)


def _scatter(msgs, dst, zeros):
    mesh = plsc.VectorSubcoreMesh(core_axis_name="c", subcore_axis_name="s")
    fn = functools.partial(
        pl.kernel,
        mesh=mesh,
        out_type=jax.ShapeDtypeStruct((PAD_ROWS, H), jnp.float32),
        scratch_types=[
            pltpu.VMEM_SHARED((SP_ROWS, H), jnp.float32),
            pltpu.VMEM((_B,), jnp.int32),
            pltpu.VMEM((_B, H), jnp.float32),
            pltpu.VMEM((_ZR, H), jnp.float32),
        ],
    )(_scatter_body)
    return fn(msgs, dst, zeros)



_LT = 2000


def _finalize_body(s_ref, out_ref):
    sv = s_ref[...]
    out_ref[...] = jnp.where(sv > 0.0, jnp.log(jnp.maximum(sv, 1e-38)), 0.0)


def _finalize(sums_padded):
    return pl.pallas_call(
        _finalize_body,
        grid=(NUM_NODES // _LT,),
        in_specs=[pl.BlockSpec((_LT, H), lambda i: (i, 0))],
        out_specs=pl.BlockSpec((_LT, H), lambda i: (i, 0)),
        out_shape=jax.ShapeDtypeStruct((NUM_NODES, H), jnp.float32),
    )(sums_padded)



def kernel(h_frontier, neighbor_ids, rel_ids, type_ids, frontier_node_ids,
           type_emb, rel_emb, W_ih, W_hh, b_ih, b_hh,
           exp_W1, exp_b1, exp_w2, exp_b2,
           nbr_W1, nbr_b1, nbr_w2, nbr_b2):
    alpha = _alpha(h_frontier, exp_W1, exp_b1, exp_w2)
    _, top_idx = jax.lax.top_k(alpha, M)
    hE = jnp.take(h_frontier, top_idx, axis=0)
    nbrE = jnp.take(neighbor_ids, top_idx, axis=0)
    relE = jnp.take(rel_ids, top_idx, axis=0)
    typeE = jnp.take(type_ids, top_idx, axis=0)
    nodeE = jnp.take(frontier_node_ids, top_idx, axis=0)
    msgs, dst_e = _edges(hE, relE, nbrE, nodeE, typeE, W_ih, W_hh, b_ih, b_hh,
                         rel_emb, type_emb, nbr_W1, nbr_b1, nbr_w2)
    dst = jnp.concatenate(
        [dst_e.reshape(M // _TM, _TM * K), nodeE.reshape(M // _TM, _TM)],
        axis=1).reshape(NMSG)
    zeros = jnp.zeros((_ZR, H), dtype=jnp.float32)
    sums = _scatter(msgs, dst, zeros)
    return _finalize(sums)

# --- scband reference (transcript-rebuilt; emitter-appended) ---
"""Pipeline reference for scband-sampled-propagator-12189117186388 (READ-ONLY COPY).

The authoritative reference and input builder live on the scoring server;
editing this copy changes nothing except your own understanding.
"""

import jax, jax.numpy as jnp
import numpy as np

HIDDEN = 128
NUM_NODES = 100000
NUM_REL = 12
F = 8192
DEG = 32
M = 2048
K = 16


def gru_cell(x, h, W_ih, W_hh, b_ih, b_hh):
    gi = x @ W_ih.T + b_ih
    gh = h @ W_hh.T + b_hh
    i_r, i_z, i_n = jnp.split(gi, 3, axis=-1)
    h_r, h_z, h_n = jnp.split(gh, 3, axis=-1)
    r = jax.nn.sigmoid(i_r + h_r)
    z = jax.nn.sigmoid(i_z + h_z)
    n = jnp.tanh(i_n + r * h_n)
    return (1.0 - z) * n + z * h


def setup_inputs(seed: int = 0) -> dict:
    key = jax.random.key(seed)
    ks = jax.random.split(key, 20)
    s = 1.0 / np.sqrt(HIDDEN)
    inp = {}
    inp["h_frontier"] = jax.random.normal(ks[0], (F, HIDDEN), dtype=jnp.float32)
    inp["neighbor_ids"] = jax.random.randint(ks[1], (F, DEG), 0, NUM_NODES)
    inp["rel_ids"] = jax.random.randint(ks[2], (F, DEG), 0, NUM_REL)
    inp["type_ids"] = jax.random.randint(ks[3], (F,), 0, 4)
    inp["frontier_node_ids"] = jax.random.randint(ks[4], (F,), 0, NUM_NODES)
    inp["type_emb"] = (jax.random.normal(ks[5], (4, HIDDEN), dtype=jnp.float32) * s)
    inp["rel_emb"] = (jax.random.normal(ks[6], (NUM_REL, HIDDEN), dtype=jnp.float32) * s)
    inp["W_ih"] = jax.random.normal(ks[7], (3 * HIDDEN, 2 * HIDDEN), dtype=jnp.float32) * s
    inp["W_hh"] = jax.random.normal(ks[8], (3 * HIDDEN, HIDDEN), dtype=jnp.float32) * s
    inp["b_ih"] = jnp.zeros((3 * HIDDEN,), dtype=jnp.float32)
    inp["b_hh"] = jnp.zeros((3 * HIDDEN,), dtype=jnp.float32)
    inp["exp_W1"] = jax.random.normal(ks[9], (HIDDEN, HIDDEN), dtype=jnp.float32) * s
    inp["exp_b1"] = jnp.zeros((HIDDEN,), dtype=jnp.float32)
    inp["exp_w2"] = jax.random.normal(ks[10], (HIDDEN,), dtype=jnp.float32) * s
    inp["exp_b2"] = jnp.zeros((), dtype=jnp.float32)
    inp["nbr_W1"] = jax.random.normal(ks[11], (HIDDEN, HIDDEN), dtype=jnp.float32) * s
    inp["nbr_b1"] = jnp.zeros((HIDDEN,), dtype=jnp.float32)
    inp["nbr_w2"] = jax.random.normal(ks[12], (HIDDEN,), dtype=jnp.float32) * s
    inp["nbr_b2"] = jnp.zeros((), dtype=jnp.float32)
    return inp


def reference(h_frontier, neighbor_ids, rel_ids, type_ids, frontier_node_ids,
              type_emb, rel_emb, W_ih, W_hh, b_ih, b_hh,
              exp_W1, exp_b1, exp_w2, exp_b2,
              nbr_W1, nbr_b1, nbr_w2, nbr_b2):
    # f_expand: score frontier, pick Top-M expanders
    alpha = jax.nn.relu(h_frontier @ exp_W1.T + exp_b1) @ exp_w2 + exp_b2  # [F]
    _, top_idx = jax.lax.top_k(alpha, M)
    hE = jnp.take(h_frontier, top_idx, axis=0)              # [M, d]
    nbrE = jnp.take(neighbor_ids, top_idx, axis=0)          # [M, DEG]
    relE = jnp.take(rel_ids, top_idx, axis=0)               # [M, DEG]
    typeE = jnp.take(type_ids, top_idx, axis=0)             # [M]
    nodeE = jnp.take(frontier_node_ids, top_idx, axis=0)    # [M]
    # edge-level GRU([rel_emb; type_emb], h_s)
    e_r = jnp.take(rel_emb, relE, axis=0)                   # [M, DEG, d]
    t_s = jnp.take(type_emb, typeE, axis=0)[:, None, :]     # [M, 1, d]
    t_s = jnp.broadcast_to(t_s, e_r.shape)                  # [M, DEG, d]
    x_in = jnp.concatenate([e_r, t_s], axis=-1).reshape(M * DEG, 2 * HIDDEN)
    h_rep = jnp.broadcast_to(hE[:, None, :], (M, DEG, HIDDEN)).reshape(M * DEG, HIDDEN)
    g = gru_cell(x_in, h_rep, W_ih, W_hh, b_ih, b_hh).reshape(M, DEG, HIDDEN)
    # f_neighbor: score edges, pick Top-K per expander
    beta = jax.nn.relu(g @ nbr_W1.T + nbr_b1) @ nbr_w2 + nbr_b2  # [M, DEG]
    _, k_idx = jax.lax.top_k(beta, K)                       # [M, K]
    g_sel = jnp.take_along_axis(g, k_idx[:, :, None], axis=1)  # [M, K, d]
    dst_sel = jnp.take_along_axis(nbrE, k_idx, axis=1)      # [M, K]
    # messages: selected edge messages + self-loop identity message h_s
    msgs = jnp.concatenate([g_sel.reshape(M * K, HIDDEN), hE], axis=0)
    seg = jnp.concatenate([dst_sel.reshape(-1), nodeE], axis=0)
    # logsumexp aggregation per destination node
    ones = jnp.ones((msgs.shape[0],), dtype=jnp.float32)
    counts = jax.ops.segment_sum(ones, seg, num_segments=NUM_NODES)  # [N]
    seg_max = jax.ops.segment_max(msgs, seg, num_segments=NUM_NODES)  # [N, d]
    has = (counts > 0)[:, None]
    seg_max_safe = jnp.where(has, seg_max, 0.0)
    shifted = jnp.exp(msgs - jnp.take(seg_max_safe, seg, axis=0))
    sums = jax.ops.segment_sum(shifted, seg, num_segments=NUM_NODES)
    sums_safe = jnp.where(has, sums, 1.0)
    out = jnp.where(has, seg_max_safe + jnp.log(sums_safe), 0.0)  # [N, d]
    return out

if __name__ == "__main__":
    import jax
    _d = setup_inputs()
    print(jax.jit(kernel)(*tuple(_d.values())))

</pallas_src>

<mosaic_0001>
#map = affine_map<(d0, d1) -> (0, 0)>
#map1 = affine_map<(d0, d1) -> (0)>
module attributes {stable_mosaic.version = 14 : i64} {
  func.func @_scatter_body(%arg0: i32, %arg1: i32, %arg2: memref<34816x128xf32, #tpu.memory_space<hbm>>, %arg3: memref<34816xi32, #tpu.memory_space<hbm>>, %arg4: memref<80x128xf32, #tpu.memory_space<hbm>>, %arg5: memref<101376x128xf32, #tpu.memory_space<hbm>>, %arg6: memref<12800x128xf32, #tpu.memory_space<vmem_shared>>, %arg7: memref<128xi32, #tpu.memory_space<vmem>>, %arg8: memref<128x128xf32, #tpu.memory_space<vmem>>, %arg9: memref<80x128xf32, #tpu.memory_space<vmem>>) attributes {dimension_semantics = [#tpu.dimension_semantics<core_parallel>, #tpu.dimension_semantics<subcore_parallel>], iteration_bounds = array<i64: 2, 16>, scalar_prefetch = 0 : i64, scratch_operands = 4 : i64, tpu.core_type = #tpu.core_type<sc_vector_subcore>, window_params = [{transform_indices = #map}, {transform_indices = #map1}, {transform_indices = #map}, {transform_indices = #map}]} {
    "tpu.region"() ({
      %run_scoped3A = tpu.sem_alloc : memref<!tpu.dma_semaphore, #tpu.memory_space<semaphore_mem>>
      tpu.enqueue_dma source(%arg4 : memref<80x128xf32, #tpu.memory_space<hbm>>) target(%arg9 : memref<80x128xf32, #tpu.memory_space<vmem>>) target_semaphore(%run_scoped3A : memref<!tpu.dma_semaphore, #tpu.memory_space<semaphore_mem>>)
      tpu.wait_dma2 semaphore(%run_scoped3A : memref<!tpu.dma_semaphore, #tpu.memory_space<semaphore_mem>>) src(%arg4 : memref<80x128xf32, #tpu.memory_space<hbm>>) dst(%arg9 : memref<80x128xf32, #tpu.memory_space<vmem>>)
      tpu.yield
    }) : () -> ()
    %scan3A = arith.constant 0 : i32
    %scan3A_0 = arith.constant 0 : i32
    %scan3A_1 = arith.constant 4 : i32
    %scan3A_2 = arith.addi %scan3A_0, %scan3A_1 : i32
    %scan3A_3 = arith.constant 1 : i32
    scf.for %scan3A_5 = %scan3A_0 to %scan3A_2 step %scan3A_3  : i32 {
      %mul3A = arith.constant 2 : i32
      %mul3A_6 = arith.muli %scan3A_5, %mul3A : i32
      %add3A = arith.addi %mul3A_6, %arg0 : i32
      %mul3A_7 = arith.constant 12672 : i32
      %mul3A_8 = arith.muli %add3A, %mul3A_7 : i32
      %scan3A_9 = arith.constant 0 : i32
      %scan3A_10 = arith.constant 0 : i32
      %scan3A_11 = arith.constant 10 : i32
      %scan3A_12 = arith.addi %scan3A_10, %scan3A_11 : i32
      %scan3A_13 = arith.constant 1 : i32
      scf.for %scan3A_28 = %scan3A_10 to %scan3A_12 step %scan3A_13  : i32 {
        %mul3A_29 = arith.constant 800 : i32
        %mul3A_30 = arith.muli %arg1, %mul3A_29 : i32
        %mul3A_31 = arith.constant 80 : i32
        %mul3A_32 = arith.muli %scan3A_28, %mul3A_31 : i32
        %add3A_33 = arith.addi %mul3A_30, %mul3A_32 : i32
        "tpu.region"() ({
          %run_scoped3A = tpu.sem_alloc : memref<!tpu.dma_semaphore, #tpu.memory_space<semaphore_mem>>
          %dma_start3A = arith.constant 0 : i32
          %dma_start3A_34 = tpu.memref_slice %arg6[%add3A_33, %dma_start3A] : memref<12800x128xf32, #tpu.memory_space<vmem_shared>> -> memref<80x128xf32, #tpu.memory_space<vmem_shared>>
          %dma_start3A_35 = arith.constant 0 : i32
          %dma_start3A_36 = tpu.memref_slice %arg6[%add3A_33, %dma_start3A_35] : memref<12800x128xf32, #tpu.memory_space<vmem_shared>> -> memref<80x128xf32, #tpu.memory_space<vmem_shared>>
          tpu.enqueue_dma source(%arg9 : memref<80x128xf32, #tpu.memory_space<vmem>>) target(%dma_start3A_36 : memref<80x128xf32, #tpu.memory_space<vmem_shared>>) target_semaphore(%run_scoped3A : memref<!tpu.dma_semaphore, #tpu.memory_space<semaphore_mem>>)
          %dma_wait3A = arith.constant 0 : i32
          %dma_wait3A_37 = tpu.memref_slice %arg6[%add3A_33, %dma_wait3A] : memref<12800x128xf32, #tpu.memory_space<vmem_shared>> -> memref<80x128xf32, #tpu.memory_space<vmem_shared>>
          %dma_wait3A_38 = arith.constant 0 : i32
          %dma_wait3A_39 = tpu.memref_slice %arg6[%add3A_33, %dma_wait3A_38] : memref<12800x128xf32, #tpu.memory_space<vmem_shared>> -> memref<80x128xf32, #tpu.memory_space<vmem_shared>>
          tpu.wait_dma2 semaphore(%run_scoped3A : memref<!tpu.dma_semaphore, #tpu.memory_space<semaphore_mem>>) src(%arg9 : memref<80x128xf32, #tpu.memory_space<vmem>>) dst(%dma_wait3A_39 : memref<80x128xf32, #tpu.memory_space<vmem_shared>>)
          tpu.yield
        }) : () -> ()
      }
      %scan3A_14 = arith.constant 10 : i32
      %barrier3A = arith.constant 0 : index
      tpu.barrier barrier_id(%barrier3A)
      %scan3A_15 = arith.constant 0 : i32
      %scan3A_16 = arith.constant 0 : i32
      %scan3A_17 = arith.constant 17 : i32
      %scan3A_18 = arith.addi %scan3A_16, %scan3A_17 : i32
      %scan3A_19 = arith.constant 1 : i32
      scf.for %scan3A_28 = %scan3A_16 to %scan3A_18 step %scan3A_19  : i32 {
        %mul3A_29 = arith.constant 2176 : i32
        %mul3A_30 = arith.muli %arg1, %mul3A_29 : i32
        %mul3A_31 = arith.constant 128 : i32
        %mul3A_32 = arith.muli %scan3A_28, %mul3A_31 : i32
        %add3A_33 = arith.addi %mul3A_30, %mul3A_32 : i32
        "tpu.region"() ({
          %run_scoped3A = tpu.sem_alloc : memref<!tpu.dma_semaphore, #tpu.memory_space<semaphore_mem>>
          %dma_start3A = tpu.memref_slice %arg3[%add3A_33] : memref<34816xi32, #tpu.memory_space<hbm>> -> memref<128xi32, #tpu.memory_space<hbm>>
          %dma_start3A_177 = tpu.memref_slice %arg3[%add3A_33] : memref<34816xi32, #tpu.memory_space<hbm>> -> memref<128xi32, #tpu.memory_space<hbm>>
          tpu.enqueue_dma source(%dma_start3A_177 : memref<128xi32, #tpu.memory_space<hbm>>) target(%arg7 : memref<128xi32, #tpu.memory_space<vmem>>) target_semaphore(%run_scoped3A : memref<!tpu.dma_semaphore, #tpu.memory_space<semaphore_mem>>)
          %dma_wait3A = tpu.memref_slice %arg3[%add3A_33] : memref<34816xi32, #tpu.memory_space<hbm>> -> memref<128xi32, #tpu.memory_space<hbm>>
          %dma_wait3A_178 = tpu.memref_slice %arg3[%add3A_33] : memref<34816xi32, #tpu.memory_space<hbm>> -> memref<128xi32, #tpu.memory_space<hbm>>
          tpu.wait_dma2 semaphore(%run_scoped3A : memref<!tpu.dma_semaphore, #tpu.memory_space<semaphore_mem>>) src(%dma_wait3A_178 : memref<128xi32, #tpu.memory_space<hbm>>) dst(%arg7 : memref<128xi32, #tpu.memory_space<vmem>>)
          tpu.yield
        }) : () -> ()
        "tpu.region"() ({
          %run_scoped3A = tpu.sem_alloc : memref<!tpu.dma_semaphore, #tpu.memory_space<semaphore_mem>>
          %dma_start3A = arith.constant 0 : i32
          %dma_start3A_177 = tpu.memref_slice %arg2[%add3A_33, %dma_start3A] : memref<34816x128xf32, #tpu.memory_space<hbm>> -> memref<128x128xf32, #tpu.memory_space<hbm>>
          %dma_start3A_178 = arith.constant 0 : i32
          %dma_start3A_179 = tpu.memref_slice %arg2[%add3A_33, %dma_start3A_178] : memref<34816x128xf32, #tpu.memory_space<hbm>> -> memref<128x128xf32, #tpu.memory_space<hbm>>
          tpu.enqueue_dma source(%dma_start3A_179 : memref<128x128xf32, #tpu.memory_space<hbm>>) target(%arg8 : memref<128x128xf32, #tpu.memory_space<vmem>>) target_semaphore(%run_scoped3A : memref<!tpu.dma_semaphore, #tpu.memory_space<semaphore_mem>>)
          %dma_wait3A = arith.constant 0 : i32
          %dma_wait3A_180 = tpu.memref_slice %arg2[%add3A_33, %dma_wait3A] : memref<34816x128xf32, #tpu.memory_space<hbm>> -> memref<128x128xf32, #tpu.memory_space<hbm>>
          %dma_wait3A_181 = arith.constant 0 : i32
          %dma_wait3A_182 = tpu.memref_slice %arg2[%add3A_33, %dma_wait3A_181] : memref<34816x128xf32, #tpu.memory_space<hbm>> -> memref<128x128xf32, #tpu.memory_space<hbm>>
          tpu.wait_dma2 semaphore(%run_scoped3A : memref<!tpu.dma_semaphore, #tpu.memory_space<semaphore_mem>>) src(%dma_wait3A_182 : memref<128x128xf32, #tpu.memory_space<hbm>>) dst(%arg8 : memref<128x128xf32, #tpu.memory_space<vmem>>)
          tpu.yield
        }) : () -> ()
        %get3A = arith.constant 0 : index
        %get3A_34 = tpu.vector_load %arg7[%get3A] {strides = array<i32>} : memref<128xi32, #tpu.memory_space<vmem>>, vector<16xi32>,
        %get3A_35 = vector.shape_cast %get3A_34 : vector<16xi32> to vector<16xi32>
        %sub3A = vector.broadcast %mul3A_8 : i32 to vector<16xi32>
        %sub3A_36 = arith.subi %get3A_35, %sub3A : vector<16xi32>
        %ge3A = arith.constant 0 : i32
        %ge3A_37 = vector.broadcast %ge3A : i32 to vector<16xi32>
        %ge3A_38 = arith.cmpi sge, %sub3A_36, %ge3A_37 : vector<16xi32>
        %lt3A = arith.constant 12672 : i32
        %lt3A_39 = vector.broadcast %lt3A : i32 to vector<16xi32>
        %lt3A_40 = arith.cmpi slt, %sub3A_36, %lt3A_39 : vector<16xi32>
        %and3A = arith.andi %ge3A_38, %lt3A_40 : vector<16xi1>
        %jit3A = arith.constant 12672 : i32
        %broadcast_in_dim3A = vector.broadcast %jit3A : i32 to vector<16xi32>
        %select_n3A = arith.select %and3A, %sub3A_36, %broadcast_in_dim3A : vector<16xi1>, vector<16xi32>
        %swap3A = arith.constant 0 : index
        %swap3A_41 = tpu.vector_load %arg7[%swap3A] {strides = array<i32>} : memref<128xi32, #tpu.memory_space<vmem>>, vector<16xi32>,
        %swap3A_42 = vector.shape_cast %swap3A_41 : vector<16xi32> to vector<16xi32>
        %swap3A_43 = vector.shape_cast %select_n3A : vector<16xi32> to vector<16xi32>
        tpu.vector_store %arg7[%swap3A], %swap3A_43 {strides = array<i32>} : memref<128xi32, #tpu.memory_space<vmem>>, vector<16xi32>,
        %get3A_44 = arith.constant 16 : index
        %get3A_45 = tpu.vector_load %arg7[%get3A_44] {strides = array<i32>} : memref<128xi32, #tpu.memory_space<vmem>>, vector<16xi32>,
        %get3A_46 = vector.shape_cast %get3A_45 : vector<16xi32> to vector<16xi32>
        %sub3A_47 = vector.broadcast %mul3A_8 : i32 to vector<16xi32>
        %sub3A_48 = arith.subi %get3A_46, %sub3A_47 : vector<16xi32>
        %ge3A_49 = arith.constant 0 : i32
        %ge3A_50 = vector.broadcast %ge3A_49 : i32 to vector<16xi32>
        %ge3A_51 = arith.cmpi sge, %sub3A_48, %ge3A_50 : vector<16xi32>
        %lt3A_52 = arith.constant 12672 : i32
        %lt3A_53 = vector.broadcast %lt3A_52 : i32 to vector<16xi32>
        %lt3A_54 = arith.cmpi slt, %sub3A_48, %lt3A_53 : vector<16xi32>
        %and3A_55 = arith.andi %ge3A_51, %lt3A_54 : vector<16xi1>
        %jit3A_56 = arith.constant 12672 : i32
        %broadcast_in_dim3A_57 = vector.broadcast %jit3A_56 : i32 to vector<16xi32>
        %select_n3A_58 = arith.select %and3A_55, %sub3A_48, %broadcast_in_dim3A_57 : vector<16xi1>, vector<16xi32>
        %swap3A_59 = arith.constant 16 : index
        %swap3A_60 = tpu.vector_load %arg7[%swap3A_59] {strides = array<i32>} : memref<128xi32, #tpu.memory_space<vmem>>, vector<16xi32>,
        %swap3A_61 = vector.shape_cast %swap3A_60 : vector<16xi32> to vector<16xi32>
        %swap3A_62 = vector.shape_cast %select_n3A_58 : vector<16xi32> to vector<16xi32>
        tpu.vector_store %arg7[%swap3A_59], %swap3A_62 {strides = array<i32>} : memref<128xi32, #tpu.memory_space<vmem>>, vector<16xi32>,
        %get3A_63 = arith.constant 32 : index
        %get3A_64 = tpu.vector_load %arg7[%get3A_63] {strides = array<i32>} : memref<128xi32, #tpu.memory_space<vmem>>, vector<16xi32>,
        %get3A_65 = vector.shape_cast %get3A_64 : vector<16xi32> to vector<16xi32>
        %sub3A_66 = vector.broadcast %mul3A_8 : i32 to vector<16xi32>
        %sub3A_67 = arith.subi %get3A_65, %sub3A_66 : vector<16xi32>
        %ge3A_68 = arith.constant 0 : i32
        %ge3A_69 = vector.broadcast %ge3A_68 : i32 to vector<16xi32>
        %ge3A_70 = arith.cmpi sge, %sub3A_67, %ge3A_69 : vector<16xi32>
        %lt3A_71 = arith.constant 12672 : i32
        %lt3A_72 = vector.broadcast %lt3A_71 : i32 to vector<16xi32>
        %lt3A_73 = arith.cmpi slt, %sub3A_67, %lt3A_72 : vector<16xi32>
        %and3A_74 = arith.andi %ge3A_70, %lt3A_73 : vector<16xi1>
        %jit3A_75 = arith.constant 12672 : i32
        %broadcast_in_dim3A_76 = vector.broadcast %jit3A_75 : i32 to vector<16xi32>
        %select_n3A_77 = arith.select %and3A_74, %sub3A_67, %broadcast_in_dim3A_76 : vector<16xi1>, vector<16xi32>
        %swap3A_78 = arith.constant 32 : index
        %swap3A_79 = tpu.vector_load %arg7[%swap3A_78] {strides = array<i32>} : memref<128xi32, #tpu.memory_space<vmem>>, vector<16xi32>,
        %swap3A_80 = vector.shape_cast %swap3A_79 : vector<16xi32> to vector<16xi32>
        %swap3A_81 = vector.shape_cast %select_n3A_77 : vector<16xi32> to vector<16xi32>
        tpu.vector_store %arg7[%swap3A_78], %swap3A_81 {strides = array<i32>} : memref<128xi32, #tpu.memory_space<vmem>>, vector<16xi32>,
        %get3A_82 = arith.constant 48 : index
        %get3A_83 = tpu.vector_load %arg7[%get3A_82] {strides = array<i32>} : memref<128xi32, #tpu.memory_space<vmem>>, vector<16xi32>,
        %get3A_84 = vector.shape_cast %get3A_83 : vector<16xi32> to vector<16xi32>
        %sub3A_85 = vector.broadcast %mul3A_8 : i32 to vector<16xi32>
        %sub3A_86 = arith.subi %get3A_84, %sub3A_85 : vector<16xi32>
        %ge3A_87 = arith.constant 0 : i32
        %ge3A_88 = vector.broadcast %ge3A_87 : i32 to vector<16xi32>
        %ge3A_89 = arith.cmpi sge, %sub3A_86, %ge3A_88 : vector<16xi32>
        %lt3A_90 = arith.constant 12672 : i32
        %lt3A_91 = vector.broadcast %lt3A_90 : i32 to vector<16xi32>
        %lt3A_92 = arith.cmpi slt, %sub3A_86, %lt3A_91 : vector<16xi32>
        %and3A_93 = arith.andi %ge3A_89, %lt3A_92 : vector<16xi1>
        %jit3A_94 = arith.constant 12672 : i32
        %broadcast_in_dim3A_95 = vector.broadcast %jit3A_94 : i32 to vector<16xi32>
        %select_n3A_96 = arith.select %and3A_93, %sub3A_86, %broadcast_in_dim3A_95 : vector<16xi1>, vector<16xi32>
        %swap3A_97 = arith.constant 48 : index
        %swap3A_98 = tpu.vector_load %arg7[%swap3A_97] {strides = array<i32>} : memref<128xi32, #tpu.memory_space<vmem>>, vector<16xi32>,
        %swap3A_99 = vector.shape_cast %swap3A_98 : vector<16xi32> to vector<16xi32>
        %swap3A_100 = vector.shape_cast %select_n3A_96 : vector<16xi32> to vector<16xi32>
        tpu.vector_store %arg7[%swap3A_97], %swap3A_100 {strides = array<i32>} : memref<128xi32, #tpu.memory_space<vmem>>, vector<16xi32>,
        %get3A_101 = arith.constant 64 : index
        %get3A_102 = tpu.vector_load %arg7[%get3A_101] {strides = array<i32>} : memref<128xi32, #tpu.memory_space<vmem>>, vector<16xi32>,
        %get3A_103 = vector.shape_cast %get3A_102 : vector<16xi32> to vector<16xi32>
        %sub3A_104 = vector.broadcast %mul3A_8 : i32 to vector<16xi32>
        %sub3A_105 = arith.subi %get3A_103, %sub3A_104 : vector<16xi32>
        %ge3A_106 = arith.constant 0 : i32
        %ge3A_107 = vector.broadcast %ge3A_106 : i32 to vector<16xi32>
        %ge3A_108 = arith.cmpi sge, %sub3A_105, %ge3A_107 : vector<16xi32>
        %lt3A_109 = arith.constant 12672 : i32
        %lt3A_110 = vector.broadcast %lt3A_109 : i32 to vector<16xi32>
        %lt3A_111 = arith.cmpi slt, %sub3A_105, %lt3A_110 : vector<16xi32>
        %and3A_112 = arith.andi %ge3A_108, %lt3A_111 : vector<16xi1>
        %jit3A_113 = arith.constant 12672 : i32
        %broadcast_in_dim3A_114 = vector.broadcast %jit3A_113 : i32 to vector<16xi32>
        %select_n3A_115 = arith.select %and3A_112, %sub3A_105, %broadcast_in_dim3A_114 : vector<16xi1>, vector<16xi32>
        %swap3A_116 = arith.constant 64 : index
        %swap3A_117 = tpu.vector_load %arg7[%swap3A_116] {strides = array<i32>} : memref<128xi32, #tpu.memory_space<vmem>>, vector<16xi32>,
        %swap3A_118 = vector.shape_cast %swap3A_117 : vector<16xi32> to vector<16xi32>
        %swap3A_119 = vector.shape_cast %select_n3A_115 : vector<16xi32> to vector<16xi32>
        tpu.vector_store %arg7[%swap3A_116], %swap3A_119 {strides = array<i32>} : memref<128xi32, #tpu.memory_space<vmem>>, vector<16xi32>,
        %get3A_120 = arith.constant 80 : index
        %get3A_121 = tpu.vector_load %arg7[%get3A_120] {strides = array<i32>} : memref<128xi32, #tpu.memory_space<vmem>>, vector<16xi32>,
        %get3A_122 = vector.shape_cast %get3A_121 : vector<16xi32> to vector<16xi32>
        %sub3A_123 = vector.broadcast %mul3A_8 : i32 to vector<16xi32>
        %sub3A_124 = arith.subi %get3A_122, %sub3A_123 : vector<16xi32>
        %ge3A_125 = arith.constant 0 : i32
        %ge3A_126 = vector.broadcast %ge3A_125 : i32 to vector<16xi32>
        %ge3A_127 = arith.cmpi sge, %sub3A_124, %ge3A_126 : vector<16xi32>
        %lt3A_128 = arith.constant 12672 : i32
        %lt3A_129 = vector.broadcast %lt3A_128 : i32 to vector<16xi32>
        %lt3A_130 = arith.cmpi slt, %sub3A_124, %lt3A_129 : vector<16xi32>
        %and3A_131 = arith.andi %ge3A_127, %lt3A_130 : vector<16xi1>
        %jit3A_132 = arith.constant 12672 : i32
        %broadcast_in_dim3A_133 = vector.broadcast %jit3A_132 : i32 to vector<16xi32>
        %select_n3A_134 = arith.select %and3A_131, %sub3A_124, %broadcast_in_dim3A_133 : vector<16xi1>, vector<16xi32>
        %swap3A_135 = arith.constant 80 : index
        %swap3A_136 = tpu.vector_load %arg7[%swap3A_135] {strides = array<i32>} : memref<128xi32, #tpu.memory_space<vmem>>, vector<16xi32>,
        %swap3A_137 = vector.shape_cast %swap3A_136 : vector<16xi32> to vector<16xi32>
        %swap3A_138 = vector.shape_cast %select_n3A_134 : vector<16xi32> to vector<16xi32>
        tpu.vector_store %arg7[%swap3A_135], %swap3A_138 {strides = array<i32>} : memref<128xi32, #tpu.memory_space<vmem>>, vector<16xi32>,
        %get3A_139 = arith.constant 96 : index
        %get3A_140 = tpu.vector_load %arg7[%get3A_139] {strides = array<i32>} : memref<128xi32, #tpu.memory_space<vmem>>, vector<16xi32>,
        %get3A_141 = vector.shape_cast %get3A_140 : vector<16xi32> to vector<16xi32>
        %sub3A_142 = vector.broadcast %mul3A_8 : i32 to vector<16xi32>
        %sub3A_143 = arith.subi %get3A_141, %sub3A_142 : vector<16xi32>
        %ge3A_144 = arith.constant 0 : i32
        %ge3A_145 = vector.broadcast %ge3A_144 : i32 to vector<16xi32>
        %ge3A_146 = arith.cmpi sge, %sub3A_143, %ge3A_145 : vector<16xi32>
        %lt3A_147 = arith.constant 12672 : i32
        %lt3A_148 = vector.broadcast %lt3A_147 : i32 to vector<16xi32>
        %lt3A_149 = arith.cmpi slt, %sub3A_143, %lt3A_148 : vector<16xi32>
        %and3A_150 = arith.andi %ge3A_146, %lt3A_149 : vector<16xi1>
        %jit3A_151 = arith.constant 12672 : i32
        %broadcast_in_dim3A_152 = vector.broadcast %jit3A_151 : i32 to vector<16xi32>
        %select_n3A_153 = arith.select %and3A_150, %sub3A_143, %broadcast_in_dim3A_152 : vector<16xi1>, vector<16xi32>
        %swap3A_154 = arith.constant 96 : index
        %swap3A_155 = tpu.vector_load %arg7[%swap3A_154] {strides = array<i32>} : memref<128xi32, #tpu.memory_space<vmem>>, vector<16xi32>,
        %swap3A_156 = vector.shape_cast %swap3A_155 : vector<16xi32> to vector<16xi32>
        %swap3A_157 = vector.shape_cast %select_n3A_153 : vector<16xi32> to vector<16xi32>
        tpu.vector_store %arg7[%swap3A_154], %swap3A_157 {strides = array<i32>} : memref<128xi32, #tpu.memory_space<vmem>>, vector<16xi32>,
        %get3A_158 = arith.constant 112 : index
        %get3A_159 = tpu.vector_load %arg7[%get3A_158] {strides = array<i32>} : memref<128xi32, #tpu.memory_space<vmem>>, vector<16xi32>,
        %get3A_160 = vector.shape_cast %get3A_159 : vector<16xi32> to vector<16xi32>
        %sub3A_161 = vector.broadcast %mul3A_8 : i32 to vector<16xi32>
        %sub3A_162 = arith.subi %get3A_160, %sub3A_161 : vector<16xi32>
        %ge3A_163 = arith.constant 0 : i32
        %ge3A_164 = vector.broadcast %ge3A_163 : i32 to vector<16xi32>
        %ge3A_165 = arith.cmpi sge, %sub3A_162, %ge3A_164 : vector<16xi32>
        %lt3A_166 = arith.constant 12672 : i32
        %lt3A_167 = vector.broadcast %lt3A_166 : i32 to vector<16xi32>
        %lt3A_168 = arith.cmpi slt, %sub3A_162, %lt3A_167 : vector<16xi32>
        %and3A_169 = arith.andi %ge3A_165, %lt3A_168 : vector<16xi1>
        %jit3A_170 = arith.constant 12672 : i32
        %broadcast_in_dim3A_171 = vector.broadcast %jit3A_170 : i32 to vector<16xi32>
        %select_n3A_172 = arith.select %and3A_169, %sub3A_162, %broadcast_in_dim3A_171 : vector<16xi1>, vector<16xi32>
        %swap3A_173 = arith.constant 112 : index
        %swap3A_174 = tpu.vector_load %arg7[%swap3A_173] {strides = array<i32>} : memref<128xi32, #tpu.memory_space<vmem>>, vector<16xi32>,
        %swap3A_175 = vector.shape_cast %swap3A_174 : vector<16xi32> to vector<16xi32>
        %swap3A_176 = vector.shape_cast %select_n3A_172 : vector<16xi32> to vector<16xi32>
        tpu.vector_store %arg7[%swap3A_173], %swap3A_176 {strides = array<i32>} : memref<128xi32, #tpu.memory_space<vmem>>, vector<16xi32>,
        "tpu.region"() ({
          %run_scoped3A = tpu.sem_alloc : memref<!tpu.dma_semaphore, #tpu.memory_space<semaphore_mem>>
          %dma_start3A = arith.constant 0 : i32
          %dma_start3A_177 = arith.constant 0 : i32
          %dma_start3A_178 = tpu.memref_slice %arg6[%dma_start3A, %dma_start3A_177] : memref<12800x128xf32, #tpu.memory_space<vmem_shared>> -> memref<12800x128xf32, #tpu.memory_space<vmem_shared>>
          tpu.enqueue_indirect_dma source(%arg8 : memref<128x128xf32, #tpu.memory_space<vmem>>) target(%dma_start3A_178 : memref<12800x128xf32, #tpu.memory_space<vmem_shared>>) offsets(%arg7 : memref<128xi32, #tpu.memory_space<vmem>>) semaphore(%run_scoped3A : memref<!tpu.dma_semaphore, #tpu.memory_space<semaphore_mem>>) {add = true}
          %dma_wait3A = arith.constant 0 : i32
          %dma_wait3A_179 = arith.constant 0 : i32
          %dma_wait3A_180 = tpu.memref_slice %arg6[%dma_wait3A, %dma_wait3A_179] : memref<12800x128xf32, #tpu.memory_space<vmem_shared>> -> memref<12800x128xf32, #tpu.memory_space<vmem_shared>>
          tpu.wait_indirect_dma semaphore(%run_scoped3A : memref<!tpu.dma_semaphore, #tpu.memory_space<semaphore_mem>>) src(%arg8 : memref<128x128xf32, #tpu.memory_space<vmem>>) dst(%dma_wait3A_180 : memref<12800x128xf32, #tpu.memory_space<vmem_shared>>)
          tpu.yield
        }) : () -> ()
      }
      %scan3A_20 = arith.constant 17 : i32
      %barrier3A_21 = arith.constant 0 : index
      tpu.barrier barrier_id(%barrier3A_21)
      %mul3A_22 = arith.constant 792 : i32
      %mul3A_23 = arith.muli %arg1, %mul3A_22 : i32
      %mul3A_24 = arith.constant 792 : i32
      %mul3A_25 = arith.muli %arg1, %mul3A_24 : i32
      %add3A_26 = arith.addi %mul3A_8, %mul3A_25 : i32
      "tpu.region"() ({
        %run_scoped3A = tpu.sem_alloc : memref<!tpu.dma_semaphore, #tpu.memory_space<semaphore_mem>>
        %dma_start3A = arith.constant 0 : i32
        %dma_start3A_28 = tpu.memref_slice %arg5[%add3A_26, %dma_start3A] : memref<101376x128xf32, #tpu.memory_space<hbm>> -> memref<792x128xf32, #tpu.memory_space<hbm>>
        %dma_start3A_29 = arith.constant 0 : i32
        %dma_start3A_30 = tpu.memref_slice %arg6[%mul3A_23, %dma_start3A_29] : memref<12800x128xf32, #tpu.memory_space<vmem_shared>> -> memref<792x128xf32, #tpu.memory_space<vmem_shared>>
        tpu.enqueue_dma source(%dma_start3A_30 : memref<792x128xf32, #tpu.memory_space<vmem_shared>>) target(%dma_start3A_28 : memref<792x128xf32, #tpu.memory_space<hbm>>) target_semaphore(%run_scoped3A : memref<!tpu.dma_semaphore, #tpu.memory_space<semaphore_mem>>)
        %dma_wait3A = arith.constant 0 : i32
        %dma_wait3A_31 = tpu.memref_slice %arg5[%add3A_26, %dma_wait3A] : memref<101376x128xf32, #tpu.memory_space<hbm>> -> memref<792x128xf32, #tpu.memory_space<hbm>>
        %dma_wait3A_32 = arith.constant 0 : i32
        %dma_wait3A_33 = tpu.memref_slice %arg6[%mul3A_23, %dma_wait3A_32] : memref<12800x128xf32, #tpu.memory_space<vmem_shared>> -> memref<792x128xf32, #tpu.memory_space<vmem_shared>>
        tpu.wait_dma2 semaphore(%run_scoped3A : memref<!tpu.dma_semaphore, #tpu.memory_space<semaphore_mem>>) src(%dma_wait3A_33 : memref<792x128xf32, #tpu.memory_space<vmem_shared>>) dst(%dma_wait3A_31 : memref<792x128xf32, #tpu.memory_space<hbm>>)
        tpu.yield
      }) : () -> ()
      %barrier3A_27 = arith.constant 0 : index
      tpu.barrier barrier_id(%barrier3A_27)
    }
    %scan3A_4 = arith.constant 4 : i32
    return
  }
}

module attributes {stable_mosaic.version = 14 : i64} {
  func.func @_alpha_body(%arg0: i32, %arg1: memref<2048x128xf32, #tpu.memory_space<vmem>>, %arg2: memref<128x128xf32, #tpu.memory_space<vmem>>, %arg3: memref<128xf32, #tpu.memory_space<vmem>>, %arg4: memref<128xf32, #tpu.memory_space<vmem>>, %arg5: memref<2048xf32, #tpu.memory_space<vmem>>) attributes {dimension_semantics = [#tpu.dimension_semantics<arbitrary>], iteration_bounds = array<i64: 4>, scalar_prefetch = 0 : i64, scratch_operands = 0 : i64, tpu.core_type = #tpu.core_type<tc>, window_params = [{transform_indices = @transform_0, window_bounds = array<i64: 2048, 128>}, {pipeline_mode = #tpu.pipeline_mode<synchronous>, transform_indices = @transform_1, window_bounds = array<i64: 128, 128>}, {pipeline_mode = #tpu.pipeline_mode<synchronous>, transform_indices = @transform_2, window_bounds = array<i64: 128>}, {pipeline_mode = #tpu.pipeline_mode<synchronous>, transform_indices = @transform_3, window_bounds = array<i64: 128>}, {transform_indices = @transform_4, window_bounds = array<i64: 2048>}]} {
    %get3A = arith.constant 0 : index
    %get3A_0 = arith.constant 0 : index
    %get3A_1 = vector.load %arg1[%get3A, %get3A_0] : memref<2048x128xf32, #tpu.memory_space<vmem>>, vector<2048x128xf32>
    %get3A_2 = arith.constant 0 : index
    %get3A_3 = arith.constant 0 : index
    %get3A_4 = vector.load %arg2[%get3A_2, %get3A_3] : memref<128x128xf32, #tpu.memory_space<vmem>>, vector<128x128xf32>
    %convert_element_type3A = arith.truncf %get3A_1 : vector<2048x128xf32> to vector<2048x128xbf16>
    %convert_element_type3A_5 = arith.truncf %get3A_4 : vector<128x128xf32> to vector<128x128xbf16>
    %dot_general3A = arith.constant dense<0.000000e+00> : vector<2048x128xf32>
    %dot_general3A_6 = tpu.matmul %convert_element_type3A, %convert_element_type3A_5, %dot_general3A {dimension_numbers = #tpu.dot_dimension_numbers<[1], [1], [0], [0], [0, 0, 1, 0], [], []>, transpose_lhs_hint = false} : vector<2048x128xbf16>, vector<128x128xbf16>, vector<2048x128xf32> -> vector<2048x128xf32>
    %get3A_7 = arith.constant 0 : index
    %get3A_8 = vector.load %arg3[%get3A_7] : memref<128xf32, #tpu.memory_space<vmem>>, vector<128xf32>
    %broadcast_in_dim3A = vector.shape_cast %get3A_8 : vector<128xf32> to vector<1x128xf32>
    %add3A = vector.broadcast %broadcast_in_dim3A : vector<1x128xf32> to vector<2048x128xf32>
    %add3A_9 = arith.addf %dot_general3A_6, %add3A : vector<2048x128xf32>
    %max3A = arith.constant 0.000000e+00 : f32
    %max3A_10 = vector.broadcast %max3A : f32 to vector<2048x128xf32>
    %max3A_11 = arith.maximumf %add3A_9, %max3A_10 : vector<2048x128xf32>
    %convert_element_type3A_12 = arith.truncf %max3A_11 : vector<2048x128xf32> to vector<2048x128xbf16>
    %convert_element_type3A_13 = arith.extf %convert_element_type3A_12 : vector<2048x128xbf16> to vector<2048x128xf32>
    %get3A_14 = arith.constant 0 : index
    %get3A_15 = vector.load %arg4[%get3A_14] : memref<128xf32, #tpu.memory_space<vmem>>, vector<128xf32>
    %convert_element_type3A_16 = arith.truncf %get3A_15 : vector<128xf32> to vector<128xbf16>
    %convert_element_type3A_17 = arith.extf %convert_element_type3A_16 : vector<128xbf16> to vector<128xf32>
    %broadcast_in_dim3A_18 = vector.shape_cast %convert_element_type3A_17 : vector<128xf32> to vector<1x128xf32>
    %mul3A = vector.broadcast %broadcast_in_dim3A_18 : vector<1x128xf32> to vector<2048x128xf32>
    %mul3A_19 = arith.mulf %convert_element_type3A_13, %mul3A : vector<2048x128xf32>
    %reduce_sum3A = arith.constant dense<0.000000e+00> : vector<2048xf32>
    %reduce_sum3A_20 = vector.multi_reduction <add>, %mul3A_19, %reduce_sum3A [1] : vector<2048x128xf32> to vector<2048xf32>
    %swap3A = arith.constant 0 : index
    %swap3A_21 = vector.load %arg5[%swap3A] : memref<2048xf32, #tpu.memory_space<vmem>>, vector<2048xf32>
    tpu.vector_store %arg5[%swap3A], %reduce_sum3A_20 {strides = array<i32>} : memref<2048xf32, #tpu.memory_space<vmem>>, vector<2048xf32>,
    return
  }
  func.func @transform_0(%arg0: i32) -> (i32, i32) {
    %c0_i32 = arith.constant 0 : i32
    %c0_i32_0 = arith.constant 0 : i32
    return %arg0, %c0_i32 : i32, i32
  }
  func.func @transform_1(%arg0: i32) -> (i32, i32) {
    %c0_i32 = arith.constant 0 : i32
    %c0_i32_0 = arith.constant 0 : i32
    %c0_i32_1 = arith.constant 0 : i32
    return %c0_i32, %c0_i32_0 : i32, i32
  }
  func.func @transform_2(%arg0: i32) -> i32 {
    %c0_i32 = arith.constant 0 : i32
    %c0_i32_0 = arith.constant 0 : i32
    return %c0_i32 : i32
  }
  func.func @transform_3(%arg0: i32) -> i32 {
    %c0_i32 = arith.constant 0 : i32
    %c0_i32_0 = arith.constant 0 : i32
    return %c0_i32 : i32
  }
  func.func @transform_4(%arg0: i32) -> i32 {
    %c0_i32 = arith.constant 0 : i32
    return %arg0 : i32
  }
}

module attributes {stable_mosaic.version = 14 : i64} {
  func.func @_edges_body(%arg0: i32, %arg1: memref<128x128xf32, #tpu.memory_space<vmem>>, %arg2: memref<128x32xi32, #tpu.memory_space<vmem>>, %arg3: memref<128x32xi32, #tpu.memory_space<vmem>>, %arg4: memref<128xi32, #tpu.memory_space<vmem>>, %arg5: memref<128xi32, #tpu.memory_space<vmem>>, %arg6: memref<384x256xf32, #tpu.memory_space<vmem>>, %arg7: memref<384x128xf32, #tpu.memory_space<vmem>>, %arg8: memref<384xf32, #tpu.memory_space<vmem>>, %arg9: memref<384xf32, #tpu.memory_space<vmem>>, %arg10: memref<12x128xf32, #tpu.memory_space<vmem>>, %arg11: memref<4x128xf32, #tpu.memory_space<vmem>>, %arg12: memref<128x128xf32, #tpu.memory_space<vmem>>, %arg13: memref<128xf32, #tpu.memory_space<vmem>>, %arg14: memref<128xf32, #tpu.memory_space<vmem>>, %arg15: memref<2176x128xf32, #tpu.memory_space<vmem>>, %arg16: memref<128x16xi32, #tpu.memory_space<vmem>>) attributes {dimension_semantics = [#tpu.dimension_semantics<arbitrary>], iteration_bounds = array<i64: 16>, scalar_prefetch = 0 : i64, scratch_operands = 0 : i64, tpu.core_type = #tpu.core_type<tc>, window_params = [{transform_indices = @transform_0, window_bounds = array<i64: 128, 128>}, {transform_indices = @transform_1, window_bounds = array<i64: 128, 32>}, {transform_indices = @transform_2, window_bounds = array<i64: 128, 32>}, {transform_indices = @transform_3, window_bounds = array<i64: 128>}, {transform_indices = @transform_4, window_bounds = array<i64: 128>}, {pipeline_mode = #tpu.pipeline_mode<synchronous>, transform_indices = @transform_5, window_bounds = array<i64: 384, 256>}, {pipeline_mode = #tpu.pipeline_mode<synchronous>, transform_indices = @transform_6, window_bounds = array<i64: 384, 128>}, {pipeline_mode = #tpu.pipeline_mode<synchronous>, transform_indices = @transform_7, window_bounds = array<i64: 384>}, {pipeline_mode = #tpu.pipeline_mode<synchronous>, transform_indices = @transform_8, window_bounds = array<i64: 384>}, {pipeline_mode = #tpu.pipeline_mode<synchronous>, transform_indices = @transform_9, window_bounds = array<i64: 12, 128>}, {pipeline_mode = #tpu.pipeline_mode<synchronous>, transform_indices = @transform_10, window_bounds = array<i64: 4, 128>}, {pipeline_mode = #tpu.pipeline_mode<synchronous>, transform_indices = @transform_11, window_bounds = array<i64: 128, 128>}, {pipeline_mode = #tpu.pipeline_mode<synchronous>, transform_indices = @transform_12, window_bounds = array<i64: 128>}, {pipeline_mode = #tpu.pipeline_mode<synchronous>, transform_indices = @transform_13, window_bounds = array<i64: 128>}, {transform_indices = @transform_14, window_bounds = array<i64: 2176, 128>}, {transform_indices = @transform_15, window_bounds = array<i64: 128, 16>}]} {
    %get3A = arith.constant 0 : index
    %get3A_0 = arith.constant 0 : index
    %get3A_1 = vector.load %arg1[%get3A, %get3A_0] : memref<128x128xf32, #tpu.memory_space<vmem>>, vector<128x128xf32>
    %get3A_2 = arith.constant 0 : index
    %get3A_3 = arith.constant 0 : index
    %get3A_4 = vector.load %arg6[%get3A_2, %get3A_3] : memref<384x256xf32, #tpu.memory_space<vmem>>, vector<384x256xf32>
    %get3A_5 = arith.constant 0 : index
    %get3A_6 = vector.load %arg8[%get3A_5] : memref<384xf32, #tpu.memory_space<vmem>>, vector<384xf32>
    %get3A_7 = arith.constant 0 : index
    %get3A_8 = arith.constant 0 : index
    %get3A_9 = vector.load %arg10[%get3A_7, %get3A_8] : memref<12x128xf32, #tpu.memory_space<vmem>>, vector<12x128xf32>
    %slice3A = vector.extract_strided_slice %get3A_4 {offsets = [0, 0], sizes = [384, 128], strides = [1, 1]} : vector<384x256xf32> to vector<384x128xf32>
    %convert_element_type3A = arith.truncf %get3A_9 : vector<12x128xf32> to vector<12x128xbf16>
    %convert_element_type3A_10 = arith.truncf %slice3A : vector<384x128xf32> to vector<384x128xbf16>
    %dot_general3A = arith.constant dense<0.000000e+00> : vector<12x384xf32>
    %dot_general3A_11 = tpu.matmul %convert_element_type3A, %convert_element_type3A_10, %dot_general3A {dimension_numbers = #tpu.dot_dimension_numbers<[1], [1], [0], [0], [0, 0, 1, 0], [], []>, transpose_lhs_hint = false} : vector<12x128xbf16>, vector<384x128xbf16>, vector<12x384xf32> -> vector<12x384xf32>
    %get3A_12 = arith.constant 0 : index
    %get3A_13 = arith.constant 0 : index
    %get3A_14 = vector.load %arg11[%get3A_12, %get3A_13] : memref<4x128xf32, #tpu.memory_space<vmem>>, vector<4x128xf32>
    %slice3A_15 = vector.extract_strided_slice %get3A_4 {offsets = [0, 128], sizes = [384, 128], strides = [1, 1]} : vector<384x256xf32> to vector<384x128xf32>
    %convert_element_type3A_16 = arith.truncf %get3A_14 : vector<4x128xf32> to vector<4x128xbf16>
    %convert_element_type3A_17 = arith.truncf %slice3A_15 : vector<384x128xf32> to vector<384x128xbf16>
    %dot_general3A_18 = arith.constant dense<0.000000e+00> : vector<4x384xf32>
    %dot_general3A_19 = tpu.matmul %convert_element_type3A_16, %convert_element_type3A_17, %dot_general3A_18 {dimension_numbers = #tpu.dot_dimension_numbers<[1], [1], [0], [0], [0, 0, 1, 0], [], []>, transpose_lhs_hint = false} : vector<4x128xbf16>, vector<384x128xbf16>, vector<4x384xf32> -> vector<4x384xf32>
    %get3A_20 = arith.constant 0 : index
    %get3A_21 = arith.constant 0 : index
    %get3A_22 = vector.load %arg7[%get3A_20, %get3A_21] : memref<384x128xf32, #tpu.memory_space<vmem>>, vector<384x128xf32>
    %convert_element_type3A_23 = arith.truncf %get3A_1 : vector<128x128xf32> to vector<128x128xbf16>
    %convert_element_type3A_24 = arith.truncf %get3A_22 : vector<384x128xf32> to vector<384x128xbf16>
    %dot_general3A_25 = arith.constant dense<0.000000e+00> : vector<128x384xf32>
    %dot_general3A_26 = tpu.matmul %convert_element_type3A_23, %convert_element_type3A_24, %dot_general3A_25 {dimension_numbers = #tpu.dot_dimension_numbers<[1], [1], [0], [0], [0, 0, 1, 0], [], []>, transpose_lhs_hint = false} : vector<128x128xbf16>, vector<384x128xbf16>, vector<128x384xf32> -> vector<128x384xf32>
    %get3A_27 = arith.constant 0 : index
    %get3A_28 = vector.load %arg9[%get3A_27] : memref<384xf32, #tpu.memory_space<vmem>>, vector<384xf32>
    %broadcast_in_dim3A = vector.shape_cast %get3A_28 : vector<384xf32> to vector<1x384xf32>
    %add3A = vector.broadcast %broadcast_in_dim3A : vector<1x384xf32> to vector<128x384xf32>
    %add3A_29 = arith.addf %dot_general3A_26, %add3A : vector<128x384xf32>
    %get3A_30 = arith.constant 0 : index
    %get3A_31 = vector.load %arg5[%get3A_30] : memref<128xi32, #tpu.memory_space<vmem>>, vector<128xi32>
    %broadcast_in_dim3A_32 = arith.constant 0.000000e+00 : f32
    %broadcast_in_dim3A_33 = vector.broadcast %broadcast_in_dim3A_32 : f32 to vector<128x384xf32>
    %broadcast_in_dim3A_34 = vector.shape_cast %get3A_31 : vector<128xi32> to vector<128x1xi32>
    %eq3A = arith.constant 0 : i32
    %eq3A_35 = vector.broadcast %eq3A : i32 to vector<128x1xi32>
    %eq3A_36 = arith.cmpi eq, %broadcast_in_dim3A_34, %eq3A_35 : vector<128x1xi32>
    %slice3A_37 = vector.extract_strided_slice %dot_general3A_19 {offsets = [0, 0], sizes = [1, 384], strides = [1, 1]} : vector<4x384xf32> to vector<1x384xf32>
    %squeeze3A = vector.shape_cast %slice3A_37 : vector<1x384xf32> to vector<384xf32>
    %broadcast_in_dim3A_38 = vector.shape_cast %squeeze3A : vector<384xf32> to vector<1x384xf32>
    %broadcast_in_dim3A_39 = vector.shape_cast %eq3A_36 : vector<128x1xi1> to vector<128x1xi1>
    %broadcast_in_dim3A_40 = vector.broadcast %broadcast_in_dim3A_39 : vector<128x1xi1> to vector<128x384xi1>
    %broadcast_in_dim3A_41 = vector.shape_cast %broadcast_in_dim3A_38 : vector<1x384xf32> to vector<1x384xf32>
    %broadcast_in_dim3A_42 = vector.broadcast %broadcast_in_dim3A_41 : vector<1x384xf32> to vector<128x384xf32>
    %select_n3A = arith.select %broadcast_in_dim3A_40, %broadcast_in_dim3A_42, %broadcast_in_dim3A_33 : vector<128x384xi1>, vector<128x384xf32>
    %broadcast_in_dim3A_43 = vector.shape_cast %get3A_31 : vector<128xi32> to vector<128x1xi32>
    %eq3A_44 = arith.constant 1 : i32
    %eq3A_45 = vector.broadcast %eq3A_44 : i32 to vector<128x1xi32>
    %eq3A_46 = arith.cmpi eq, %broadcast_in_dim3A_43, %eq3A_45 : vector<128x1xi32>
    %slice3A_47 = vector.extract_strided_slice %dot_general3A_19 {offsets = [1, 0], sizes = [1, 384], strides = [1, 1]} : vector<4x384xf32> to vector<1x384xf32>
    %squeeze3A_48 = vector.shape_cast %slice3A_47 : vector<1x384xf32> to vector<384xf32>
    %broadcast_in_dim3A_49 = vector.shape_cast %squeeze3A_48 : vector<384xf32> to vector<1x384xf32>
    %broadcast_in_dim3A_50 = vector.shape_cast %eq3A_46 : vector<128x1xi1> to vector<128x1xi1>
    %broadcast_in_dim3A_51 = vector.broadcast %broadcast_in_dim3A_50 : vector<128x1xi1> to vector<128x384xi1>
    %broadcast_in_dim3A_52 = vector.shape_cast %broadcast_in_dim3A_49 : vector<1x384xf32> to vector<1x384xf32>
    %broadcast_in_dim3A_53 = vector.broadcast %broadcast_in_dim3A_52 : vector<1x384xf32> to vector<128x384xf32>
    %select_n3A_54 = arith.select %broadcast_in_dim3A_51, %broadcast_in_dim3A_53, %select_n3A : vector<128x384xi1>, vector<128x384xf32>
    %broadcast_in_dim3A_55 = vector.shape_cast %get3A_31 : vector<128xi32> to vector<128x1xi32>
    %eq3A_56 = arith.constant 2 : i32
    %eq3A_57 = vector.broadcast %eq3A_56 : i32 to vector<128x1xi32>
    %eq3A_58 = arith.cmpi eq, %broadcast_in_dim3A_55, %eq3A_57 : vector<128x1xi32>
    %slice3A_59 = vector.extract_strided_slice %dot_general3A_19 {offsets = [2, 0], sizes = [1, 384], strides = [1, 1]} : vector<4x384xf32> to vector<1x384xf32>
    %squeeze3A_60 = vector.shape_cast %slice3A_59 : vector<1x384xf32> to vector<384xf32>
    %broadcast_in_dim3A_61 = vector.shape_cast %squeeze3A_60 : vector<384xf32> to vector<1x384xf32>
    %broadcast_in_dim3A_62 = vector.shape_cast %eq3A_58 : vector<128x1xi1> to vector<128x1xi1>
    %broadcast_in_dim3A_63 = vector.broadcast %broadcast_in_dim3A_62 : vector<128x1xi1> to vector<128x384xi1>
    %broadcast_in_dim3A_64 = vector.shape_cast %broadcast_in_dim3A_61 : vector<1x384xf32> to vector<1x384xf32>
    %broadcast_in_dim3A_65 = vector.broadcast %broadcast_in_dim3A_64 : vector<1x384xf32> to vector<128x384xf32>
    %select_n3A_66 = arith.select %broadcast_in_dim3A_63, %broadcast_in_dim3A_65, %select_n3A_54 : vector<128x384xi1>, vector<128x384xf32>
    %broadcast_in_dim3A_67 = vector.shape_cast %get3A_31 : vector<128xi32> to vector<128x1xi32>
    %eq3A_68 = arith.constant 3 : i32
    %eq3A_69 = vector.broadcast %eq3A_68 : i32 to vector<128x1xi32>
    %eq3A_70 = arith.cmpi eq, %broadcast_in_dim3A_67, %eq3A_69 : vector<128x1xi32>
    %slice3A_71 = vector.extract_strided_slice %dot_general3A_19 {offsets = [3, 0], sizes = [1, 384], strides = [1, 1]} : vector<4x384xf32> to vector<1x384xf32>
    %squeeze3A_72 = vector.shape_cast %slice3A_71 : vector<1x384xf32> to vector<384xf32>
    %broadcast_in_dim3A_73 = vector.shape_cast %squeeze3A_72 : vector<384xf32> to vector<1x384xf32>
    %broadcast_in_dim3A_74 = vector.shape_cast %eq3A_70 : vector<128x1xi1> to vector<128x1xi1>
    %broadcast_in_dim3A_75 = vector.broadcast %broadcast_in_dim3A_74 : vector<128x1xi1> to vector<128x384xi1>
    %broadcast_in_dim3A_76 = vector.shape_cast %broadcast_in_dim3A_73 : vector<1x384xf32> to vector<1x384xf32>
    %broadcast_in_dim3A_77 = vector.broadcast %broadcast_in_dim3A_76 : vector<1x384xf32> to vector<128x384xf32>
    %select_n3A_78 = arith.select %broadcast_in_dim3A_75, %broadcast_in_dim3A_77, %select_n3A_66 : vector<128x384xi1>, vector<128x384xf32>
    %broadcast_in_dim3A_79 = vector.shape_cast %get3A_6 : vector<384xf32> to vector<1x384xf32>
    %add3A_80 = vector.broadcast %broadcast_in_dim3A_79 : vector<1x384xf32> to vector<128x384xf32>
    %add3A_81 = arith.addf %select_n3A_78, %add3A_80 : vector<128x384xf32>
    %slice3A_82 = vector.extract_strided_slice %add3A_81 {offsets = [0, 0], sizes = [128, 128], strides = [1, 1]} : vector<128x384xf32> to vector<128x128xf32>
    %slice3A_83 = vector.extract_strided_slice %add3A_29 {offsets = [0, 0], sizes = [128, 128], strides = [1, 1]} : vector<128x384xf32> to vector<128x128xf32>
    %add3A_84 = arith.addf %slice3A_82, %slice3A_83 : vector<128x128xf32>
    %slice3A_85 = vector.extract_strided_slice %add3A_81 {offsets = [0, 128], sizes = [128, 128], strides = [1, 1]} : vector<128x384xf32> to vector<128x128xf32>
    %slice3A_86 = vector.extract_strided_slice %add3A_29 {offsets = [0, 128], sizes = [128, 128], strides = [1, 1]} : vector<128x384xf32> to vector<128x128xf32>
    %add3A_87 = arith.addf %slice3A_85, %slice3A_86 : vector<128x128xf32>
    %slice3A_88 = vector.extract_strided_slice %add3A_81 {offsets = [0, 256], sizes = [128, 128], strides = [1, 1]} : vector<128x384xf32> to vector<128x128xf32>
    %slice3A_89 = vector.extract_strided_slice %add3A_29 {offsets = [0, 256], sizes = [128, 128], strides = [1, 1]} : vector<128x384xf32> to vector<128x128xf32>
    %slice3A_90 = vector.extract_strided_slice %dot_general3A_11 {offsets = [0, 0], sizes = [12, 128], strides = [1, 1]} : vector<12x384xf32> to vector<12x128xf32>
    %broadcast_in_dim3A_91 = vector.shape_cast %slice3A_90 : vector<12x128xf32> to vector<1x12x128xf32>
    %slice3A_92 = vector.extract_strided_slice %dot_general3A_11 {offsets = [0, 128], sizes = [12, 128], strides = [1, 1]} : vector<12x384xf32> to vector<12x128xf32>
    %broadcast_in_dim3A_93 = vector.shape_cast %slice3A_92 : vector<12x128xf32> to vector<1x12x128xf32>
    %slice3A_94 = vector.extract_strided_slice %dot_general3A_11 {offsets = [0, 256], sizes = [12, 128], strides = [1, 1]} : vector<12x384xf32> to vector<12x128xf32>
    %broadcast_in_dim3A_95 = vector.shape_cast %slice3A_94 : vector<12x128xf32> to vector<1x12x128xf32>
    %broadcast_in_dim3A_96 = vector.shape_cast %add3A_84 : vector<128x128xf32> to vector<128x1x128xf32>
    %add3A_97 = vector.broadcast %broadcast_in_dim3A_91 : vector<1x12x128xf32> to vector<128x12x128xf32>
    %add3A_98 = vector.broadcast %broadcast_in_dim3A_96 : vector<128x1x128xf32> to vector<128x12x128xf32>
    %add3A_99 = arith.addf %add3A_97, %add3A_98 : vector<128x12x128xf32>
    %logistic3A = arith.negf %add3A_99 : vector<128x12x128xf32>
    %logistic3A_100 = math.exp %logistic3A : vector<128x12x128xf32>
    %logistic3A_101 = arith.constant 1.000000e+00 : f32
    %logistic3A_102 = vector.broadcast %logistic3A_101 : f32 to vector<128x12x128xf32>
    %logistic3A_103 = arith.addf %logistic3A_102, %logistic3A_100 : vector<128x12x128xf32>
    %logistic3A_104 = arith.divf %logistic3A_102, %logistic3A_103 : vector<128x12x128xf32>
    %broadcast_in_dim3A_105 = vector.shape_cast %add3A_87 : vector<128x128xf32> to vector<128x1x128xf32>
    %add3A_106 = vector.broadcast %broadcast_in_dim3A_93 : vector<1x12x128xf32> to vector<128x12x128xf32>
    %add3A_107 = vector.broadcast %broadcast_in_dim3A_105 : vector<128x1x128xf32> to vector<128x12x128xf32>
    %add3A_108 = arith.addf %add3A_106, %add3A_107 : vector<128x12x128xf32>
    %logistic3A_109 = arith.negf %add3A_108 : vector<128x12x128xf32>
    %logistic3A_110 = math.exp %logistic3A_109 : vector<128x12x128xf32>
    %logistic3A_111 = arith.constant 1.000000e+00 : f32
    %logistic3A_112 = vector.broadcast %logistic3A_111 : f32 to vector<128x12x128xf32>
    %logistic3A_113 = arith.addf %logistic3A_112, %logistic3A_110 : vector<128x12x128xf32>
    %logistic3A_114 = arith.divf %logistic3A_112, %logistic3A_113 : vector<128x12x128xf32>
    %broadcast_in_dim3A_115 = vector.shape_cast %slice3A_88 : vector<128x128xf32> to vector<128x1x128xf32>
    %add3A_116 = vector.broadcast %broadcast_in_dim3A_95 : vector<1x12x128xf32> to vector<128x12x128xf32>
    %add3A_117 = vector.broadcast %broadcast_in_dim3A_115 : vector<128x1x128xf32> to vector<128x12x128xf32>
    %add3A_118 = arith.addf %add3A_116, %add3A_117 : vector<128x12x128xf32>
    %broadcast_in_dim3A_119 = vector.shape_cast %slice3A_89 : vector<128x128xf32> to vector<128x1x128xf32>
    %mul3A = vector.broadcast %broadcast_in_dim3A_119 : vector<128x1x128xf32> to vector<128x12x128xf32>
    %mul3A_120 = arith.mulf %logistic3A_104, %mul3A : vector<128x12x128xf32>
    %add3A_121 = arith.addf %add3A_118, %mul3A_120 : vector<128x12x128xf32>
    %tanh3A = math.tanh %add3A_121 : vector<128x12x128xf32>
    %sub3A = arith.constant 1.000000e+00 : f32
    %sub3A_122 = vector.broadcast %sub3A : f32 to vector<128x12x128xf32>
    %sub3A_123 = arith.subf %sub3A_122, %logistic3A_114 : vector<128x12x128xf32>
    %mul3A_124 = arith.mulf %sub3A_123, %tanh3A : vector<128x12x128xf32>
    %broadcast_in_dim3A_125 = vector.shape_cast %get3A_1 : vector<128x128xf32> to vector<128x1x128xf32>
    %mul3A_126 = vector.broadcast %broadcast_in_dim3A_125 : vector<128x1x128xf32> to vector<128x12x128xf32>
    %mul3A_127 = arith.mulf %logistic3A_114, %mul3A_126 : vector<128x12x128xf32>
    %add3A_128 = arith.addf %mul3A_124, %mul3A_127 : vector<128x12x128xf32>
    %reshape3A = vector.shape_cast %add3A_128 : vector<128x12x128xf32> to vector<1536x128xf32>
    %get3A_129 = arith.constant 0 : index
    %get3A_130 = arith.constant 0 : index
    %get3A_131 = vector.load %arg12[%get3A_129, %get3A_130] : memref<128x128xf32, #tpu.memory_space<vmem>>, vector<128x128xf32>
    %convert_element_type3A_132 = arith.truncf %reshape3A : vector<1536x128xf32> to vector<1536x128xbf16>
    %convert_element_type3A_133 = arith.truncf %get3A_131 : vector<128x128xf32> to vector<128x128xbf16>
    %dot_general3A_134 = arith.constant dense<0.000000e+00> : vector<1536x128xf32>
    %dot_general3A_135 = tpu.matmul %convert_element_type3A_132, %convert_element_type3A_133, %dot_general3A_134 {dimension_numbers = #tpu.dot_dimension_numbers<[1], [1], [0], [0], [0, 0, 1, 0], [], []>, transpose_lhs_hint = false} : vector<1536x128xbf16>, vector<128x128xbf16>, vector<1536x128xf32> -> vector<1536x128xf32>
    %get3A_136 = arith.constant 0 : index
    %get3A_137 = vector.load %arg13[%get3A_136] : memref<128xf32, #tpu.memory_space<vmem>>, vector<128xf32>
    %broadcast_in_dim3A_138 = vector.shape_cast %get3A_137 : vector<128xf32> to vector<1x128xf32>
    %add3A_139 = vector.broadcast %broadcast_in_dim3A_138 : vector<1x128xf32> to vector<1536x128xf32>
    %add3A_140 = arith.addf %dot_general3A_135, %add3A_139 : vector<1536x128xf32>
    %max3A = arith.constant 0.000000e+00 : f32
    %max3A_141 = vector.broadcast %max3A : f32 to vector<1536x128xf32>
    %max3A_142 = arith.maximumf %add3A_140, %max3A_141 : vector<1536x128xf32>
    %convert_element_type3A_143 = arith.truncf %max3A_142 : vector<1536x128xf32> to vector<1536x128xbf16>
    %convert_element_type3A_144 = arith.extf %convert_element_type3A_143 : vector<1536x128xbf16> to vector<1536x128xf32>
    %get3A_145 = arith.constant 0 : index
    %get3A_146 = vector.load %arg14[%get3A_145] : memref<128xf32, #tpu.memory_space<vmem>>, vector<128xf32>
    %convert_element_type3A_147 = arith.truncf %get3A_146 : vector<128xf32> to vector<128xbf16>
    %convert_element_type3A_148 = arith.extf %convert_element_type3A_147 : vector<128xbf16> to vector<128xf32>
    %broadcast_in_dim3A_149 = vector.shape_cast %convert_element_type3A_148 : vector<128xf32> to vector<1x128xf32>
    %mul3A_150 = vector.broadcast %broadcast_in_dim3A_149 : vector<1x128xf32> to vector<1536x128xf32>
    %mul3A_151 = arith.mulf %convert_element_type3A_144, %mul3A_150 : vector<1536x128xf32>
    %reduce_sum3A = arith.constant dense<0.000000e+00> : vector<1536xf32>
    %reduce_sum3A_152 = vector.multi_reduction <add>, %mul3A_151, %reduce_sum3A [1] : vector<1536x128xf32> to vector<1536xf32>
    %reshape3A_153 = vector.shape_cast %reduce_sum3A_152 : vector<1536xf32> to vector<128x12xf32>
    %get3A_154 = arith.constant 0 : index
    %get3A_155 = arith.constant 0 : index
    %get3A_156 = vector.load %arg2[%get3A_154, %get3A_155] : memref<128x32xi32, #tpu.memory_space<vmem>>, vector<128x32xi32>
    %broadcast_in_dim3A_157 = arith.constant 0.000000e+00 : f32
    %broadcast_in_dim3A_158 = vector.broadcast %broadcast_in_dim3A_157 : f32 to vector<128x32xf32>
    %eq3A_159 = arith.constant 0 : i32
    %eq3A_160 = vector.broadcast %eq3A_159 : i32 to vector<128x32xi32>
    %eq3A_161 = arith.cmpi eq, %get3A_156, %eq3A_160 : vector<128x32xi32>
    %slice3A_162 = vector.extract_strided_slice %reshape3A_153 {offsets = [0, 0], sizes = [128, 1], strides = [1, 1]} : vector<128x12xf32> to vector<128x1xf32>
    %squeeze3A_163 = vector.shape_cast %slice3A_162 : vector<128x1xf32> to vector<128xf32>
    %broadcast_in_dim3A_164 = vector.shape_cast %squeeze3A_163 : vector<128xf32> to vector<128x1xf32>
    %broadcast_in_dim3A_165 = vector.shape_cast %broadcast_in_dim3A_164 : vector<128x1xf32> to vector<128x1xf32>
    %broadcast_in_dim3A_166 = vector.broadcast %broadcast_in_dim3A_165 : vector<128x1xf32> to vector<128x32xf32>
    %select_n3A_167 = arith.select %eq3A_161, %broadcast_in_dim3A_166, %broadcast_in_dim3A_158 : vector<128x32xi1>, vector<128x32xf32>
    %eq3A_168 = arith.constant 1 : i32
    %eq3A_169 = vector.broadcast %eq3A_168 : i32 to vector<128x32xi32>
    %eq3A_170 = arith.cmpi eq, %get3A_156, %eq3A_169 : vector<128x32xi32>
    %slice3A_171 = vector.extract_strided_slice %reshape3A_153 {offsets = [0, 1], sizes = [128, 1], strides = [1, 1]} : vector<128x12xf32> to vector<128x1xf32>
    %squeeze3A_172 = vector.shape_cast %slice3A_171 : vector<128x1xf32> to vector<128xf32>
    %broadcast_in_dim3A_173 = vector.shape_cast %squeeze3A_172 : vector<128xf32> to vector<128x1xf32>
    %broadcast_in_dim3A_174 = vector.shape_cast %broadcast_in_dim3A_173 : vector<128x1xf32> to vector<128x1xf32>
    %broadcast_in_dim3A_175 = vector.broadcast %broadcast_in_dim3A_174 : vector<128x1xf32> to vector<128x32xf32>
    %select_n3A_176 = arith.select %eq3A_170, %broadcast_in_dim3A_175, %select_n3A_167 : vector<128x32xi1>, vector<128x32xf32>
    %eq3A_177 = arith.constant 2 : i32
    %eq3A_178 = vector.broadcast %eq3A_177 : i32 to vector<128x32xi32>
    %eq3A_179 = arith.cmpi eq, %get3A_156, %eq3A_178 : vector<128x32xi32>
    %slice3A_180 = vector.extract_strided_slice %reshape3A_153 {offsets = [0, 2], sizes = [128, 1], strides = [1, 1]} : vector<128x12xf32> to vector<128x1xf32>
    %squeeze3A_181 = vector.shape_cast %slice3A_180 : vector<128x1xf32> to vector<128xf32>
    %broadcast_in_dim3A_182 = vector.shape_cast %squeeze3A_181 : vector<128xf32> to vector<128x1xf32>
    %broadcast_in_dim3A_183 = vector.shape_cast %broadcast_in_dim3A_182 : vector<128x1xf32> to vector<128x1xf32>
    %broadcast_in_dim3A_184 = vector.broadcast %broadcast_in_dim3A_183 : vector<128x1xf32> to vector<128x32xf32>
    %select_n3A_185 = arith.select %eq3A_179, %broadcast_in_dim3A_184, %select_n3A_176 : vector<128x32xi1>, vector<128x32xf32>
    %eq3A_186 = arith.constant 3 : i32
    %eq3A_187 = vector.broadcast %eq3A_186 : i32 to vector<128x32xi32>
    %eq3A_188 = arith.cmpi eq, %get3A_156, %eq3A_187 : vector<128x32xi32>
    %slice3A_189 = vector.extract_strided_slice %reshape3A_153 {offsets = [0, 3], sizes = [128, 1], strides = [1, 1]} : vector<128x12xf32> to vector<128x1xf32>
    %squeeze3A_190 = vector.shape_cast %slice3A_189 : vector<128x1xf32> to vector<128xf32>
    %broadcast_in_dim3A_191 = vector.shape_cast %squeeze3A_190 : vector<128xf32> to vector<128x1xf32>
    %broadcast_in_dim3A_192 = vector.shape_cast %broadcast_in_dim3A_191 : vector<128x1xf32> to vector<128x1xf32>
    %broadcast_in_dim3A_193 = vector.broadcast %broadcast_in_dim3A_192 : vector<128x1xf32> to vector<128x32xf32>
    %select_n3A_194 = arith.select %eq3A_188, %broadcast_in_dim3A_193, %select_n3A_185 : vector<128x32xi1>, vector<128x32xf32>
    %eq3A_195 = arith.constant 4 : i32
    %eq3A_196 = vector.broadcast %eq3A_195 : i32 to vector<128x32xi32>
    %eq3A_197 = arith.cmpi eq, %get3A_156, %eq3A_196 : vector<128x32xi32>
    %slice3A_198 = vector.extract_strided_slice %reshape3A_153 {offsets = [0, 4], sizes = [128, 1], strides = [1, 1]} : vector<128x12xf32> to vector<128x1xf32>
    %squeeze3A_199 = vector.shape_cast %slice3A_198 : vector<128x1xf32> to vector<128xf32>
    %broadcast_in_dim3A_200 = vector.shape_cast %squeeze3A_199 : vector<128xf32> to vector<128x1xf32>
    %broadcast_in_dim3A_201 = vector.shape_cast %broadcast_in_dim3A_200 : vector<128x1xf32> to vector<128x1xf32>
    %broadcast_in_dim3A_202 = vector.broadcast %broadcast_in_dim3A_201 : vector<128x1xf32> to vector<128x32xf32>
    %select_n3A_203 = arith.select %eq3A_197, %broadcast_in_dim3A_202, %select_n3A_194 : vector<128x32xi1>, vector<128x32xf32>
    %eq3A_204 = arith.constant 5 : i32
    %eq3A_205 = vector.broadcast %eq3A_204 : i32 to vector<128x32xi32>
    %eq3A_206 = arith.cmpi eq, %get3A_156, %eq3A_205 : vector<128x32xi32>
    %slice3A_207 = vector.extract_strided_slice %reshape3A_153 {offsets = [0, 5], sizes = [128, 1], strides = [1, 1]} : vector<128x12xf32> to vector<128x1xf32>
    %squeeze3A_208 = vector.shape_cast %slice3A_207 : vector<128x1xf32> to vector<128xf32>
    %broadcast_in_dim3A_209 = vector.shape_cast %squeeze3A_208 : vector<128xf32> to vector<128x1xf32>
    %broadcast_in_dim3A_210 = vector.shape_cast %broadcast_in_dim3A_209 : vector<128x1xf32> to vector<128x1xf32>
    %broadcast_in_dim3A_211 = vector.broadcast %broadcast_in_dim3A_210 : vector<128x1xf32> to vector<128x32xf32>
    %select_n3A_212 = arith.select %eq3A_206, %broadcast_in_dim3A_211, %select_n3A_203 : vector<128x32xi1>, vector<128x32xf32>
    %eq3A_213 = arith.constant 6 : i32
    %eq3A_214 = vector.broadcast %eq3A_213 : i32 to vector<128x32xi32>
    %eq3A_215 = arith.cmpi eq, %get3A_156, %eq3A_214 : vector<128x32xi32>
    %slice3A_216 = vector.extract_strided_slice %reshape3A_153 {offsets = [0, 6], sizes = [128, 1], strides = [1, 1]} : vector<128x12xf32> to vector<128x1xf32>
    %squeeze3A_217 = vector.shape_cast %slice3A_216 : vector<128x1xf32> to vector<128xf32>
    %broadcast_in_dim3A_218 = vector.shape_cast %squeeze3A_217 : vector<128xf32> to vector<128x1xf32>
    %broadcast_in_dim3A_219 = vector.shape_cast %broadcast_in_dim3A_218 : vector<128x1xf32> to vector<128x1xf32>
    %broadcast_in_dim3A_220 = vector.broadcast %broadcast_in_dim3A_219 : vector<128x1xf32> to vector<128x32xf32>
    %select_n3A_221 = arith.select %eq3A_215, %broadcast_in_dim3A_220, %select_n3A_212 : vector<128x32xi1>, vector<128x32xf32>
    %eq3A_222 = arith.constant 7 : i32
    %eq3A_223 = vector.broadcast %eq3A_222 : i32 to vector<128x32xi32>
    %eq3A_224 = arith.cmpi eq, %get3A_156, %eq3A_223 : vector<128x32xi32>
    %slice3A_225 = vector.extract_strided_slice %reshape3A_153 {offsets = [0, 7], sizes = [128, 1], strides = [1, 1]} : vector<128x12xf32> to vector<128x1xf32>
    %squeeze3A_226 = vector.shape_cast %slice3A_225 : vector<128x1xf32> to vector<128xf32>
    %broadcast_in_dim3A_227 = vector.shape_cast %squeeze3A_226 : vector<128xf32> to vector<128x1xf32>
    %broadcast_in_dim3A_228 = vector.shape_cast %broadcast_in_dim3A_227 : vector<128x1xf32> to vector<128x1xf32>
    %broadcast_in_dim3A_229 = vector.broadcast %broadcast_in_dim3A_228 : vector<128x1xf32> to vector<128x32xf32>
    %select_n3A_230 = arith.select %eq3A_224, %broadcast_in_dim3A_229, %select_n3A_221 : vector<128x32xi1>, vector<128x32xf32>
    %eq3A_231 = arith.constant 8 : i32
    %eq3A_232 = vector.broadcast %eq3A_231 : i32 to vector<128x32xi32>
    %eq3A_233 = arith.cmpi eq, %get3A_156, %eq3A_232 : vector<128x32xi32>
    %slice3A_234 = vector.extract_strided_slice %reshape3A_153 {offsets = [0, 8], sizes = [128, 1], strides = [1, 1]} : vector<128x12xf32> to vector<128x1xf32>
    %squeeze3A_235 = vector.shape_cast %slice3A_234 : vector<128x1xf32> to vector<128xf32>
    %broadcast_in_dim3A_236 = vector.shape_cast %squeeze3A_235 : vector<128xf32> to vector<128x1xf32>
    %broadcast_in_dim3A_237 = vector.shape_cast %broadcast_in_dim3A_236 : vector<128x1xf32> to vector<128x1xf32>
    %broadcast_in_dim3A_238 = vector.broadcast %broadcast_in_dim3A_237 : vector<128x1xf32> to vector<128x32xf32>
    %select_n3A_239 = arith.select %eq3A_233, %broadcast_in_dim3A_238, %select_n3A_230 : vector<128x32xi1>, vector<128x32xf32>
    %eq3A_240 = arith.constant 9 : i32
    %eq3A_241 = vector.broadcast %eq3A_240 : i32 to vector<128x32xi32>
    %eq3A_242 = arith.cmpi eq, %get3A_156, %eq3A_241 : vector<128x32xi32>
    %slice3A_243 = vector.extract_strided_slice %reshape3A_153 {offsets = [0, 9], sizes = [128, 1], strides = [1, 1]} : vector<128x12xf32> to vector<128x1xf32>
    %squeeze3A_244 = vector.shape_cast %slice3A_243 : vector<128x1xf32> to vector<128xf32>
    %broadcast_in_dim3A_245 = vector.shape_cast %squeeze3A_244 : vector<128xf32> to vector<128x1xf32>
    %broadcast_in_dim3A_246 = vector.shape_cast %broadcast_in_dim3A_245 : vector<128x1xf32> to vector<128x1xf32>
    %broadcast_in_dim3A_247 = vector.broadcast %broadcast_in_dim3A_246 : vector<128x1xf32> to vector<128x32xf32>
    %select_n3A_248 = arith.select %eq3A_242, %broadcast_in_dim3A_247, %select_n3A_239 : vector<128x32xi1>, vector<128x32xf32>
    %eq3A_249 = arith.constant 10 : i32
    %eq3A_250 = vector.broadcast %eq3A_249 : i32 to vector<128x32xi32>
    %eq3A_251 = arith.cmpi eq, %get3A_156, %eq3A_250 : vector<128x32xi32>
    %slice3A_252 = vector.extract_strided_slice %reshape3A_153 {offsets = [0, 10], sizes = [128, 1], strides = [1, 1]} : vector<128x12xf32> to vector<128x1xf32>
    %squeeze3A_253 = vector.shape_cast %slice3A_252 : vector<128x1xf32> to vector<128xf32>
    %broadcast_in_dim3A_254 = vector.shape_cast %squeeze3A_253 : vector<128xf32> to vector<128x1xf32>
    %broadcast_in_dim3A_255 = vector.shape_cast %broadcast_in_dim3A_254 : vector<128x1xf32> to vector<128x1xf32>
    %broadcast_in_dim3A_256 = vector.broadcast %broadcast_in_dim3A_255 : vector<128x1xf32> to vector<128x32xf32>
    %select_n3A_257 = arith.select %eq3A_251, %broadcast_in_dim3A_256, %select_n3A_248 : vector<128x32xi1>, vector<128x32xf32>
    %eq3A_258 = arith.constant 11 : i32
    %eq3A_259 = vector.broadcast %eq3A_258 : i32 to vector<128x32xi32>
    %eq3A_260 = arith.cmpi eq, %get3A_156, %eq3A_259 : vector<128x32xi32>
    %slice3A_261 = vector.extract_strided_slice %reshape3A_153 {offsets = [0, 11], sizes = [128, 1], strides = [1, 1]} : vector<128x12xf32> to vector<128x1xf32>
    %squeeze3A_262 = vector.shape_cast %slice3A_261 : vector<128x1xf32> to vector<128xf32>
    %broadcast_in_dim3A_263 = vector.shape_cast %squeeze3A_262 : vector<128xf32> to vector<128x1xf32>
    %broadcast_in_dim3A_264 = vector.shape_cast %broadcast_in_dim3A_263 : vector<128x1xf32> to vector<128x1xf32>
    %broadcast_in_dim3A_265 = vector.broadcast %broadcast_in_dim3A_264 : vector<128x1xf32> to vector<128x32xf32>
    %select_n3A_266 = arith.select %eq3A_260, %broadcast_in_dim3A_265, %select_n3A_257 : vector<128x32xi1>, vector<128x32xf32>
    %get3A_267 = arith.constant 0 : index
    %get3A_268 = arith.constant 0 : index
    %get3A_269 = vector.load %arg3[%get3A_267, %get3A_268] : memref<128x32xi32, #tpu.memory_space<vmem>>, vector<128x32xi32>
    %iota3A = tpu.iota {dimensions = array<i32: 1>} : vector<128x32xi32>
    %reduce_max3A = arith.constant dense<0xFF800000> : vector<128xf32>
    %reduce_max3A_270 = vector.multi_reduction <maximumf>, %select_n3A_266, %reduce_max3A [1] : vector<128x32xf32> to vector<128xf32>
    %broadcast_in_dim3A_271 = vector.shape_cast %reduce_max3A_270 : vector<128xf32> to vector<128x1xf32>
    %eq3A_272 = vector.broadcast %broadcast_in_dim3A_271 : vector<128x1xf32> to vector<128x32xf32>
    %eq3A_273 = arith.cmpf oeq, %select_n3A_266, %eq3A_272 : vector<128x32xf32>
    %jit3A = arith.constant 32 : i32
    %broadcast_in_dim3A_274 = vector.broadcast %jit3A : i32 to vector<128x32xi32>
    %select_n3A_275 = arith.select %eq3A_273, %iota3A, %broadcast_in_dim3A_274 : vector<128x32xi1>, vector<128x32xi32>
    %reduce_min3A = arith.constant dense<2147483647> : vector<128xi32>
    %reduce_min3A_276 = vector.multi_reduction <minsi>, %select_n3A_275, %reduce_min3A [1] : vector<128x32xi32> to vector<128xi32>
    %broadcast_in_dim3A_277 = vector.shape_cast %reduce_min3A_276 : vector<128xi32> to vector<128x1xi32>
    %eq3A_278 = vector.broadcast %broadcast_in_dim3A_277 : vector<128x1xi32> to vector<128x32xi32>
    %eq3A_279 = arith.cmpi eq, %iota3A, %eq3A_278 : vector<128x32xi32>
    %jit3A_280 = arith.constant 0 : i32
    %broadcast_in_dim3A_281 = vector.broadcast %jit3A_280 : i32 to vector<128x32xi32>
    %select_n3A_282 = arith.select %eq3A_279, %get3A_269, %broadcast_in_dim3A_281 : vector<128x32xi1>, vector<128x32xi32>
    %reduce_sum3A_283 = arith.constant dense<0> : vector<128xi32>
    %reduce_sum3A_284 = vector.multi_reduction <add>, %select_n3A_282, %reduce_sum3A_283 [1] : vector<128x32xi32> to vector<128xi32>
    %jit3A_285 = arith.constant 0 : i32
    %broadcast_in_dim3A_286 = vector.broadcast %jit3A_285 : i32 to vector<128x32xi32>
    %select_n3A_287 = arith.select %eq3A_279, %get3A_156, %broadcast_in_dim3A_286 : vector<128x32xi1>, vector<128x32xi32>
    %reduce_sum3A_288 = arith.constant dense<0> : vector<128xi32>
    %reduce_sum3A_289 = vector.multi_reduction <add>, %select_n3A_287, %reduce_sum3A_288 [1] : vector<128x32xi32> to vector<128xi32>
    %jit3A_290 = arith.constant -1.000000e+30 : f32
    %broadcast_in_dim3A_291 = vector.broadcast %jit3A_290 : f32 to vector<128x32xf32>
    %select_n3A_292 = arith.select %eq3A_279, %broadcast_in_dim3A_291, %select_n3A_266 : vector<128x32xi1>, vector<128x32xf32>
    %reduce_max3A_293 = arith.constant dense<0xFF800000> : vector<128xf32>
    %reduce_max3A_294 = vector.multi_reduction <maximumf>, %select_n3A_292, %reduce_max3A_293 [1] : vector<128x32xf32> to vector<128xf32>
    %broadcast_in_dim3A_295 = vector.shape_cast %reduce_max3A_294 : vector<128xf32> to vector<128x1xf32>
    %eq3A_296 = vector.broadcast %broadcast_in_dim3A_295 : vector<128x1xf32> to vector<128x32xf32>
    %eq3A_297 = arith.cmpf oeq, %select_n3A_292, %eq3A_296 : vector<128x32xf32>
    %jit3A_298 = arith.constant 32 : i32
    %broadcast_in_dim3A_299 = vector.broadcast %jit3A_298 : i32 to vector<128x32xi32>
    %select_n3A_300 = arith.select %eq3A_297, %iota3A, %broadcast_in_dim3A_299 : vector<128x32xi1>, vector<128x32xi32>
    %reduce_min3A_301 = arith.constant dense<2147483647> : vector<128xi32>
    %reduce_min3A_302 = vector.multi_reduction <minsi>, %select_n3A_300, %reduce_min3A_301 [1] : vector<128x32xi32> to vector<128xi32>
    %broadcast_in_dim3A_303 = vector.shape_cast %reduce_min3A_302 : vector<128xi32> to vector<128x1xi32>
    %eq3A_304 = vector.broadcast %broadcast_in_dim3A_303 : vector<128x1xi32> to vector<128x32xi32>
    %eq3A_305 = arith.cmpi eq, %iota3A, %eq3A_304 : vector<128x32xi32>
    %jit3A_306 = arith.constant 0 : i32
    %broadcast_in_dim3A_307 = vector.broadcast %jit3A_306 : i32 to vector<128x32xi32>
    %select_n3A_308 = arith.select %eq3A_305, %get3A_269, %broadcast_in_dim3A_307 : vector<128x32xi1>, vector<128x32xi32>
    %reduce_sum3A_309 = arith.constant dense<0> : vector<128xi32>
    %reduce_sum3A_310 = vector.multi_reduction <add>, %select_n3A_308, %reduce_sum3A_309 [1] : vector<128x32xi32> to vector<128xi32>
    %jit3A_311 = arith.constant 0 : i32
    %broadcast_in_dim3A_312 = vector.broadcast %jit3A_311 : i32 to vector<128x32xi32>
    %select_n3A_313 = arith.select %eq3A_305, %get3A_156, %broadcast_in_dim3A_312 : vector<128x32xi1>, vector<128x32xi32>
    %reduce_sum3A_314 = arith.constant dense<0> : vector<128xi32>
    %reduce_sum3A_315 = vector.multi_reduction <add>, %select_n3A_313, %reduce_sum3A_314 [1] : vector<128x32xi32> to vector<128xi32>
    %jit3A_316 = arith.constant -1.000000e+30 : f32
    %broadcast_in_dim3A_317 = vector.broadcast %jit3A_316 : f32 to vector<128x32xf32>
    %select_n3A_318 = arith.select %eq3A_305, %broadcast_in_dim3A_317, %select_n3A_292 : vector<128x32xi1>, vector<128x32xf32>
    %reduce_max3A_319 = arith.constant dense<0xFF800000> : vector<128xf32>
    %reduce_max3A_320 = vector.multi_reduction <maximumf>, %select_n3A_318, %reduce_max3A_319 [1] : vector<128x32xf32> to vector<128xf32>
    %broadcast_in_dim3A_321 = vector.shape_cast %reduce_max3A_320 : vector<128xf32> to vector<128x1xf32>
    %eq3A_322 = vector.broadcast %broadcast_in_dim3A_321 : vector<128x1xf32> to vector<128x32xf32>
    %eq3A_323 = arith.cmpf oeq, %select_n3A_318, %eq3A_322 : vector<128x32xf32>
    %jit3A_324 = arith.constant 32 : i32
    %broadcast_in_dim3A_325 = vector.broadcast %jit3A_324 : i32 to vector<128x32xi32>
    %select_n3A_326 = arith.select %eq3A_323, %iota3A, %broadcast_in_dim3A_325 : vector<128x32xi1>, vector<128x32xi32>
    %reduce_min3A_327 = arith.constant dense<2147483647> : vector<128xi32>
    %reduce_min3A_328 = vector.multi_reduction <minsi>, %select_n3A_326, %reduce_min3A_327 [1] : vector<128x32xi32> to vector<128xi32>
    %broadcast_in_dim3A_329 = vector.shape_cast %reduce_min3A_328 : vector<128xi32> to vector<128x1xi32>
    %eq3A_330 = vector.broadcast %broadcast_in_dim3A_329 : vector<128x1xi32> to vector<128x32xi32>
    %eq3A_331 = arith.cmpi eq, %iota3A, %eq3A_330 : vector<128x32xi32>
    %jit3A_332 = arith.constant 0 : i32
    %broadcast_in_dim3A_333 = vector.broadcast %jit3A_332 : i32 to vector<128x32xi32>
    %select_n3A_334 = arith.select %eq3A_331, %get3A_269, %broadcast_in_dim3A_333 : vector<128x32xi1>, vector<128x32xi32>
    %reduce_sum3A_335 = arith.constant dense<0> : vector<128xi32>
    %reduce_sum3A_336 = vector.multi_reduction <add>, %select_n3A_334, %reduce_sum3A_335 [1] : vector<128x32xi32> to vector<128xi32>
    %jit3A_337 = arith.constant 0 : i32
    %broadcast_in_dim3A_338 = vector.broadcast %jit3A_337 : i32 to vector<128x32xi32>
    %select_n3A_339 = arith.select %eq3A_331, %get3A_156, %broadcast_in_dim3A_338 : vector<128x32xi1>, vector<128x32xi32>
    %reduce_sum3A_340 = arith.constant dense<0> : vector<128xi32>
    %reduce_sum3A_341 = vector.multi_reduction <add>, %select_n3A_339, %reduce_sum3A_340 [1] : vector<128x32xi32> to vector<128xi32>
    %jit3A_342 = arith.constant -1.000000e+30 : f32
    %broadcast_in_dim3A_343 = vector.broadcast %jit3A_342 : f32 to vector<128x32xf32>
    %select_n3A_344 = arith.select %eq3A_331, %broadcast_in_dim3A_343, %select_n3A_318 : vector<128x32xi1>, vector<128x32xf32>
    %reduce_max3A_345 = arith.constant dense<0xFF800000> : vector<128xf32>
    %reduce_max3A_346 = vector.multi_reduction <maximumf>, %select_n3A_344, %reduce_max3A_345 [1] : vector<128x32xf32> to vector<128xf32>
    %broadcast_in_dim3A_347 = vector.shape_cast %reduce_max3A_346 : vector<128xf32> to vector<128x1xf32>
    %eq3A_348 = vector.broadcast %broadcast_in_dim3A_347 : vector<128x1xf32> to vector<128x32xf32>
    %eq3A_349 = arith.cmpf oeq, %select_n3A_344, %eq3A_348 : vector<128x32xf32>
    %jit3A_350 = arith.constant 32 : i32
    %broadcast_in_dim3A_351 = vector.broadcast %jit3A_350 : i32 to vector<128x32xi32>
    %select_n3A_352 = arith.select %eq3A_349, %iota3A, %broadcast_in_dim3A_351 : vector<128x32xi1>, vector<128x32xi32>
    %reduce_min3A_353 = arith.constant dense<2147483647> : vector<128xi32>
    %reduce_min3A_354 = vector.multi_reduction <minsi>, %select_n3A_352, %reduce_min3A_353 [1] : vector<128x32xi32> to vector<128xi32>
    %broadcast_in_dim3A_355 = vector.shape_cast %reduce_min3A_354 : vector<128xi32> to vector<128x1xi32>
    %eq3A_356 = vector.broadcast %broadcast_in_dim3A_355 : vector<128x1xi32> to vector<128x32xi32>
    %eq3A_357 = arith.cmpi eq, %iota3A, %eq3A_356 : vector<128x32xi32>
    %jit3A_358 = arith.constant 0 : i32
    %broadcast_in_dim3A_359 = vector.broadcast %jit3A_358 : i32 to vector<128x32xi32>
    %select_n3A_360 = arith.select %eq3A_357, %get3A_269, %broadcast_in_dim3A_359 : vector<128x32xi1>, vector<128x32xi32>
    %reduce_sum3A_361 = arith.constant dense<0> : vector<128xi32>
    %reduce_sum3A_362 = vector.multi_reduction <add>, %select_n3A_360, %reduce_sum3A_361 [1] : vector<128x32xi32> to vector<128xi32>
    %jit3A_363 = arith.constant 0 : i32
    %broadcast_in_dim3A_364 = vector.broadcast %jit3A_363 : i32 to vector<128x32xi32>
    %select_n3A_365 = arith.select %eq3A_357, %get3A_156, %broadcast_in_dim3A_364 : vector<128x32xi1>, vector<128x32xi32>
    %reduce_sum3A_366 = arith.constant dense<0> : vector<128xi32>
    %reduce_sum3A_367 = vector.multi_reduction <add>, %select_n3A_365, %reduce_sum3A_366 [1] : vector<128x32xi32> to vector<128xi32>
    %jit3A_368 = arith.constant -1.000000e+30 : f32
    %broadcast_in_dim3A_369 = vector.broadcast %jit3A_368 : f32 to vector<128x32xf32>
    %select_n3A_370 = arith.select %eq3A_357, %broadcast_in_dim3A_369, %select_n3A_344 : vector<128x32xi1>, vector<128x32xf32>
    %reduce_max3A_371 = arith.constant dense<0xFF800000> : vector<128xf32>
    %reduce_max3A_372 = vector.multi_reduction <maximumf>, %select_n3A_370, %reduce_max3A_371 [1] : vector<128x32xf32> to vector<128xf32>
    %broadcast_in_dim3A_373 = vector.shape_cast %reduce_max3A_372 : vector<128xf32> to vector<128x1xf32>
    %eq3A_374 = vector.broadcast %broadcast_in_dim3A_373 : vector<128x1xf32> to vector<128x32xf32>
    %eq3A_375 = arith.cmpf oeq, %select_n3A_370, %eq3A_374 : vector<128x32xf32>
    %jit3A_376 = arith.constant 32 : i32
    %broadcast_in_dim3A_377 = vector.broadcast %jit3A_376 : i32 to vector<128x32xi32>
    %select_n3A_378 = arith.select %eq3A_375, %iota3A, %broadcast_in_dim3A_377 : vector<128x32xi1>, vector<128x32xi32>
    %reduce_min3A_379 = arith.constant dense<2147483647> : vector<128xi32>
    %reduce_min3A_380 = vector.multi_reduction <minsi>, %select_n3A_378, %reduce_min3A_379 [1] : vector<128x32xi32> to vector<128xi32>
    %broadcast_in_dim3A_381 = vector.shape_cast %reduce_min3A_380 : vector<128xi32> to vector<128x1xi32>
    %eq3A_382 = vector.broadcast %broadcast_in_dim3A_381 : vector<128x1xi32> to vector<128x32xi32>
    %eq3A_383 = arith.cmpi eq, %iota3A, %eq3A_382 : vector<128x32xi32>
    %jit3A_384 = arith.constant 0 : i32
    %broadcast_in_dim3A_385 = vector.broadcast %jit3A_384 : i32 to vector<128x32xi32>
    %select_n3A_386 = arith.select %eq3A_383, %get3A_269, %broadcast_in_dim3A_385 : vector<128x32xi1>, vector<128x32xi32>
    %reduce_sum3A_387 = arith.constant dense<0> : vector<128xi32>
    %reduce_sum3A_388 = vector.multi_reduction <add>, %select_n3A_386, %reduce_sum3A_387 [1] : vector<128x32xi32> to vector<128xi32>
    %jit3A_389 = arith.constant 0 : i32
    %broadcast_in_dim3A_390 = vector.broadcast %jit3A_389 : i32 to vector<128x32xi32>
    %select_n3A_391 = arith.select %eq3A_383, %get3A_156, %broadcast_in_dim3A_390 : vector<128x32xi1>, vector<128x32xi32>
    %reduce_sum3A_392 = arith.constant dense<0> : vector<128xi32>
    %reduce_sum3A_393 = vector.multi_reduction <add>, %select_n3A_391, %reduce_sum3A_392 [1] : vector<128x32xi32> to vector<128xi32>
    %jit3A_394 = arith.constant -1.000000e+30 : f32
    %broadcast_in_dim3A_395 = vector.broadcast %jit3A_394 : f32 to vector<128x32xf32>
    %select_n3A_396 = arith.select %eq3A_383, %broadcast_in_dim3A_395, %select_n3A_370 : vector<128x32xi1>, vector<128x32xf32>
    %reduce_max3A_397 = arith.constant dense<0xFF800000> : vector<128xf32>
    %reduce_max3A_398 = vector.multi_reduction <maximumf>, %select_n3A_396, %reduce_max3A_397 [1] : vector<128x32xf32> to vector<128xf32>
    %broadcast_in_dim3A_399 = vector.shape_cast %reduce_max3A_398 : vector<128xf32> to vector<128x1xf32>
    %eq3A_400 = vector.broadcast %broadcast_in_dim3A_399 : vector<128x1xf32> to vector<128x32xf32>
    %eq3A_401 = arith.cmpf oeq, %select_n3A_396, %eq3A_400 : vector<128x32xf32>
    %jit3A_402 = arith.constant 32 : i32
    %broadcast_in_dim3A_403 = vector.broadcast %jit3A_402 : i32 to vector<128x32xi32>
    %select_n3A_404 = arith.select %eq3A_401, %iota3A, %broadcast_in_dim3A_403 : vector<128x32xi1>, vector<128x32xi32>
    %reduce_min3A_405 = arith.constant dense<2147483647> : vector<128xi32>
    %reduce_min3A_406 = vector.multi_reduction <minsi>, %select_n3A_404, %reduce_min3A_405 [1] : vector<128x32xi32> to vector<128xi32>
    %broadcast_in_dim3A_407 = vector.shape_cast %reduce_min3A_406 : vector<128xi32> to vector<128x1xi32>
    %eq3A_408 = vector.broadcast %broadcast_in_dim3A_407 : vector<128x1xi32> to vector<128x32xi32>
    %eq3A_409 = arith.cmpi eq, %iota3A, %eq3A_408 : vector<128x32xi32>
    %jit3A_410 = arith.constant 0 : i32
    %broadcast_in_dim3A_411 = vector.broadcast %jit3A_410 : i32 to vector<128x32xi32>
    %select_n3A_412 = arith.select %eq3A_409, %get3A_269, %broadcast_in_dim3A_411 : vector<128x32xi1>, vector<128x32xi32>
    %reduce_sum3A_413 = arith.constant dense<0> : vector<128xi32>
    %reduce_sum3A_414 = vector.multi_reduction <add>, %select_n3A_412, %reduce_sum3A_413 [1] : vector<128x32xi32> to vector<128xi32>
    %jit3A_415 = arith.constant 0 : i32
    %broadcast_in_dim3A_416 = vector.broadcast %jit3A_415 : i32 to vector<128x32xi32>
    %select_n3A_417 = arith.select %eq3A_409, %get3A_156, %broadcast_in_dim3A_416 : vector<128x32xi1>, vector<128x32xi32>
    %reduce_sum3A_418 = arith.constant dense<0> : vector<128xi32>
    %reduce_sum3A_419 = vector.multi_reduction <add>, %select_n3A_417, %reduce_sum3A_418 [1] : vector<128x32xi32> to vector<128xi32>
    %jit3A_420 = arith.constant -1.000000e+30 : f32
    %broadcast_in_dim3A_421 = vector.broadcast %jit3A_420 : f32 to vector<128x32xf32>
    %select_n3A_422 = arith.select %eq3A_409, %broadcast_in_dim3A_421, %select_n3A_396 : vector<128x32xi1>, vector<128x32xf32>
    %reduce_max3A_423 = arith.constant dense<0xFF800000> : vector<128xf32>
    %reduce_max3A_424 = vector.multi_reduction <maximumf>, %select_n3A_422, %reduce_max3A_423 [1] : vector<128x32xf32> to vector<128xf32>
    %broadcast_in_dim3A_425 = vector.shape_cast %reduce_max3A_424 : vector<128xf32> to vector<128x1xf32>
    %eq3A_426 = vector.broadcast %broadcast_in_dim3A_425 : vector<128x1xf32> to vector<128x32xf32>
    %eq3A_427 = arith.cmpf oeq, %select_n3A_422, %eq3A_426 : vector<128x32xf32>
    %jit3A_428 = arith.constant 32 : i32
    %broadcast_in_dim3A_429 = vector.broadcast %jit3A_428 : i32 to vector<128x32xi32>
    %select_n3A_430 = arith.select %eq3A_427, %iota3A, %broadcast_in_dim3A_429 : vector<128x32xi1>, vector<128x32xi32>
    %reduce_min3A_431 = arith.constant dense<2147483647> : vector<128xi32>
    %reduce_min3A_432 = vector.multi_reduction <minsi>, %select_n3A_430, %reduce_min3A_431 [1] : vector<128x32xi32> to vector<128xi32>
    %broadcast_in_dim3A_433 = vector.shape_cast %reduce_min3A_432 : vector<128xi32> to vector<128x1xi32>
    %eq3A_434 = vector.broadcast %broadcast_in_dim3A_433 : vector<128x1xi32> to vector<128x32xi32>
    %eq3A_435 = arith.cmpi eq, %iota3A, %eq3A_434 : vector<128x32xi32>
    %jit3A_436 = arith.constant 0 : i32
    %broadcast_in_dim3A_437 = vector.broadcast %jit3A_436 : i32 to vector<128x32xi32>
    %select_n3A_438 = arith.select %eq3A_435, %get3A_269, %broadcast_in_dim3A_437 : vector<128x32xi1>, vector<128x32xi32>
    %reduce_sum3A_439 = arith.constant dense<0> : vector<128xi32>
    %reduce_sum3A_440 = vector.multi_reduction <add>, %select_n3A_438, %reduce_sum3A_439 [1] : vector<128x32xi32> to vector<128xi32>
    %jit3A_441 = arith.constant 0 : i32
    %broadcast_in_dim3A_442 = vector.broadcast %jit3A_441 : i32 to vector<128x32xi32>
    %select_n3A_443 = arith.select %eq3A_435, %get3A_156, %broadcast_in_dim3A_442 : vector<128x32xi1>, vector<128x32xi32>
    %reduce_sum3A_444 = arith.constant dense<0> : vector<128xi32>
    %reduce_sum3A_445 = vector.multi_reduction <add>, %select_n3A_443, %reduce_sum3A_444 [1] : vector<128x32xi32> to vector<128xi32>
    %jit3A_446 = arith.constant -1.000000e+30 : f32
    %broadcast_in_dim3A_447 = vector.broadcast %jit3A_446 : f32 to vector<128x32xf32>
    %select_n3A_448 = arith.select %eq3A_435, %broadcast_in_dim3A_447, %select_n3A_422 : vector<128x32xi1>, vector<128x32xf32>
    %reduce_max3A_449 = arith.constant dense<0xFF800000> : vector<128xf32>
    %reduce_max3A_450 = vector.multi_reduction <maximumf>, %select_n3A_448, %reduce_max3A_449 [1] : vector<128x32xf32> to vector<128xf32>
    %broadcast_in_dim3A_451 = vector.shape_cast %reduce_max3A_450 : vector<128xf32> to vector<128x1xf32>
    %eq3A_452 = vector.broadcast %broadcast_in_dim3A_451 : vector<128x1xf32> to vector<128x32xf32>
    %eq3A_453 = arith.cmpf oeq, %select_n3A_448, %eq3A_452 : vector<128x32xf32>
    %jit3A_454 = arith.constant 32 : i32
    %broadcast_in_dim3A_455 = vector.broadcast %jit3A_454 : i32 to vector<128x32xi32>
    %select_n3A_456 = arith.select %eq3A_453, %iota3A, %broadcast_in_dim3A_455 : vector<128x32xi1>, vector<128x32xi32>
    %reduce_min3A_457 = arith.constant dense<2147483647> : vector<128xi32>
    %reduce_min3A_458 = vector.multi_reduction <minsi>, %select_n3A_456, %reduce_min3A_457 [1] : vector<128x32xi32> to vector<128xi32>
    %broadcast_in_dim3A_459 = vector.shape_cast %reduce_min3A_458 : vector<128xi32> to vector<128x1xi32>
    %eq3A_460 = vector.broadcast %broadcast_in_dim3A_459 : vector<128x1xi32> to vector<128x32xi32>
    %eq3A_461 = arith.cmpi eq, %iota3A, %eq3A_460 : vector<128x32xi32>
    %jit3A_462 = arith.constant 0 : i32
    %broadcast_in_dim3A_463 = vector.broadcast %jit3A_462 : i32 to vector<128x32xi32>
    %select_n3A_464 = arith.select %eq3A_461, %get3A_269, %broadcast_in_dim3A_463 : vector<128x32xi1>, vector<128x32xi32>
    %reduce_sum3A_465 = arith.constant dense<0> : vector<128xi32>
    %reduce_sum3A_466 = vector.multi_reduction <add>, %select_n3A_464, %reduce_sum3A_465 [1] : vector<128x32xi32> to vector<128xi32>
    %jit3A_467 = arith.constant 0 : i32
    %broadcast_in_dim3A_468 = vector.broadcast %jit3A_467 : i32 to vector<128x32xi32>
    %select_n3A_469 = arith.select %eq3A_461, %get3A_156, %broadcast_in_dim3A_468 : vector<128x32xi1>, vector<128x32xi32>
    %reduce_sum3A_470 = arith.constant dense<0> : vector<128xi32>
    %reduce_sum3A_471 = vector.multi_reduction <add>, %select_n3A_469, %reduce_sum3A_470 [1] : vector<128x32xi32> to vector<128xi32>
    %jit3A_472 = arith.constant -1.000000e+30 : f32
    %broadcast_in_dim3A_473 = vector.broadcast %jit3A_472 : f32 to vector<128x32xf32>
    %select_n3A_474 = arith.select %eq3A_461, %broadcast_in_dim3A_473, %select_n3A_448 : vector<128x32xi1>, vector<128x32xf32>
    %reduce_max3A_475 = arith.constant dense<0xFF800000> : vector<128xf32>
    %reduce_max3A_476 = vector.multi_reduction <maximumf>, %select_n3A_474, %reduce_max3A_475 [1] : vector<128x32xf32> to vector<128xf32>
    %broadcast_in_dim3A_477 = vector.shape_cast %reduce_max3A_476 : vector<128xf32> to vector<128x1xf32>
    %eq3A_478 = vector.broadcast %broadcast_in_dim3A_477 : vector<128x1xf32> to vector<128x32xf32>
    %eq3A_479 = arith.cmpf oeq, %select_n3A_474, %eq3A_478 : vector<128x32xf32>
    %jit3A_480 = arith.constant 32 : i32
    %broadcast_in_dim3A_481 = vector.broadcast %jit3A_480 : i32 to vector<128x32xi32>
    %select_n3A_482 = arith.select %eq3A_479, %iota3A, %broadcast_in_dim3A_481 : vector<128x32xi1>, vector<128x32xi32>
    %reduce_min3A_483 = arith.constant dense<2147483647> : vector<128xi32>
    %reduce_min3A_484 = vector.multi_reduction <minsi>, %select_n3A_482, %reduce_min3A_483 [1] : vector<128x32xi32> to vector<128xi32>
    %broadcast_in_dim3A_485 = vector.shape_cast %reduce_min3A_484 : vector<128xi32> to vector<128x1xi32>
    %eq3A_486 = vector.broadcast %broadcast_in_dim3A_485 : vector<128x1xi32> to vector<128x32xi32>
    %eq3A_487 = arith.cmpi eq, %iota3A, %eq3A_486 : vector<128x32xi32>
    %jit3A_488 = arith.constant 0 : i32
    %broadcast_in_dim3A_489 = vector.broadcast %jit3A_488 : i32 to vector<128x32xi32>
    %select_n3A_490 = arith.select %eq3A_487, %get3A_269, %broadcast_in_dim3A_489 : vector<128x32xi1>, vector<128x32xi32>
    %reduce_sum3A_491 = arith.constant dense<0> : vector<128xi32>
    %reduce_sum3A_492 = vector.multi_reduction <add>, %select_n3A_490, %reduce_sum3A_491 [1] : vector<128x32xi32> to vector<128xi32>
    %jit3A_493 = arith.constant 0 : i32
    %broadcast_in_dim3A_494 = vector.broadcast %jit3A_493 : i32 to vector<128x32xi32>
    %select_n3A_495 = arith.select %eq3A_487, %get3A_156, %broadcast_in_dim3A_494 : vector<128x32xi1>, vector<128x32xi32>
    %reduce_sum3A_496 = arith.constant dense<0> : vector<128xi32>
    %reduce_sum3A_497 = vector.multi_reduction <add>, %select_n3A_495, %reduce_sum3A_496 [1] : vector<128x32xi32> to vector<128xi32>
    %jit3A_498 = arith.constant -1.000000e+30 : f32
    %broadcast_in_dim3A_499 = vector.broadcast %jit3A_498 : f32 to vector<128x32xf32>
    %select_n3A_500 = arith.select %eq3A_487, %broadcast_in_dim3A_499, %select_n3A_474 : vector<128x32xi1>, vector<128x32xf32>
    %reduce_max3A_501 = arith.constant dense<0xFF800000> : vector<128xf32>
    %reduce_max3A_502 = vector.multi_reduction <maximumf>, %select_n3A_500, %reduce_max3A_501 [1] : vector<128x32xf32> to vector<128xf32>
    %broadcast_in_dim3A_503 = vector.shape_cast %reduce_max3A_502 : vector<128xf32> to vector<128x1xf32>
    %eq3A_504 = vector.broadcast %broadcast_in_dim3A_503 : vector<128x1xf32> to vector<128x32xf32>
    %eq3A_505 = arith.cmpf oeq, %select_n3A_500, %eq3A_504 : vector<128x32xf32>
    %jit3A_506 = arith.constant 32 : i32
    %broadcast_in_dim3A_507 = vector.broadcast %jit3A_506 : i32 to vector<128x32xi32>
    %select_n3A_508 = arith.select %eq3A_505, %iota3A, %broadcast_in_dim3A_507 : vector<128x32xi1>, vector<128x32xi32>
    %reduce_min3A_509 = arith.constant dense<2147483647> : vector<128xi32>
    %reduce_min3A_510 = vector.multi_reduction <minsi>, %select_n3A_508, %reduce_min3A_509 [1] : vector<128x32xi32> to vector<128xi32>
    %broadcast_in_dim3A_511 = vector.shape_cast %reduce_min3A_510 : vector<128xi32> to vector<128x1xi32>
    %eq3A_512 = vector.broadcast %broadcast_in_dim3A_511 : vector<128x1xi32> to vector<128x32xi32>
    %eq3A_513 = arith.cmpi eq, %iota3A, %eq3A_512 : vector<128x32xi32>
    %jit3A_514 = arith.constant 0 : i32
    %broadcast_in_dim3A_515 = vector.broadcast %jit3A_514 : i32 to vector<128x32xi32>
    %select_n3A_516 = arith.select %eq3A_513, %get3A_269, %broadcast_in_dim3A_515 : vector<128x32xi1>, vector<128x32xi32>
    %reduce_sum3A_517 = arith.constant dense<0> : vector<128xi32>
    %reduce_sum3A_518 = vector.multi_reduction <add>, %select_n3A_516, %reduce_sum3A_517 [1] : vector<128x32xi32> to vector<128xi32>
    %jit3A_519 = arith.constant 0 : i32
    %broadcast_in_dim3A_520 = vector.broadcast %jit3A_519 : i32 to vector<128x32xi32>
    %select_n3A_521 = arith.select %eq3A_513, %get3A_156, %broadcast_in_dim3A_520 : vector<128x32xi1>, vector<128x32xi32>
    %reduce_sum3A_522 = arith.constant dense<0> : vector<128xi32>
    %reduce_sum3A_523 = vector.multi_reduction <add>, %select_n3A_521, %reduce_sum3A_522 [1] : vector<128x32xi32> to vector<128xi32>
    %jit3A_524 = arith.constant -1.000000e+30 : f32
    %broadcast_in_dim3A_525 = vector.broadcast %jit3A_524 : f32 to vector<128x32xf32>
    %select_n3A_526 = arith.select %eq3A_513, %broadcast_in_dim3A_525, %select_n3A_500 : vector<128x32xi1>, vector<128x32xf32>
    %reduce_max3A_527 = arith.constant dense<0xFF800000> : vector<128xf32>
    %reduce_max3A_528 = vector.multi_reduction <maximumf>, %select_n3A_526, %reduce_max3A_527 [1] : vector<128x32xf32> to vector<128xf32>
    %broadcast_in_dim3A_529 = vector.shape_cast %reduce_max3A_528 : vector<128xf32> to vector<128x1xf32>
    %eq3A_530 = vector.broadcast %broadcast_in_dim3A_529 : vector<128x1xf32> to vector<128x32xf32>
    %eq3A_531 = arith.cmpf oeq, %select_n3A_526, %eq3A_530 : vector<128x32xf32>
    %jit3A_532 = arith.constant 32 : i32
    %broadcast_in_dim3A_533 = vector.broadcast %jit3A_532 : i32 to vector<128x32xi32>
    %select_n3A_534 = arith.select %eq3A_531, %iota3A, %broadcast_in_dim3A_533 : vector<128x32xi1>, vector<128x32xi32>
    %reduce_min3A_535 = arith.constant dense<2147483647> : vector<128xi32>
    %reduce_min3A_536 = vector.multi_reduction <minsi>, %select_n3A_534, %reduce_min3A_535 [1] : vector<128x32xi32> to vector<128xi32>
    %broadcast_in_dim3A_537 = vector.shape_cast %reduce_min3A_536 : vector<128xi32> to vector<128x1xi32>
    %eq3A_538 = vector.broadcast %broadcast_in_dim3A_537 : vector<128x1xi32> to vector<128x32xi32>
    %eq3A_539 = arith.cmpi eq, %iota3A, %eq3A_538 : vector<128x32xi32>
    %jit3A_540 = arith.constant 0 : i32
    %broadcast_in_dim3A_541 = vector.broadcast %jit3A_540 : i32 to vector<128x32xi32>
    %select_n3A_542 = arith.select %eq3A_539, %get3A_269, %broadcast_in_dim3A_541 : vector<128x32xi1>, vector<128x32xi32>
    %reduce_sum3A_543 = arith.constant dense<0> : vector<128xi32>
    %reduce_sum3A_544 = vector.multi_reduction <add>, %select_n3A_542, %reduce_sum3A_543 [1] : vector<128x32xi32> to vector<128xi32>
    %jit3A_545 = arith.constant 0 : i32
    %broadcast_in_dim3A_546 = vector.broadcast %jit3A_545 : i32 to vector<128x32xi32>
    %select_n3A_547 = arith.select %eq3A_539, %get3A_156, %broadcast_in_dim3A_546 : vector<128x32xi1>, vector<128x32xi32>
    %reduce_sum3A_548 = arith.constant dense<0> : vector<128xi32>
    %reduce_sum3A_549 = vector.multi_reduction <add>, %select_n3A_547, %reduce_sum3A_548 [1] : vector<128x32xi32> to vector<128xi32>
    %jit3A_550 = arith.constant -1.000000e+30 : f32
    %broadcast_in_dim3A_551 = vector.broadcast %jit3A_550 : f32 to vector<128x32xf32>
    %select_n3A_552 = arith.select %eq3A_539, %broadcast_in_dim3A_551, %select_n3A_526 : vector<128x32xi1>, vector<128x32xf32>
    %reduce_max3A_553 = arith.constant dense<0xFF800000> : vector<128xf32>
    %reduce_max3A_554 = vector.multi_reduction <maximumf>, %select_n3A_552, %reduce_max3A_553 [1] : vector<128x32xf32> to vector<128xf32>
    %broadcast_in_dim3A_555 = vector.shape_cast %reduce_max3A_554 : vector<128xf32> to vector<128x1xf32>
    %eq3A_556 = vector.broadcast %broadcast_in_dim3A_555 : vector<128x1xf32> to vector<128x32xf32>
    %eq3A_557 = arith.cmpf oeq, %select_n3A_552, %eq3A_556 : vector<128x32xf32>
    %jit3A_558 = arith.constant 32 : i32
    %broadcast_in_dim3A_559 = vector.broadcast %jit3A_558 : i32 to vector<128x32xi32>
    %select_n3A_560 = arith.select %eq3A_557, %iota3A, %broadcast_in_dim3A_559 : vector<128x32xi1>, vector<128x32xi32>
    %reduce_min3A_561 = arith.constant dense<2147483647> : vector<128xi32>
    %reduce_min3A_562 = vector.multi_reduction <minsi>, %select_n3A_560, %reduce_min3A_561 [1] : vector<128x32xi32> to vector<128xi32>
    %broadcast_in_dim3A_563 = vector.shape_cast %reduce_min3A_562 : vector<128xi32> to vector<128x1xi32>
    %eq3A_564 = vector.broadcast %broadcast_in_dim3A_563 : vector<128x1xi32> to vector<128x32xi32>
    %eq3A_565 = arith.cmpi eq, %iota3A, %eq3A_564 : vector<128x32xi32>
    %jit3A_566 = arith.constant 0 : i32
    %broadcast_in_dim3A_567 = vector.broadcast %jit3A_566 : i32 to vector<128x32xi32>
    %select_n3A_568 = arith.select %eq3A_565, %get3A_269, %broadcast_in_dim3A_567 : vector<128x32xi1>, vector<128x32xi32>
    %reduce_sum3A_569 = arith.constant dense<0> : vector<128xi32>
    %reduce_sum3A_570 = vector.multi_reduction <add>, %select_n3A_568, %reduce_sum3A_569 [1] : vector<128x32xi32> to vector<128xi32>
    %jit3A_571 = arith.constant 0 : i32
    %broadcast_in_dim3A_572 = vector.broadcast %jit3A_571 : i32 to vector<128x32xi32>
    %select_n3A_573 = arith.select %eq3A_565, %get3A_156, %broadcast_in_dim3A_572 : vector<128x32xi1>, vector<128x32xi32>
    %reduce_sum3A_574 = arith.constant dense<0> : vector<128xi32>
    %reduce_sum3A_575 = vector.multi_reduction <add>, %select_n3A_573, %reduce_sum3A_574 [1] : vector<128x32xi32> to vector<128xi32>
    %jit3A_576 = arith.constant -1.000000e+30 : f32
    %broadcast_in_dim3A_577 = vector.broadcast %jit3A_576 : f32 to vector<128x32xf32>
    %select_n3A_578 = arith.select %eq3A_565, %broadcast_in_dim3A_577, %select_n3A_552 : vector<128x32xi1>, vector<128x32xf32>
    %reduce_max3A_579 = arith.constant dense<0xFF800000> : vector<128xf32>
    %reduce_max3A_580 = vector.multi_reduction <maximumf>, %select_n3A_578, %reduce_max3A_579 [1] : vector<128x32xf32> to vector<128xf32>
    %broadcast_in_dim3A_581 = vector.shape_cast %reduce_max3A_580 : vector<128xf32> to vector<128x1xf32>
    %eq3A_582 = vector.broadcast %broadcast_in_dim3A_581 : vector<128x1xf32> to vector<128x32xf32>
    %eq3A_583 = arith.cmpf oeq, %select_n3A_578, %eq3A_582 : vector<128x32xf32>
    %jit3A_584 = arith.constant 32 : i32
    %broadcast_in_dim3A_585 = vector.broadcast %jit3A_584 : i32 to vector<128x32xi32>
    %select_n3A_586 = arith.select %eq3A_583, %iota3A, %broadcast_in_dim3A_585 : vector<128x32xi1>, vector<128x32xi32>
    %reduce_min3A_587 = arith.constant dense<2147483647> : vector<128xi32>
    %reduce_min3A_588 = vector.multi_reduction <minsi>, %select_n3A_586, %reduce_min3A_587 [1] : vector<128x32xi32> to vector<128xi32>
    %broadcast_in_dim3A_589 = vector.shape_cast %reduce_min3A_588 : vector<128xi32> to vector<128x1xi32>
    %eq3A_590 = vector.broadcast %broadcast_in_dim3A_589 : vector<128x1xi32> to vector<128x32xi32>
    %eq3A_591 = arith.cmpi eq, %iota3A, %eq3A_590 : vector<128x32xi32>
    %jit3A_592 = arith.constant 0 : i32
    %broadcast_in_dim3A_593 = vector.broadcast %jit3A_592 : i32 to vector<128x32xi32>
    %select_n3A_594 = arith.select %eq3A_591, %get3A_269, %broadcast_in_dim3A_593 : vector<128x32xi1>, vector<128x32xi32>
    %reduce_sum3A_595 = arith.constant dense<0> : vector<128xi32>
    %reduce_sum3A_596 = vector.multi_reduction <add>, %select_n3A_594, %reduce_sum3A_595 [1] : vector<128x32xi32> to vector<128xi32>
    %jit3A_597 = arith.constant 0 : i32
    %broadcast_in_dim3A_598 = vector.broadcast %jit3A_597 : i32 to vector<128x32xi32>
    %select_n3A_599 = arith.select %eq3A_591, %get3A_156, %broadcast_in_dim3A_598 : vector<128x32xi1>, vector<128x32xi32>
    %reduce_sum3A_600 = arith.constant dense<0> : vector<128xi32>
    %reduce_sum3A_601 = vector.multi_reduction <add>, %select_n3A_599, %reduce_sum3A_600 [1] : vector<128x32xi32> to vector<128xi32>
    %jit3A_602 = arith.constant -1.000000e+30 : f32
    %broadcast_in_dim3A_603 = vector.broadcast %jit3A_602 : f32 to vector<128x32xf32>
    %select_n3A_604 = arith.select %eq3A_591, %broadcast_in_dim3A_603, %select_n3A_578 : vector<128x32xi1>, vector<128x32xf32>
    %reduce_max3A_605 = arith.constant dense<0xFF800000> : vector<128xf32>
    %reduce_max3A_606 = vector.multi_reduction <maximumf>, %select_n3A_604, %reduce_max3A_605 [1] : vector<128x32xf32> to vector<128xf32>
    %broadcast_in_dim3A_607 = vector.shape_cast %reduce_max3A_606 : vector<128xf32> to vector<128x1xf32>
    %eq3A_608 = vector.broadcast %broadcast_in_dim3A_607 : vector<128x1xf32> to vector<128x32xf32>
    %eq3A_609 = arith.cmpf oeq, %select_n3A_604, %eq3A_608 : vector<128x32xf32>
    %jit3A_610 = arith.constant 32 : i32
    %broadcast_in_dim3A_611 = vector.broadcast %jit3A_610 : i32 to vector<128x32xi32>
    %select_n3A_612 = arith.select %eq3A_609, %iota3A, %broadcast_in_dim3A_611 : vector<128x32xi1>, vector<128x32xi32>
    %reduce_min3A_613 = arith.constant dense<2147483647> : vector<128xi32>
    %reduce_min3A_614 = vector.multi_reduction <minsi>, %select_n3A_612, %reduce_min3A_613 [1] : vector<128x32xi32> to vector<128xi32>
    %broadcast_in_dim3A_615 = vector.shape_cast %reduce_min3A_614 : vector<128xi32> to vector<128x1xi32>
    %eq3A_616 = vector.broadcast %broadcast_in_dim3A_615 : vector<128x1xi32> to vector<128x32xi32>
    %eq3A_617 = arith.cmpi eq, %iota3A, %eq3A_616 : vector<128x32xi32>
    %jit3A_618 = arith.constant 0 : i32
    %broadcast_in_dim3A_619 = vector.broadcast %jit3A_618 : i32 to vector<128x32xi32>
    %select_n3A_620 = arith.select %eq3A_617, %get3A_269, %broadcast_in_dim3A_619 : vector<128x32xi1>, vector<128x32xi32>
    %reduce_sum3A_621 = arith.constant dense<0> : vector<128xi32>
    %reduce_sum3A_622 = vector.multi_reduction <add>, %select_n3A_620, %reduce_sum3A_621 [1] : vector<128x32xi32> to vector<128xi32>
    %jit3A_623 = arith.constant 0 : i32
    %broadcast_in_dim3A_624 = vector.broadcast %jit3A_623 : i32 to vector<128x32xi32>
    %select_n3A_625 = arith.select %eq3A_617, %get3A_156, %broadcast_in_dim3A_624 : vector<128x32xi1>, vector<128x32xi32>
    %reduce_sum3A_626 = arith.constant dense<0> : vector<128xi32>
    %reduce_sum3A_627 = vector.multi_reduction <add>, %select_n3A_625, %reduce_sum3A_626 [1] : vector<128x32xi32> to vector<128xi32>
    %jit3A_628 = arith.constant -1.000000e+30 : f32
    %broadcast_in_dim3A_629 = vector.broadcast %jit3A_628 : f32 to vector<128x32xf32>
    %select_n3A_630 = arith.select %eq3A_617, %broadcast_in_dim3A_629, %select_n3A_604 : vector<128x32xi1>, vector<128x32xf32>
    %reduce_max3A_631 = arith.constant dense<0xFF800000> : vector<128xf32>
    %reduce_max3A_632 = vector.multi_reduction <maximumf>, %select_n3A_630, %reduce_max3A_631 [1] : vector<128x32xf32> to vector<128xf32>
    %broadcast_in_dim3A_633 = vector.shape_cast %reduce_max3A_632 : vector<128xf32> to vector<128x1xf32>
    %eq3A_634 = vector.broadcast %broadcast_in_dim3A_633 : vector<128x1xf32> to vector<128x32xf32>
    %eq3A_635 = arith.cmpf oeq, %select_n3A_630, %eq3A_634 : vector<128x32xf32>
    %jit3A_636 = arith.constant 32 : i32
    %broadcast_in_dim3A_637 = vector.broadcast %jit3A_636 : i32 to vector<128x32xi32>
    %select_n3A_638 = arith.select %eq3A_635, %iota3A, %broadcast_in_dim3A_637 : vector<128x32xi1>, vector<128x32xi32>
    %reduce_min3A_639 = arith.constant dense<2147483647> : vector<128xi32>
    %reduce_min3A_640 = vector.multi_reduction <minsi>, %select_n3A_638, %reduce_min3A_639 [1] : vector<128x32xi32> to vector<128xi32>
    %broadcast_in_dim3A_641 = vector.shape_cast %reduce_min3A_640 : vector<128xi32> to vector<128x1xi32>
    %eq3A_642 = vector.broadcast %broadcast_in_dim3A_641 : vector<128x1xi32> to vector<128x32xi32>
    %eq3A_643 = arith.cmpi eq, %iota3A, %eq3A_642 : vector<128x32xi32>
    %jit3A_644 = arith.constant 0 : i32
    %broadcast_in_dim3A_645 = vector.broadcast %jit3A_644 : i32 to vector<128x32xi32>
    %select_n3A_646 = arith.select %eq3A_643, %get3A_269, %broadcast_in_dim3A_645 : vector<128x32xi1>, vector<128x32xi32>
    %reduce_sum3A_647 = arith.constant dense<0> : vector<128xi32>
    %reduce_sum3A_648 = vector.multi_reduction <add>, %select_n3A_646, %reduce_sum3A_647 [1] : vector<128x32xi32> to vector<128xi32>
    %jit3A_649 = arith.constant 0 : i32
    %broadcast_in_dim3A_650 = vector.broadcast %jit3A_649 : i32 to vector<128x32xi32>
    %select_n3A_651 = arith.select %eq3A_643, %get3A_156, %broadcast_in_dim3A_650 : vector<128x32xi1>, vector<128x32xi32>
    %reduce_sum3A_652 = arith.constant dense<0> : vector<128xi32>
    %reduce_sum3A_653 = vector.multi_reduction <add>, %select_n3A_651, %reduce_sum3A_652 [1] : vector<128x32xi32> to vector<128xi32>
    %jit3A_654 = arith.constant -1.000000e+30 : f32
    %broadcast_in_dim3A_655 = vector.broadcast %jit3A_654 : f32 to vector<128x32xf32>
    %select_n3A_656 = arith.select %eq3A_643, %broadcast_in_dim3A_655, %select_n3A_630 : vector<128x32xi1>, vector<128x32xf32>
    %reduce_max3A_657 = arith.constant dense<0xFF800000> : vector<128xf32>
    %reduce_max3A_658 = vector.multi_reduction <maximumf>, %select_n3A_656, %reduce_max3A_657 [1] : vector<128x32xf32> to vector<128xf32>
    %broadcast_in_dim3A_659 = vector.shape_cast %reduce_max3A_658 : vector<128xf32> to vector<128x1xf32>
    %eq3A_660 = vector.broadcast %broadcast_in_dim3A_659 : vector<128x1xf32> to vector<128x32xf32>
    %eq3A_661 = arith.cmpf oeq, %select_n3A_656, %eq3A_660 : vector<128x32xf32>
    %jit3A_662 = arith.constant 32 : i32
    %broadcast_in_dim3A_663 = vector.broadcast %jit3A_662 : i32 to vector<128x32xi32>
    %select_n3A_664 = arith.select %eq3A_661, %iota3A, %broadcast_in_dim3A_663 : vector<128x32xi1>, vector<128x32xi32>
    %reduce_min3A_665 = arith.constant dense<2147483647> : vector<128xi32>
    %reduce_min3A_666 = vector.multi_reduction <minsi>, %select_n3A_664, %reduce_min3A_665 [1] : vector<128x32xi32> to vector<128xi32>
    %broadcast_in_dim3A_667 = vector.shape_cast %reduce_min3A_666 : vector<128xi32> to vector<128x1xi32>
    %eq3A_668 = vector.broadcast %broadcast_in_dim3A_667 : vector<128x1xi32> to vector<128x32xi32>
    %eq3A_669 = arith.cmpi eq, %iota3A, %eq3A_668 : vector<128x32xi32>
    %jit3A_670 = arith.constant 0 : i32
    %broadcast_in_dim3A_671 = vector.broadcast %jit3A_670 : i32 to vector<128x32xi32>
    %select_n3A_672 = arith.select %eq3A_669, %get3A_269, %broadcast_in_dim3A_671 : vector<128x32xi1>, vector<128x32xi32>
    %reduce_sum3A_673 = arith.constant dense<0> : vector<128xi32>
    %reduce_sum3A_674 = vector.multi_reduction <add>, %select_n3A_672, %reduce_sum3A_673 [1] : vector<128x32xi32> to vector<128xi32>
    %jit3A_675 = arith.constant 0 : i32
    %broadcast_in_dim3A_676 = vector.broadcast %jit3A_675 : i32 to vector<128x32xi32>
    %select_n3A_677 = arith.select %eq3A_669, %get3A_156, %broadcast_in_dim3A_676 : vector<128x32xi1>, vector<128x32xi32>
    %reduce_sum3A_678 = arith.constant dense<0> : vector<128xi32>
    %reduce_sum3A_679 = vector.multi_reduction <add>, %select_n3A_677, %reduce_sum3A_678 [1] : vector<128x32xi32> to vector<128xi32>
    %stack3A = vector.shape_cast %reduce_sum3A_284 : vector<128xi32> to vector<128x1xi32>
    %stack3A_680 = vector.shape_cast %reduce_sum3A_310 : vector<128xi32> to vector<128x1xi32>
    %stack3A_681 = vector.shape_cast %reduce_sum3A_336 : vector<128xi32> to vector<128x1xi32>
    %stack3A_682 = vector.shape_cast %reduce_sum3A_362 : vector<128xi32> to vector<128x1xi32>
    %stack3A_683 = vector.shape_cast %reduce_sum3A_388 : vector<128xi32> to vector<128x1xi32>
    %stack3A_684 = vector.shape_cast %reduce_sum3A_414 : vector<128xi32> to vector<128x1xi32>
    %stack3A_685 = vector.shape_cast %reduce_sum3A_440 : vector<128xi32> to vector<128x1xi32>
    %stack3A_686 = vector.shape_cast %reduce_sum3A_466 : vector<128xi32> to vector<128x1xi32>
    %stack3A_687 = vector.shape_cast %reduce_sum3A_492 : vector<128xi32> to vector<128x1xi32>
    %stack3A_688 = vector.shape_cast %reduce_sum3A_518 : vector<128xi32> to vector<128x1xi32>
    %stack3A_689 = vector.shape_cast %reduce_sum3A_544 : vector<128xi32> to vector<128x1xi32>
    %stack3A_690 = vector.shape_cast %reduce_sum3A_570 : vector<128xi32> to vector<128x1xi32>
    %stack3A_691 = vector.shape_cast %reduce_sum3A_596 : vector<128xi32> to vector<128x1xi32>
    %stack3A_692 = vector.shape_cast %reduce_sum3A_622 : vector<128xi32> to vector<128x1xi32>
    %stack3A_693 = vector.shape_cast %reduce_sum3A_648 : vector<128xi32> to vector<128x1xi32>
    %stack3A_694 = vector.shape_cast %reduce_sum3A_674 : vector<128xi32> to vector<128x1xi32>
    %stack3A_695 = tpu.concatenate %stack3A, %stack3A_680, %stack3A_681, %stack3A_682, %stack3A_683, %stack3A_684, %stack3A_685, %stack3A_686, %stack3A_687, %stack3A_688, %stack3A_689, %stack3A_690, %stack3A_691, %stack3A_692, %stack3A_693, %stack3A_694 in 1 : vector<128x1xi32>, vector<128x1xi32>, vector<128x1xi32>, vector<128x1xi32>, vector<128x1xi32>, vector<128x1xi32>, vector<128x1xi32>, vector<128x1xi32>, vector<128x1xi32>, vector<128x1xi32>, vector<128x1xi32>, vector<128x1xi32>, vector<128x1xi32>, vector<128x1xi32>, vector<128x1xi32>, vector<128x1xi32> -> vector<128x16xi32>
    %stack3A_696 = vector.shape_cast %reduce_sum3A_289 : vector<128xi32> to vector<128x1xi32>
    %stack3A_697 = vector.shape_cast %reduce_sum3A_315 : vector<128xi32> to vector<128x1xi32>
    %stack3A_698 = vector.shape_cast %reduce_sum3A_341 : vector<128xi32> to vector<128x1xi32>
    %stack3A_699 = vector.shape_cast %reduce_sum3A_367 : vector<128xi32> to vector<128x1xi32>
    %stack3A_700 = vector.shape_cast %reduce_sum3A_393 : vector<128xi32> to vector<128x1xi32>
    %stack3A_701 = vector.shape_cast %reduce_sum3A_419 : vector<128xi32> to vector<128x1xi32>
    %stack3A_702 = vector.shape_cast %reduce_sum3A_445 : vector<128xi32> to vector<128x1xi32>
    %stack3A_703 = vector.shape_cast %reduce_sum3A_471 : vector<128xi32> to vector<128x1xi32>
    %stack3A_704 = vector.shape_cast %reduce_sum3A_497 : vector<128xi32> to vector<128x1xi32>
    %stack3A_705 = vector.shape_cast %reduce_sum3A_523 : vector<128xi32> to vector<128x1xi32>
    %stack3A_706 = vector.shape_cast %reduce_sum3A_549 : vector<128xi32> to vector<128x1xi32>
    %stack3A_707 = vector.shape_cast %reduce_sum3A_575 : vector<128xi32> to vector<128x1xi32>
    %stack3A_708 = vector.shape_cast %reduce_sum3A_601 : vector<128xi32> to vector<128x1xi32>
    %stack3A_709 = vector.shape_cast %reduce_sum3A_627 : vector<128xi32> to vector<128x1xi32>
    %stack3A_710 = vector.shape_cast %reduce_sum3A_653 : vector<128xi32> to vector<128x1xi32>
    %stack3A_711 = vector.shape_cast %reduce_sum3A_679 : vector<128xi32> to vector<128x1xi32>
    %stack3A_712 = tpu.concatenate %stack3A_696, %stack3A_697, %stack3A_698, %stack3A_699, %stack3A_700, %stack3A_701, %stack3A_702, %stack3A_703, %stack3A_704, %stack3A_705, %stack3A_706, %stack3A_707, %stack3A_708, %stack3A_709, %stack3A_710, %stack3A_711 in 1 : vector<128x1xi32>, vector<128x1xi32>, vector<128x1xi32>, vector<128x1xi32>, vector<128x1xi32>, vector<128x1xi32>, vector<128x1xi32>, vector<128x1xi32>, vector<128x1xi32>, vector<128x1xi32>, vector<128x1xi32>, vector<128x1xi32>, vector<128x1xi32>, vector<128x1xi32>, vector<128x1xi32>, vector<128x1xi32> -> vector<128x16xi32>
    %broadcast_in_dim3A_713 = arith.constant 0.000000e+00 : f32
    %broadcast_in_dim3A_714 = vector.broadcast %broadcast_in_dim3A_713 : f32 to vector<128x16x128xf32>
    %broadcast_in_dim3A_715 = vector.shape_cast %stack3A_712 : vector<128x16xi32> to vector<128x16x1xi32>
    %eq3A_716 = arith.constant 0 : i32
    %eq3A_717 = vector.broadcast %eq3A_716 : i32 to vector<128x16x1xi32>
    %eq3A_718 = arith.cmpi eq, %broadcast_in_dim3A_715, %eq3A_717 : vector<128x16x1xi32>
    %slice3A_719 = vector.extract_strided_slice %add3A_128 {offsets = [0, 0, 0], sizes = [128, 1, 128], strides = [1, 1, 1]} : vector<128x12x128xf32> to vector<128x1x128xf32>
    %squeeze3A_720 = vector.shape_cast %slice3A_719 : vector<128x1x128xf32> to vector<128x128xf32>
    %broadcast_in_dim3A_721 = vector.shape_cast %squeeze3A_720 : vector<128x128xf32> to vector<128x1x128xf32>
    %broadcast_in_dim3A_722 = vector.shape_cast %eq3A_718 : vector<128x16x1xi1> to vector<128x16x1xi1>
    %broadcast_in_dim3A_723 = vector.broadcast %broadcast_in_dim3A_722 : vector<128x16x1xi1> to vector<128x16x128xi1>
    %broadcast_in_dim3A_724 = vector.shape_cast %broadcast_in_dim3A_721 : vector<128x1x128xf32> to vector<128x1x128xf32>
    %broadcast_in_dim3A_725 = vector.broadcast %broadcast_in_dim3A_724 : vector<128x1x128xf32> to vector<128x16x128xf32>
    %select_n3A_726 = arith.select %broadcast_in_dim3A_723, %broadcast_in_dim3A_725, %broadcast_in_dim3A_714 : vector<128x16x128xi1>, vector<128x16x128xf32>
    %broadcast_in_dim3A_727 = vector.shape_cast %stack3A_712 : vector<128x16xi32> to vector<128x16x1xi32>
    %eq3A_728 = arith.constant 1 : i32
    %eq3A_729 = vector.broadcast %eq3A_728 : i32 to vector<128x16x1xi32>
    %eq3A_730 = arith.cmpi eq, %broadcast_in_dim3A_727, %eq3A_729 : vector<128x16x1xi32>
    %slice3A_731 = vector.extract_strided_slice %add3A_128 {offsets = [0, 1, 0], sizes = [128, 1, 128], strides = [1, 1, 1]} : vector<128x12x128xf32> to vector<128x1x128xf32>
    %squeeze3A_732 = vector.shape_cast %slice3A_731 : vector<128x1x128xf32> to vector<128x128xf32>
    %broadcast_in_dim3A_733 = vector.shape_cast %squeeze3A_732 : vector<128x128xf32> to vector<128x1x128xf32>
    %broadcast_in_dim3A_734 = vector.shape_cast %eq3A_730 : vector<128x16x1xi1> to vector<128x16x1xi1>
    %broadcast_in_dim3A_735 = vector.broadcast %broadcast_in_dim3A_734 : vector<128x16x1xi1> to vector<128x16x128xi1>
    %broadcast_in_dim3A_736 = vector.shape_cast %broadcast_in_dim3A_733 : vector<128x1x128xf32> to vector<128x1x128xf32>
    %broadcast_in_dim3A_737 = vector.broadcast %broadcast_in_dim3A_736 : vector<128x1x128xf32> to vector<128x16x128xf32>
    %select_n3A_738 = arith.select %broadcast_in_dim3A_735, %broadcast_in_dim3A_737, %select_n3A_726 : vector<128x16x128xi1>, vector<128x16x128xf32>
    %broadcast_in_dim3A_739 = vector.shape_cast %stack3A_712 : vector<128x16xi32> to vector<128x16x1xi32>
    %eq3A_740 = arith.constant 2 : i32
    %eq3A_741 = vector.broadcast %eq3A_740 : i32 to vector<128x16x1xi32>
    %eq3A_742 = arith.cmpi eq, %broadcast_in_dim3A_739, %eq3A_741 : vector<128x16x1xi32>
    %slice3A_743 = vector.extract_strided_slice %add3A_128 {offsets = [0, 2, 0], sizes = [128, 1, 128], strides = [1, 1, 1]} : vector<128x12x128xf32> to vector<128x1x128xf32>
    %squeeze3A_744 = vector.shape_cast %slice3A_743 : vector<128x1x128xf32> to vector<128x128xf32>
    %broadcast_in_dim3A_745 = vector.shape_cast %squeeze3A_744 : vector<128x128xf32> to vector<128x1x128xf32>
    %broadcast_in_dim3A_746 = vector.shape_cast %eq3A_742 : vector<128x16x1xi1> to vector<128x16x1xi1>
    %broadcast_in_dim3A_747 = vector.broadcast %broadcast_in_dim3A_746 : vector<128x16x1xi1> to vector<128x16x128xi1>
    %broadcast_in_dim3A_748 = vector.shape_cast %broadcast_in_dim3A_745 : vector<128x1x128xf32> to vector<128x1x128xf32>
    %broadcast_in_dim3A_749 = vector.broadcast %broadcast_in_dim3A_748 : vector<128x1x128xf32> to vector<128x16x128xf32>
    %select_n3A_750 = arith.select %broadcast_in_dim3A_747, %broadcast_in_dim3A_749, %select_n3A_738 : vector<128x16x128xi1>, vector<128x16x128xf32>
    %broadcast_in_dim3A_751 = vector.shape_cast %stack3A_712 : vector<128x16xi32> to vector<128x16x1xi32>
    %eq3A_752 = arith.constant 3 : i32
    %eq3A_753 = vector.broadcast %eq3A_752 : i32 to vector<128x16x1xi32>
    %eq3A_754 = arith.cmpi eq, %broadcast_in_dim3A_751, %eq3A_753 : vector<128x16x1xi32>
    %slice3A_755 = vector.extract_strided_slice %add3A_128 {offsets = [0, 3, 0], sizes = [128, 1, 128], strides = [1, 1, 1]} : vector<128x12x128xf32> to vector<128x1x128xf32>
    %squeeze3A_756 = vector.shape_cast %slice3A_755 : vector<128x1x128xf32> to vector<128x128xf32>
    %broadcast_in_dim3A_757 = vector.shape_cast %squeeze3A_756 : vector<128x128xf32> to vector<128x1x128xf32>
    %broadcast_in_dim3A_758 = vector.shape_cast %eq3A_754 : vector<128x16x1xi1> to vector<128x16x1xi1>
    %broadcast_in_dim3A_759 = vector.broadcast %broadcast_in_dim3A_758 : vector<128x16x1xi1> to vector<128x16x128xi1>
    %broadcast_in_dim3A_760 = vector.shape_cast %broadcast_in_dim3A_757 : vector<128x1x128xf32> to vector<128x1x128xf32>
    %broadcast_in_dim3A_761 = vector.broadcast %broadcast_in_dim3A_760 : vector<128x1x128xf32> to vector<128x16x128xf32>
    %select_n3A_762 = arith.select %broadcast_in_dim3A_759, %broadcast_in_dim3A_761, %select_n3A_750 : vector<128x16x128xi1>, vector<128x16x128xf32>
    %broadcast_in_dim3A_763 = vector.shape_cast %stack3A_712 : vector<128x16xi32> to vector<128x16x1xi32>
    %eq3A_764 = arith.constant 4 : i32
    %eq3A_765 = vector.broadcast %eq3A_764 : i32 to vector<128x16x1xi32>
    %eq3A_766 = arith.cmpi eq, %broadcast_in_dim3A_763, %eq3A_765 : vector<128x16x1xi32>
    %slice3A_767 = vector.extract_strided_slice %add3A_128 {offsets = [0, 4, 0], sizes = [128, 1, 128], strides = [1, 1, 1]} : vector<128x12x128xf32> to vector<128x1x128xf32>
    %squeeze3A_768 = vector.shape_cast %slice3A_767 : vector<128x1x128xf32> to vector<128x128xf32>
    %broadcast_in_dim3A_769 = vector.shape_cast %squeeze3A_768 : vector<128x128xf32> to vector<128x1x128xf32>
    %broadcast_in_dim3A_770 = vector.shape_cast %eq3A_766 : vector<128x16x1xi1> to vector<128x16x1xi1>
    %broadcast_in_dim3A_771 = vector.broadcast %broadcast_in_dim3A_770 : vector<128x16x1xi1> to vector<128x16x128xi1>
    %broadcast_in_dim3A_772 = vector.shape_cast %broadcast_in_dim3A_769 : vector<128x1x128xf32> to vector<128x1x128xf32>
    %broadcast_in_dim3A_773 = vector.broadcast %broadcast_in_dim3A_772 : vector<128x1x128xf32> to vector<128x16x128xf32>
    %select_n3A_774 = arith.select %broadcast_in_dim3A_771, %broadcast_in_dim3A_773, %select_n3A_762 : vector<128x16x128xi1>, vector<128x16x128xf32>
    %broadcast_in_dim3A_775 = vector.shape_cast %stack3A_712 : vector<128x16xi32> to vector<128x16x1xi32>
    %eq3A_776 = arith.constant 5 : i32
    %eq3A_777 = vector.broadcast %eq3A_776 : i32 to vector<128x16x1xi32>
    %eq3A_778 = arith.cmpi eq, %broadcast_in_dim3A_775, %eq3A_777 : vector<128x16x1xi32>
    %slice3A_779 = vector.extract_strided_slice %add3A_128 {offsets = [0, 5, 0], sizes = [128, 1, 128], strides = [1, 1, 1]} : vector<128x12x128xf32> to vector<128x1x128xf32>
    %squeeze3A_780 = vector.shape_cast %slice3A_779 : vector<128x1x128xf32> to vector<128x128xf32>
    %broadcast_in_dim3A_781 = vector.shape_cast %squeeze3A_780 : vector<128x128xf32> to vector<128x1x128xf32>
    %broadcast_in_dim3A_782 = vector.shape_cast %eq3A_778 : vector<128x16x1xi1> to vector<128x16x1xi1>
    %broadcast_in_dim3A_783 = vector.broadcast %broadcast_in_dim3A_782 : vector<128x16x1xi1> to vector<128x16x128xi1>
    %broadcast_in_dim3A_784 = vector.shape_cast %broadcast_in_dim3A_781 : vector<128x1x128xf32> to vector<128x1x128xf32>
    %broadcast_in_dim3A_785 = vector.broadcast %broadcast_in_dim3A_784 : vector<128x1x128xf32> to vector<128x16x128xf32>
    %select_n3A_786 = arith.select %broadcast_in_dim3A_783, %broadcast_in_dim3A_785, %select_n3A_774 : vector<128x16x128xi1>, vector<128x16x128xf32>
    %broadcast_in_dim3A_787 = vector.shape_cast %stack3A_712 : vector<128x16xi32> to vector<128x16x1xi32>
    %eq3A_788 = arith.constant 6 : i32
    %eq3A_789 = vector.broadcast %eq3A_788 : i32 to vector<128x16x1xi32>
    %eq3A_790 = arith.cmpi eq, %broadcast_in_dim3A_787, %eq3A_789 : vector<128x16x1xi32>
    %slice3A_791 = vector.extract_strided_slice %add3A_128 {offsets = [0, 6, 0], sizes = [128, 1, 128], strides = [1, 1, 1]} : vector<128x12x128xf32> to vector<128x1x128xf32>
    %squeeze3A_792 = vector.shape_cast %slice3A_791 : vector<128x1x128xf32> to vector<128x128xf32>
    %broadcast_in_dim3A_793 = vector.shape_cast %squeeze3A_792 : vector<128x128xf32> to vector<128x1x128xf32>
    %broadcast_in_dim3A_794 = vector.shape_cast %eq3A_790 : vector<128x16x1xi1> to vector<128x16x1xi1>
    %broadcast_in_dim3A_795 = vector.broadcast %broadcast_in_dim3A_794 : vector<128x16x1xi1> to vector<128x16x128xi1>
    %broadcast_in_dim3A_796 = vector.shape_cast %broadcast_in_dim3A_793 : vector<128x1x128xf32> to vector<128x1x128xf32>
    %broadcast_in_dim3A_797 = vector.broadcast %broadcast_in_dim3A_796 : vector<128x1x128xf32> to vector<128x16x128xf32>
    %select_n3A_798 = arith.select %broadcast_in_dim3A_795, %broadcast_in_dim3A_797, %select_n3A_786 : vector<128x16x128xi1>, vector<128x16x128xf32>
    %broadcast_in_dim3A_799 = vector.shape_cast %stack3A_712 : vector<128x16xi32> to vector<128x16x1xi32>
    %eq3A_800 = arith.constant 7 : i32
    %eq3A_801 = vector.broadcast %eq3A_800 : i32 to vector<128x16x1xi32>
    %eq3A_802 = arith.cmpi eq, %broadcast_in_dim3A_799, %eq3A_801 : vector<128x16x1xi32>
    %slice3A_803 = vector.extract_strided_slice %add3A_128 {offsets = [0, 7, 0], sizes = [128, 1, 128], strides = [1, 1, 1]} : vector<128x12x128xf32> to vector<128x1x128xf32>
    %squeeze3A_804 = vector.shape_cast %slice3A_803 : vector<128x1x128xf32> to vector<128x128xf32>
    %broadcast_in_dim3A_805 = vector.shape_cast %squeeze3A_804 : vector<128x128xf32> to vector<128x1x128xf32>
    %broadcast_in_dim3A_806 = vector.shape_cast %eq3A_802 : vector<128x16x1xi1> to vector<128x16x1xi1>
    %broadcast_in_dim3A_807 = vector.broadcast %broadcast_in_dim3A_806 : vector<128x16x1xi1> to vector<128x16x128xi1>
    %broadcast_in_dim3A_808 = vector.shape_cast %broadcast_in_dim3A_805 : vector<128x1x128xf32> to vector<128x1x128xf32>
    %broadcast_in_dim3A_809 = vector.broadcast %broadcast_in_dim3A_808 : vector<128x1x128xf32> to vector<128x16x128xf32>
    %select_n3A_810 = arith.select %broadcast_in_dim3A_807, %broadcast_in_dim3A_809, %select_n3A_798 : vector<128x16x128xi1>, vector<128x16x128xf32>
    %broadcast_in_dim3A_811 = vector.shape_cast %stack3A_712 : vector<128x16xi32> to vector<128x16x1xi32>
    %eq3A_812 = arith.constant 8 : i32
    %eq3A_813 = vector.broadcast %eq3A_812 : i32 to vector<128x16x1xi32>
    %eq3A_814 = arith.cmpi eq, %broadcast_in_dim3A_811, %eq3A_813 : vector<128x16x1xi32>
    %slice3A_815 = vector.extract_strided_slice %add3A_128 {offsets = [0, 8, 0], sizes = [128, 1, 128], strides = [1, 1, 1]} : vector<128x12x128xf32> to vector<128x1x128xf32>
    %squeeze3A_816 = vector.shape_cast %slice3A_815 : vector<128x1x128xf32> to vector<128x128xf32>
    %broadcast_in_dim3A_817 = vector.shape_cast %squeeze3A_816 : vector<128x128xf32> to vector<128x1x128xf32>
    %broadcast_in_dim3A_818 = vector.shape_cast %eq3A_814 : vector<128x16x1xi1> to vector<128x16x1xi1>
    %broadcast_in_dim3A_819 = vector.broadcast %broadcast_in_dim3A_818 : vector<128x16x1xi1> to vector<128x16x128xi1>
    %broadcast_in_dim3A_820 = vector.shape_cast %broadcast_in_dim3A_817 : vector<128x1x128xf32> to vector<128x1x128xf32>
    %broadcast_in_dim3A_821 = vector.broadcast %broadcast_in_dim3A_820 : vector<128x1x128xf32> to vector<128x16x128xf32>
    %select_n3A_822 = arith.select %broadcast_in_dim3A_819, %broadcast_in_dim3A_821, %select_n3A_810 : vector<128x16x128xi1>, vector<128x16x128xf32>
    %broadcast_in_dim3A_823 = vector.shape_cast %stack3A_712 : vector<128x16xi32> to vector<128x16x1xi32>
    %eq3A_824 = arith.constant 9 : i32
    %eq3A_825 = vector.broadcast %eq3A_824 : i32 to vector<128x16x1xi32>
    %eq3A_826 = arith.cmpi eq, %broadcast_in_dim3A_823, %eq3A_825 : vector<128x16x1xi32>
    %slice3A_827 = vector.extract_strided_slice %add3A_128 {offsets = [0, 9, 0], sizes = [128, 1, 128], strides = [1, 1, 1]} : vector<128x12x128xf32> to vector<128x1x128xf32>
    %squeeze3A_828 = vector.shape_cast %slice3A_827 : vector<128x1x128xf32> to vector<128x128xf32>
    %broadcast_in_dim3A_829 = vector.shape_cast %squeeze3A_828 : vector<128x128xf32> to vector<128x1x128xf32>
    %broadcast_in_dim3A_830 = vector.shape_cast %eq3A_826 : vector<128x16x1xi1> to vector<128x16x1xi1>
    %broadcast_in_dim3A_831 = vector.broadcast %broadcast_in_dim3A_830 : vector<128x16x1xi1> to vector<128x16x128xi1>
    %broadcast_in_dim3A_832 = vector.shape_cast %broadcast_in_dim3A_829 : vector<128x1x128xf32> to vector<128x1x128xf32>
    %broadcast_in_dim3A_833 = vector.broadcast %broadcast_in_dim3A_832 : vector<128x1x128xf32> to vector<128x16x128xf32>
    %select_n3A_834 = arith.select %broadcast_in_dim3A_831, %broadcast_in_dim3A_833, %select_n3A_822 : vector<128x16x128xi1>, vector<128x16x128xf32>
    %broadcast_in_dim3A_835 = vector.shape_cast %stack3A_712 : vector<128x16xi32> to vector<128x16x1xi32>
    %eq3A_836 = arith.constant 10 : i32
    %eq3A_837 = vector.broadcast %eq3A_836 : i32 to vector<128x16x1xi32>
    %eq3A_838 = arith.cmpi eq, %broadcast_in_dim3A_835, %eq3A_837 : vector<128x16x1xi32>
    %slice3A_839 = vector.extract_strided_slice %add3A_128 {offsets = [0, 10, 0], sizes = [128, 1, 128], strides = [1, 1, 1]} : vector<128x12x128xf32> to vector<128x1x128xf32>
    %squeeze3A_840 = vector.shape_cast %slice3A_839 : vector<128x1x128xf32> to vector<128x128xf32>
    %broadcast_in_dim3A_841 = vector.shape_cast %squeeze3A_840 : vector<128x128xf32> to vector<128x1x128xf32>
    %broadcast_in_dim3A_842 = vector.shape_cast %eq3A_838 : vector<128x16x1xi1> to vector<128x16x1xi1>
    %broadcast_in_dim3A_843 = vector.broadcast %broadcast_in_dim3A_842 : vector<128x16x1xi1> to vector<128x16x128xi1>
    %broadcast_in_dim3A_844 = vector.shape_cast %broadcast_in_dim3A_841 : vector<128x1x128xf32> to vector<128x1x128xf32>
    %broadcast_in_dim3A_845 = vector.broadcast %broadcast_in_dim3A_844 : vector<128x1x128xf32> to vector<128x16x128xf32>
    %select_n3A_846 = arith.select %broadcast_in_dim3A_843, %broadcast_in_dim3A_845, %select_n3A_834 : vector<128x16x128xi1>, vector<128x16x128xf32>
    %broadcast_in_dim3A_847 = vector.shape_cast %stack3A_712 : vector<128x16xi32> to vector<128x16x1xi32>
    %eq3A_848 = arith.constant 11 : i32
    %eq3A_849 = vector.broadcast %eq3A_848 : i32 to vector<128x16x1xi32>
    %eq3A_850 = arith.cmpi eq, %broadcast_in_dim3A_847, %eq3A_849 : vector<128x16x1xi32>
    %slice3A_851 = vector.extract_strided_slice %add3A_128 {offsets = [0, 11, 0], sizes = [128, 1, 128], strides = [1, 1, 1]} : vector<128x12x128xf32> to vector<128x1x128xf32>
    %squeeze3A_852 = vector.shape_cast %slice3A_851 : vector<128x1x128xf32> to vector<128x128xf32>
    %broadcast_in_dim3A_853 = vector.shape_cast %squeeze3A_852 : vector<128x128xf32> to vector<128x1x128xf32>
    %broadcast_in_dim3A_854 = vector.shape_cast %eq3A_850 : vector<128x16x1xi1> to vector<128x16x1xi1>
    %broadcast_in_dim3A_855 = vector.broadcast %broadcast_in_dim3A_854 : vector<128x16x1xi1> to vector<128x16x128xi1>
    %broadcast_in_dim3A_856 = vector.shape_cast %broadcast_in_dim3A_853 : vector<128x1x128xf32> to vector<128x1x128xf32>
    %broadcast_in_dim3A_857 = vector.broadcast %broadcast_in_dim3A_856 : vector<128x1x128xf32> to vector<128x16x128xf32>
    %select_n3A_858 = arith.select %broadcast_in_dim3A_855, %broadcast_in_dim3A_857, %select_n3A_846 : vector<128x16x128xi1>, vector<128x16x128xf32>
    %exp3A = math.exp %select_n3A_858 : vector<128x16x128xf32>
    %reshape3A_859 = vector.shape_cast %exp3A : vector<128x16x128xf32> to vector<2048x128xf32>
    %exp3A_860 = math.exp %get3A_1 : vector<128x128xf32>
    %concatenate3A = tpu.concatenate %reshape3A_859, %exp3A_860 in 0 : vector<2048x128xf32>, vector<128x128xf32> -> vector<2176x128xf32>
    %swap3A = arith.constant 0 : index
    %swap3A_861 = arith.constant 0 : index
    %swap3A_862 = vector.load %arg15[%swap3A, %swap3A_861] : memref<2176x128xf32, #tpu.memory_space<vmem>>, vector<2176x128xf32>
    tpu.vector_store %arg15[%swap3A, %swap3A_861], %concatenate3A {strides = array<i32>} : memref<2176x128xf32, #tpu.memory_space<vmem>>, vector<2176x128xf32>,
    %swap3A_863 = arith.constant 0 : index
    %swap3A_864 = arith.constant 0 : index
    %swap3A_865 = vector.load %arg16[%swap3A_863, %swap3A_864] : memref<128x16xi32, #tpu.memory_space<vmem>>, vector<128x16xi32>
    tpu.vector_store %arg16[%swap3A_863, %swap3A_864], %stack3A_695 {strides = array<i32>} : memref<128x16xi32, #tpu.memory_space<vmem>>, vector<128x16xi32>,
    return
  }
  func.func @transform_0(%arg0: i32) -> (i32, i32) {
    %c0_i32 = arith.constant 0 : i32
    %c0_i32_0 = arith.constant 0 : i32
    return %arg0, %c0_i32 : i32, i32
  }
  func.func @transform_1(%arg0: i32) -> (i32, i32) {
    %c0_i32 = arith.constant 0 : i32
    %c0_i32_0 = arith.constant 0 : i32
    return %arg0, %c0_i32 : i32, i32
  }
  func.func @transform_2(%arg0: i32) -> (i32, i32) {
    %c0_i32 = arith.constant 0 : i32
    %c0_i32_0 = arith.constant 0 : i32
    return %arg0, %c0_i32 : i32, i32
  }
  func.func @transform_3(%arg0: i32) -> i32 {
    %c0_i32 = arith.constant 0 : i32
    return %arg0 : i32
  }
  func.func @transform_4(%arg0: i32) -> i32 {
    %c0_i32 = arith.constant 0 : i32
    return %arg0 : i32
  }
  func.func @transform_5(%arg0: i32) -> (i32, i32) {
    %c0_i32 = arith.constant 0 : i32
    %c0_i32_0 = arith.constant 0 : i32
    %c0_i32_1 = arith.constant 0 : i32
    return %c0_i32, %c0_i32_0 : i32, i32
  }
  func.func @transform_6(%arg0: i32) -> (i32, i32) {
    %c0_i32 = arith.constant 0 : i32
    %c0_i32_0 = arith.constant 0 : i32
    %c0_i32_1 = arith.constant 0 : i32
    return %c0_i32, %c0_i32_0 : i32, i32
  }
  func.func @transform_7(%arg0: i32) -> i32 {
    %c0_i32 = arith.constant 0 : i32
    %c0_i32_0 = arith.constant 0 : i32
    return %c0_i32 : i32
  }
  func.func @transform_8(%arg0: i32) -> i32 {
    %c0_i32 = arith.constant 0 : i32
    %c0_i32_0 = arith.constant 0 : i32
    return %c0_i32 : i32
  }
  func.func @transform_9(%arg0: i32) -> (i32, i32) {
    %c0_i32 = arith.constant 0 : i32
    %c0_i32_0 = arith.constant 0 : i32
    %c0_i32_1 = arith.constant 0 : i32
    return %c0_i32, %c0_i32_0 : i32, i32
  }
  func.func @transform_10(%arg0: i32) -> (i32, i32) {
    %c0_i32 = arith.constant 0 : i32
    %c0_i32_0 = arith.constant 0 : i32
    %c0_i32_1 = arith.constant 0 : i32
    return %c0_i32, %c0_i32_0 : i32, i32
  }
  func.func @transform_11(%arg0: i32) -> (i32, i32) {
    %c0_i32 = arith.constant 0 : i32
    %c0_i32_0 = arith.constant 0 : i32
    %c0_i32_1 = arith.constant 0 : i32
    return %c0_i32, %c0_i32_0 : i32, i32
  }
  func.func @transform_12(%arg0: i32) -> i32 {
    %c0_i32 = arith.constant 0 : i32
    %c0_i32_0 = arith.constant 0 : i32
    return %c0_i32 : i32
  }
  func.func @transform_13(%arg0: i32) -> i32 {
    %c0_i32 = arith.constant 0 : i32
    %c0_i32_0 = arith.constant 0 : i32
    return %c0_i32 : i32
  }
  func.func @transform_14(%arg0: i32) -> (i32, i32) {
    %c0_i32 = arith.constant 0 : i32
    %c0_i32_0 = arith.constant 0 : i32
    return %arg0, %c0_i32 : i32, i32
  }
  func.func @transform_15(%arg0: i32) -> (i32, i32) {
    %c0_i32 = arith.constant 0 : i32
    %c0_i32_0 = arith.constant 0 : i32
    return %arg0, %c0_i32 : i32, i32
  }
}

module attributes {stable_mosaic.version = 14 : i64} {
  func.func @_finalize_body(%arg0: i32, %arg1: memref<2000x128xf32, #tpu.memory_space<vmem>>, %arg2: memref<2000x128xf32, #tpu.memory_space<vmem>>) attributes {dimension_semantics = [#tpu.dimension_semantics<arbitrary>], iteration_bounds = array<i64: 50>, scalar_prefetch = 0 : i64, scratch_operands = 0 : i64, tpu.core_type = #tpu.core_type<tc>, window_params = [{transform_indices = @transform_0, window_bounds = array<i64: 2000, 128>}, {transform_indices = @transform_1, window_bounds = array<i64: 2000, 128>}]} {
    %get3A = arith.constant 0 : index
    %get3A_0 = arith.constant 0 : index
    %get3A_1 = vector.load %arg1[%get3A, %get3A_0] : memref<2000x128xf32, #tpu.memory_space<vmem>>, vector<2000x128xf32>
    %gt3A = arith.constant 0.000000e+00 : f32
    %gt3A_2 = vector.broadcast %gt3A : f32 to vector<2000x128xf32>
    %gt3A_3 = arith.cmpf ogt, %get3A_1, %gt3A_2 : vector<2000x128xf32>
    %max3A = arith.constant 9.99999935E-39 : f32
    %max3A_4 = vector.broadcast %max3A : f32 to vector<2000x128xf32>
    %max3A_5 = arith.maximumf %get3A_1, %max3A_4 : vector<2000x128xf32>
    %log3A = math.log %max3A_5 : vector<2000x128xf32>
    %jit3A = arith.constant 0.000000e+00 : f32
    %broadcast_in_dim3A = vector.broadcast %jit3A : f32 to vector<2000x128xf32>
    %select_n3A = arith.select %gt3A_3, %log3A, %broadcast_in_dim3A : vector<2000x128xi1>, vector<2000x128xf32>
    %swap3A = arith.constant 0 : index
    %swap3A_6 = arith.constant 0 : index
    %swap3A_7 = vector.load %arg2[%swap3A, %swap3A_6] : memref<2000x128xf32, #tpu.memory_space<vmem>>, vector<2000x128xf32>
    tpu.vector_store %arg2[%swap3A, %swap3A_6], %select_n3A {strides = array<i32>} : memref<2000x128xf32, #tpu.memory_space<vmem>>, vector<2000x128xf32>,
    return
  }
  func.func @transform_0(%arg0: i32) -> (i32, i32) {
    %c0_i32 = arith.constant 0 : i32
    %c0_i32_0 = arith.constant 0 : i32
    return %arg0, %c0_i32 : i32, i32
  }
  func.func @transform_1(%arg0: i32) -> (i32, i32) {
    %c0_i32 = arith.constant 0 : i32
    %c0_i32_0 = arith.constant 0 : i32
    return %arg0, %c0_i32 : i32, i32
  }
}

</mosaic_0001>

<sc_bundles>
// kernel: gather_offload_async_start.1
scs
__scs_entry_jumppad:
0x0: {  	(pc) =	sbr.rel $0x88, $3  }
0x1: {  	(tag) =	ssettag $0x0;
	lr =	simm.s32 $0x1  }
0x2: {  	[smem:$0x3F90] =	sst lr;
	_ =	strace $0xD0000000  }
0x3: {  	_ = 	snop  }
0x4: {  	_ = 	snop  }
0x5: {  	_ = 	snop  }
0x6: {  	_ = 	snop  }
0x7: {  	_ = 	snop  }
__scs_overlays_trampoline_lowered:
0x8: {  	[smem:$0x3F9F] =	sst s0  }
0x9: {  	[smem:$0x3FA0] =	sst s1  }
0xa: {  	[smem:$0x3FA1] =	sst s2  }
0xb: {  	[smem:$0x3FA2] =	sst s3  }
0xc: {  	[smem:$0x3FA3] =	sst s4  }
0xd: {  	[smem:$0x3FA4] =	sst s5  }
0xe: {  	[smem:$0x3FA5] =	sst s6  }
0xf: {  	[smem:$0x3FA6] =	sst s7  }
0x10: {  	[smem:$0x3FA7] =	sst s8  }
0x11: {  	[smem:$0x3FA8] =	sst s9;
	s0 =	simm.s32 @!p0 $0x0  }
0x12: {  	s1 =	sld [smem:$0x3F8E];
	s0 =	simm.s32 @p0 $0x1  }
0x13: {  	[smem:$0x3FA9] =	sst s0;
	s0 =	simm.s32 @!p1 $0x0  }
0x14: {  	s2 =	sld [smem:$0x3F8D];
	s0 =	simm.s32 @p1 $0x1  }
0x15: {  	[smem:$0x3FAA] =	sst s0;
	s0 =	simm.s32 @!p2 $0x0  }
0x16: {  	s3 =	sld [smem:$0x3FDB];
	s0 =	simm.s32 @p2 $0x1  }
0x17: {  	s4 =	simm.s32 $0x1BF5;
	[smem:$0x3FAC] =	sst s0  }
0x18: {  	s0 =	sld [smem:$0x3F8F];
	_ =	swait.ge [sflag:s4], $0x0  }
0x19: {  	s7 =	sld [smem:$0x3F90]  }
0x1a: {  	s8 =	sadd.s32 $0xFFFFE003, lr  }
0x1b: {  	s9 =	sadd.s32 $0xFFFFFEF7, lr;
	s5 =	simm.s32 $0xFFFFFFFF;
	p2 =	slt.u32 s8, $0xFFFFF086  }
0x1c: {  	p1 =	slt.u32 s9, $0xF7A;
	s5 =	simm.s32 @!p2 $0x0  }
0x1d: {  	s5 =	simm.s32 @p1 $0x1;
	p0 =	seq.s32 s7, s2  }
0x1e: {  	s7 =	smul.u32 @!p0 $0xF7A, s2;
	p2 =	seq.s32 @!p0 s5, $0x0  }
0x1f: {  	s9 =	smul.u32 $0xF7A, s1;
	s8 =	simm.s32 @!p0 $0x1BF5;
	p2 =	por !p2, p0  }
0x20: {  	[sflag:s8] =	ssyncset.s32 @!p0 $0xFFFFF086;
	s6 =	sadd.s32 @!p0 s3, s7;
	s7 =	simm.s32 @!p0 $0x108  }
0x21: {  	s3 =	sadd.s32 s3, s9;
	s6 =	sadd.s32 @!p0 $0x88, s6;
	s7 =	simm.s32 @p2 $0x1082  }
0x22: {  	[simem:s7], [sflag:s8] =	dma.local @!p0 [hbm:s6], $0xF7A  }
0x23: {  	s9 =	sor.u32 $0xD0000000, s2;
	s6 =	simm.s32 $0x108;
	_ =	swait.ge @!p0 [sflag:s8], $0x0  }
0x24: {  	s3 =	sadd.s32 $0x88, s3;
	s6 =	simm.s32 @!p1 $0x1082;
	[sflag:s4] =	ssyncset.s32 $0xFFFFF086  }
0x25: {  	[simem:s6], [sflag:s4] =	dma.local [hbm:s3], $0xF7A  }
0x26: {  	[smem:$0x3F90] =	sst s1;
	(tag) =	ssettag s2;
	_ =	strace s9  }
0x27: {  	s1 =	sld [smem:$0x3FA0]  }
0x28: {  	s2 =	sld [smem:$0x3FA1]  }
0x29: {  	s4 =	sld [smem:$0x3FA3]  }
0x2a: {  	p0 =	seq.s32 s5, $0x0;
	s5 =	sld [smem:$0x3FA4]  }
0x2b: {  	s6 =	sld [smem:$0x3FA5]  }
0x2c: {  	s7 =	sld [smem:$0x3FA6]  }
0x2d: {  	s3 =	simm.s32 $0x108;
	s8 =	sld [smem:$0x3FA7]  }
0x2e: {  	s3 =	simm.s32 @!p0 $0x1082;
	s9 =	sld [smem:$0x3FA8]  }
0x2f: {  	lr =	sadd.s32 s0, s3;
	s0 =	sld [smem:$0x3F9F]  }
0x30: {  	s3 =	sld [smem:$0x3FA2]  }
0x31: {  	[smem:$0x3FAB] =	sst s10  }
0x32: {  	s10 =	sld [smem:$0x3FA9];
	_ =	sdelay $0x3  }
0x33: {  	p0 =	seq.s32 s10, $0x1;
	s10 =	sld [smem:$0x3FAB];
	_ =	sdelay $0x3  }
0x34: {  	[smem:$0x3FAB] =	sst s10  }
0x35: {  	s10 =	sld [smem:$0x3FAA];
	_ =	sdelay $0x3  }
0x36: {  	p1 =	seq.s32 s10, $0x1;
	s10 =	sld [smem:$0x3FAB];
	_ =	sdelay $0x3  }
0x37: {  	[smem:$0x3FAB] =	sst s10  }
0x38: {  	s10 =	sld [smem:$0x3FAC]  }
0x39: {  	_ = 	snop;
	(pc) =	sbr.ind lr, $3  }
0x3a: {  	_ = 	snop  }
0x3b: {  	_ = 	snop  }
0x3c: {  	p2 =	seq.s32 s10, $0x1;
	s10 =	sld [smem:$0x3FAB]  }
0x3d: {  	_ =	shalt  }
0x3e: {  	_ =	shalt  }
0x3f: {  	_ =	shalt  }
0x40: {  	_ =	shalt  }
0x41: {  	_ =	shalt  }
0x42: {  	_ =	shalt  }
0x43: {  	_ =	shalt  }
0x44: {  	_ =	shalt  }
0x45: {  	_ =	shalt  }
0x46: {  	_ =	shalt  }
0x47: {  	_ =	shalt  }
0x48: {  	_ =	shalt  }
0x49: {  	_ =	shalt  }
0x4a: {  	_ =	shalt  }
0x4b: {  	_ =	shalt  }
0x4c: {  	_ =	shalt  }
0x4d: {  	_ =	shalt  }
0x4e: {  	_ =	shalt  }
0x4f: {  	_ =	shalt  }
0x50: {  	_ =	shalt  }
0x51: {  	_ =	shalt  }
0x52: {  	_ =	shalt  }
0x53: {  	_ =	shalt  }
0x54: {  	_ =	shalt  }
0x55: {  	_ =	shalt  }
0x56: {  	_ =	shalt  }
0x57: {  	_ =	shalt  }
0x58: {  	_ =	shalt  }
0x59: {  	_ =	shalt  }
0x5a: {  	_ =	shalt  }
0x5b: {  	_ =	shalt  }
0x5c: {  	_ =	shalt  }
0x5d: {  	_ =	shalt  }
0x5e: {  	_ =	shalt  }
0x5f: {  	_ =	shalt  }
0x60: {  	_ =	shalt  }
0x61: {  	_ =	shalt  }
0x62: {  	_ =	shalt  }
0x63: {  	_ =	shalt  }
0x64: {  	_ =	shalt  }
0x65: {  	_ =	shalt  }
0x66: {  	_ =	shalt  }
0x67: {  	_ =	shalt  }
0x68: {  	_ =	shalt  }
0x69: {  	_ =	shalt  }
0x6a: {  	_ =	shalt  }
0x6b: {  	_ =	shalt  }
0x6c: {  	_ =	shalt  }
0x6d: {  	_ =	shalt  }
0x6e: {  	_ =	shalt  }
0x6f: {  	_ =	shalt  }
0x70: {  	_ =	shalt  }
0x71: {  	_ =	shalt  }
0x72: {  	_ =	shalt  }
0x73: {  	_ =	shalt  }
0x74: {  	_ =	shalt  }
0x75: {  	_ =	shalt  }
0x76: {  	_ =	shalt  }
0x77: {  	_ =	shalt  }
0x78: {  	_ =	shalt  }
0x79: {  	_ =	shalt  }
0x7a: {  	_ =	shalt  }
0x7b: {  	_ =	shalt  }
0x7c: {  	_ =	shalt  }
0x7d: {  	_ =	shalt  }
0x7e: {  	_ =	shalt  }
0x7f: {  	_ =	shalt  }
0x80: {  	_ =	shalt  }
0x81: {  	_ =	shalt  }
0x82: {  	_ =	shalt  }
0x83: {  	_ =	shalt  }
0x84: {  	_ =	shalt  }
0x85: {  	_ =	shalt  }
0x86: {  	_ =	shalt  }
0x87: {  	_ =	shalt  }
.Lfunc_end0:
.L_simem_size_0:
called_computation.1_lowered:
.L_overlay_start_0:
0x88: {  	s2 =	sld [smem:$0x3FD9]  }
0x89: {  	s3 =	sld [smem:$0x3FFE];
	_ =	sdelay $0x1  }
0x8a: {  	s1 =	srdreg.scid  }
0x8b: {  	s0 =	sand.u32 $0x1, s1  }
0x8c: {  	s17 =	sshll.u32 s0, $0xA;
	s2 =	sadd.s32 s3, s2  }
0x8d: {  	s2 =	sadd.s32 s2, s17  }
0x8e: {  	[smem:$0x3FB7] =	sst s2  }
0x8f: {  	_ = 	snop  }
0x90: {  	(tm) =	ssettm $0x1  }
0x91: {  	s18 =	sld [smem:$0x3FFB];
	_ =	sdelay $0x3  }
0x92: {  	_ =	strace s18  }
0x93: {  	s2 =	sld [smem:$0x3FFC];
	_ =	sdelay $0x3  }
0x94: {  	_ =	strace s2  }
0x95: {  	s2 =	sld [smem:$0x3FFD];
	_ =	sdelay $0x3  }
0x96: {  	_ =	strace s2  }
0x97: {  	_ =	strace $0x8FFFFFFF  }
0x98: {  	s19 =	sld [smem:$0x3FDB];
	_ =	sdelay $0x1  }
0x99: {  	s20 =	simm.s32 $_scs_section_size  }
0x9a: {  	s4 =	simm.s32 $_size__tile_overlayer_lowered;
	s5 =	simm.s32 $_tile_overlayer_lowered  }
0x9b: {  	s6 =	simm.s32 $0x1BFF;
	s21 =	sshll.u32 s5, $0x1;
	s3 =	sadd.s32 s20, s19  }
0x9c: {  	s22 =	simm.s32 $0x0;
	s4 =	sshll.u32 s4, $0x1;
	s5 =	sadd.s32 s21, s3  }
0x9d: {  	[timem:s22], [sflag:s6] =	dma.local [hbm:s5], s4  }
0x9e: {  	_ =	swait.ge [sflag:s6], s4  }
0x9f: {  	s4 =	ssub.s32 $0x0, s4;
	[sflag:s6] =	ssyncset.done $0x0  }
0xa0: {  	[sflag:s6] =	ssyncadd.s32 s4;
	_ =	sdelay $0x1  }
0xa1: {  	s23 =	simm.s32 $0x1B8B  }
0xa2: {  	_ =	swait.ge [sflag:s23], $0x1  }
0xa3: {  	[sflag:s23] =	ssyncset.done $0x0  }
0xa4: {  	[sflag:s23] =	ssyncadd.s32 $0xFFFFFFFF  }
0xa5: {  	s4 =	sld [smem:$0x0]  }
0xa6: {  	s5 =	sand.u32 $0xFFFFFFFE, s1  }
0xa7: {  	p0 =	sne.s32 s1, s5  }
0xa8: {  	s5 =	sshll.u32 @p0 s5, $0xE  }
0xa9: {  	s5 =	sadd.s32 @p0 $0x11B8D, s5;
	s6 =	sshll.u32 @p0 s4, $0x11  }
0xaa: {  	s5 =	sor.u32 @p0 s6, s5  }
0xab: {  	[sflag:s5] =	ssyncadd.remote.s32 @p0 $0x1;
	_ =	sdelay $0x1  }
0xac: {  	s5 =	simm.s32 @p0 $0x1B8D  }
0xad: {  	_ =	swait.eq @p0 [sflag:s5], $0x1  }
0xae: {  	[sflag:s5] =	ssyncadd.s32 @p0 $0xFFFFFFFF  }
0xaf: {  	s6 =	sshll.u32 @!p0 s1, $0xE  }
0xb0: {  	s6 =	sor.u32 @!p0 $0x4000, s6;
	s5 =	simm.s32 @!p0 $0x1B8D  }
0xb1: {  	s4 =	sshll.u32 @!p0 s4, $0x11;
	s6 =	sadd.s32 @!p0 $0x11B8D, s6;
	_ =	swait.eq @!p0 [sflag:s5], $0x1  }
0xb2: {  	s4 =	sor.u32 @!p0 s4, s6;
	[sflag:s5] =	ssyncadd.s32 @!p0 $0xFFFFFFFF  }
0xb3: {  	s25 =	simm.s32 $0x1B8E;
	s24 =	sld [smem:$0x3FFE];
	[sflag:s4] =	ssyncadd.remote.s32 @!p0 $0x1  }
0xb4: {  	s26 =	simm.s32 $execute0_lowered;
	[smem:$0x3FD2] =	sst s25  }
0xb5: {  	s5 =	sshll.u32 s26, $0x1;
	_ =	strace $0x8000004F;
	[dreg:$0x1] =	wrdreg $0xFFFFFFFF  }
0xb6: {  	s28 =	simm.s32 $_size_execute0_lowered;
	s3 =	sadd.s32 s3, s5;
	[dreg:$0x0] =	wrdreg $0x0  }
0xb7: {  	s5 =	sshll.u32 s28, $0x1;
	[dreg:$0x2] =	wrdreg s3  }
0xb8: {  	[dreg:$0x3] =	wrdreg s5  }
0xb9: {  	[dreg:$0x4] =	wrdreg $0xC0  }
0xba: {  	_ =	task [dreg:s22], $0x5FFFF  }
0xbb: {  	[dreg:$0x1] =	wrdreg $0xFFFFFFFF  }
0xbc: {  	[dreg:$0x0] =	wrdreg $0x60  }
0xbd: {  	[dreg:$0x2] =	wrdreg s24  }
0xbe: {  	[dreg:$0x3] =	wrdreg $0xA  }
0xbf: {  	_ =	task.clear_ibuf [dreg:s22], $0x4FFFF;
	_ =	strace $0x9000004F  }
0xc0: {  	s29 =	simm.s32 $0xA;
	_ =	strace $0x80000051  }
0xc1: {  	_ =	swait.ge [sflag:s29], $0x1  }
0xc2: {  	[sflag:s29] =	ssyncadd.s32 $0xFFFFFFFF  }
0xc3: {  	_ =	strace $0x90000051  }
0xc4: {  	_ =	sfence  }
0xc5: {  	s30 =	sld [smem:$0x0];
	_ =	sdelay $0x2  }
0xc6: {  	s31 =	sshll.u32 s1, $0xD;
	s1 =	sshrl.u32 s1, $0x2  }
0xc7: {  	s4 =	sand.u32 $0x4000, s31;
	s1 =	sadd.s32 s1, s30  }
0xc8: {  	s0 =	sor.u32 s4, s0;
	s1 =	sshll.u32 s1, $0x11  }
0xc9: {  	s0 =	sor.u32 s1, s0  }
0xca: {  	s0 =	sadd.s32 $0x8F2B, s0  }
0xcb: {  	[sflag:s0] =	ssyncadd.remote.s32 $0x1  }
0xcc: {  	_ =	sfence.sel $0xFFFF  }
0xcd: {  	[dreg:$0x0] =	wrdreg $0xFFFFFFFF;
	(pc) =	sbr.abs _section_cstart, $3  }
0xce: {  	[dreg:$0x1] =	wrdreg $0xFFFFFFFF  }
0xcf: {  	_ =	task.clear_ibuf [dreg:s22], $0x2FFFF;
	_ =	strace $0x9FFFFFFF  }
0xd0: {  	(tm) =	ssettm $0x7FFFFFFF  }
0xd1: {  	_ =	shalt  }
tec
execute0_lowered:
.L_overlay_start_1:
0x0: {  	(tag) =	ssettag $0x1  }
0x1: {  	s7 =	rddreg [dreg:$0x0]  }
0x2: {  	s0 =	rddreg [dreg:$0x1];
	_ =	strace $0x80000050  }
0x3: {  	s1 =	srdreg.scid;
	s4 =	simm.s32 $0x1;
	s9 =	simm.s32 $0x3  }
0x4: {  	s12 =	simm.s32 $0x0;
	s10 =	simm.s32 $0x0;
	s5 =	sshll.u32 s1, $0x4  }
.Ltmp0:
0x5: {  	s1 =	stileid.u32;
	s5 =	sand.u32 $0x10, s5;
	(pc) =	sbr.rel .LBB2_1-.Ltmp0, $4  }
0x6: {  	s2 =	sadd.s32 $0x2200, s7;
	s3 =	sadd.s32 $0x1C00, s7;
	s6 =	sor.u32 s1, s5  }
0x7: {  	[sflag:s4] =	ssyncpa.u1 $0x0;
	s5 =	simm.s32 $0x2;
	s6 =	sshll.u32 s6, $0x6  }
0x8: {  	s7 =	sadd.s32 $0x2A200, s7;
	[sflag:s5] =	ssyncpa.u1 $0x0;
	s8 =	sadd.s32 $0x40, s6  }
0x9: {  	vm0 =	vmmov $0xff;
	vm1 =	vcmask $0x3F20;
	[sflag:s9] =	ssyncpa.u1 $0x0;
	s9 =	simm.s32 $0x40;
	s11 =	smov.u32 s6  }
.LBB2_9:
0xa: {  	p0 =	seq.s32 s10, $0x2  }
.Ltmp1:
0xb: {  	_ = 	snop;
	(pc) =	sbr.rel @p0 .LBB2_11-.Ltmp1, $1  }
0xc: {  	_ =	sdelay $0x3  }
.LBB2_10:
0xd: {  	s12 =	sadd.s32 $0x40, s11  }
0xe: {  	s13 =	smov.u32 s6;
	p0 =	slt.s32 s12, s8  }
0xf: {  	s13 =	smov.u32 @p0 s12  }
0x10: {  	s10 =	sadd.s32 $0x1, s10;
	s12 =	smov.u32 s11;
	s11 =	smov.u32 s13  }
.LBB2_1:
0x11: {  	p0 =	sne.s32 s10, $0x0  }
.Ltmp2:
0x12: {  	_ = 	snop;
	(pc) =	sbr.rel @!p0 .LBB2_2-.Ltmp2, $1  }
0x13: {  	_ =	sdelay $0x3  }
0x14: {  	s13 =	sand.u32 $0x1, s10  }
0x15: {  	p0 =	seq.s32 s13, $0x0  }
.Ltmp3:
0x16: {  	_ = 	snop;
	(pc) =	sbr.rel @p0 .LBB2_9-.Ltmp3, $1  }
0x17: {  	_ =	sdelay $0x3  }
0x18: {  	_ =	swait.ge [sflag:s5], $0x40  }
0x19: {  	[sflag:s5] =	ssyncset.done $0x0  }
0x1a: {  	s13 =	simm.s32 $0x0;
	[sflag:s5] =	ssyncadd.s32 $0xFFFFFFC0  }
0x1b: {  	v0 =	vld.msk [tilespmem:s13+$0x40 ss:$0x1], $0xffff;
	_ =	sdelay $0x4  }
0x1c: {  	vm2 =	vgt.s32 v0, $0x0  }
0x1d: {  	v0 =	vnsel vm2, $0x0, v0  }
0x1e: {  	v0 =	vmin.u32 v0, $0x1FFF  }
0x1f: {  	v0 =	vshll.u32 v0, $0x4;
	_ =	sdelay $0x3  }
0x20: {  	s13 =	simm.s32 $0x2080  }
0x21: {  	[tilespmem:s13], [sflag:$0x1] =	stream.indirect_vreg.gather [hbm:s2], $0x80, v0, vm0, $0x38;
	[tilespmem:$0x4080] =	vst v63  }
0x22: {  	s14 =	simm.s32 $0x2480;
	s31 =	simm.s32 $0x10  }
0x23: {  	[tilespmem:s14], [sflag:$0x1] =	stream.indirect_vreg.gather [hbm:s2], $0x80, v0, vm1, $0x38;
	[tilespmem:$0x4080] =	vst v63  }
0x24: {  	s14 =	simm.s32 $0x80;
	v0 =	vld.msk [tilespmem:s31+$0x40 ss:$0x1], $0xffff  }
.LBB2_5:
0x25: {  	p0 =	sne.s32 s14, $0xC0;
	_ =	sdelay $0x4  }
0x26: {  	vm2 =	vgt.s32 v0, $0x0  }
0x27: {  	v0 =	vnsel vm2, $0x0, v0  }
0x28: {  	v0 =	vmin.u32 v0, $0x1FFF  }
0x29: {  	v0 =	vshll.u32 v0, $0x4;
	_ =	sdelay $0x3  }
.Ltmp4:
0x2a: {  	s13 =	sadd.s32 $0x800, s13;
	(pc) =	sbr.rel @p0 .LBB2_5-.Ltmp4, $4  }
0x2b: {  	[tilespmem:s13], [sflag:$0x1] =	stream.indirect_vreg.gather [hbm:s2], $0x80, v0, vm0, $0x38;
	[tilespmem:$0x4080] =	vst v63  }
0x2c: {  	s15 =	sshra.s32 s14, $0x2;
	s16 =	sadd.s32 $0x400, s13  }
0x2d: {  	[tilespmem:s16], [sflag:$0x1] =	stream.indirect_vreg.gather [hbm:s2], $0x80, v0, vm1, $0x38;
	[tilespmem:$0x4080] =	vst v63  }
0x2e: {  	s14 =	sadd.s32 $0x40, s14;
	v0 =	vld.msk [tilespmem:s15+$0x40 ss:$0x1], $0xffff  }
0x2f: {  	_ =	sdelay $0x3  }
0x30: {  	vm2 =	vgt.s32 v0, $0x0  }
0x31: {  	v0 =	vnsel vm2, $0x0, v0  }
0x32: {  	v0 =	vmin.u32 v0, $0x1FFF  }
0x33: {  	v0 =	vshll.u32 v0, $0x4;
	_ =	sdelay $0x3  }
0x34: {  	s13 =	sadd.s32 $0x800, s13  }
0x35: {  	[tilespmem:s13], [sflag:$0x1] =	stream.indirect_vreg.gather [hbm:s2], $0x80, v0, vm0, $0x38;
	[tilespmem:$0x4080] =	vst v63  }
0x36: {  	s13 =	sadd.s32 $0x400, s13  }
0x37: {  	[tilespmem:s13], [sflag:$0x1] =	stream.indirect_vreg.gather [hbm:s2], $0x80, v0, vm1, $0x38;
	[tilespmem:$0x4080] =	vst v63  }
0x38: {  	s12 =	sshll.u32 s12, $0x4;
	s14 =	simm.s32 $0x80;
	_ =	swait.ge [sflag:s4], $0x2000  }
0x39: {  	s15 =	simm.s32 $0x2480;
	s12 =	sadd.s32 s12, s7;
	[sflag:s4] =	ssyncset.done $0x0  }
0x3a: {  	s16 =	sadd.s32 $0x0, s12;
	s13 =	simm.s32 $0x2080;
	[sflag:s4] =	ssyncadd.s32 $0xFFFFE000  }
.LBB2_7:
0x3b: {  	[hbm:s16] =	stream.linear.scatter [tilespmem:s13], [sflag:$0x3], $0x400, $0x38;
	[tilespmem:$0x4080] =	vst v63  }
0x3c: {  	s16 =	smov.u32 s14;
	s13 =	smov.u32 s15;
	p0 =	sne.s32 s14, $0x380  }
.Ltmp5:
0x3d: {  	s14 =	sadd.s32 $0x80, s14;
	(pc) =	sbr.rel @p0 .LBB2_7-.Ltmp5, $2  }
0x3e: {  	_ =	sdelay $0x2  }
0x3f: {  	s15 =	sadd.s32 $0x400, s15;
	s16 =	sadd.s32 s16, s12  }
.Ltmp6:
0x40: {  	(pc) =	sbr.rel .LBB2_9-.Ltmp6, $2  }
0x41: {  	_ =	sdelay $0x2  }
0x42: {  	[hbm:s16] =	stream.linear.scatter [tilespmem:s13], [sflag:$0x3], $0x400, $0x38;
	[tilespmem:$0x4080] =	vst v63  }
.LBB2_2:
.Ltmp7:
0x43: {  	(pc) =	sbr.rel .LBB2_10-.Ltmp7, $4  }
0x44: {  	_ = 	snop  }
0x45: {  	s12 =	sshrl.u32 s11, $0x3  }
0x46: {  	s13 =	sand.u32 $0x7, s11;
	s12 =	sadd.s32 s3, s12  }
0x47: {  	[tilespmem:s9], [sflag:$0x2] =	stream.linear.gather [hbm4b:s12+s13], $0x40, $0x38;
	[tilespmem:$0x4080] =	vst v63  }
.LBB2_11:
0x48: {  	s2 =	simm.s32 $0x3  }
0x49: {  	_ =	swait.ge [sflag:s2], $0x2000  }
0x4a: {  	[sflag:s2] =	ssyncset.done $0x0  }
0x4b: {  	[sflag:s2] =	ssyncadd.s32 $0xFFFFE000  }
0x4c: {  	_ =	sfence.sel $0x180000  }
0x4d: {  	s3 =	simm.s32 $0x2;
	[bflag:$0x0] =	sbarrier.arrive $0xFFFF  }
0x4e: {  	[sflag:s3] =	ssyncpa.u1 $0x1  }
0x4f: {  	s31 =	simm.s32 $0x1;
	[sflag:s2] =	ssyncpa.u1 $0x1  }
0x50: {  	[sflag:s31] =	ssyncpa.u1 $0x1  }
0x51: {  	p0 =	sne.s32 s1, $0x0;
	_ =	strace $0x90000050  }
0x52: {  	s0 =	sadd.s32 @!p0 $0x100000, s0;
	[bflag:$0x2] =	sbarrier.arrive $0xFFFF  }
0x53: {  	[sflag:s0] =	ssyncadd.tile.s32 @!p0 $0x1;
	_ =	shalt  }
.Lfunc_end2:
_tile_overlayer_lowered:
.L_overlay_start_2:
0x54: {  	(tag) =	ssettag $0x2  }
0x55: {  	s0 =	rddreg [dreg:$0x0];
	s2 =	stileid.u32  }
0x56: {  	s1 =	rddreg [dreg:$0x1];
	p0 =	sne.s32 s2, $0x0  }
0x57: {  	s3 =	rddreg [dreg:$0x2];
	[bflag:$0x3] =	sbarrier.arrive $0xFFFF;
	s2 =	simm.s32 @!p0 $0x1C01  }
0x58: {  	[timem:s3], [sflag:s2] =	dma.local @!p0 [hbm:s0], s1  }
0x59: {  	s0 =	simm.s32 @!p0 $0x1  }
0x5a: {  	_ =	swait.ge @!p0 [sflag:s0], s1  }
0x5b: {  	s1 =	ssub.s32 @!p0 $0x0, s1;
	[sflag:s0] =	ssyncset.done @!p0 $0x0  }
0x5c: {  	[sflag:s0] =	ssyncadd.s32 @!p0 s1  }
0x5d: {  	[bflag:$0x3] =	sbarrier.arrive $0xFFFF  }
0x5e: {  	_ =	shalt  }

// kernel: gather_offload_async_start.2
scs
__scs_entry_jumppad:
0x0: {  	(pc) =	sbr.rel $0x88, $3  }
0x1: {  	(tag) =	ssettag $0x0;
	lr =	simm.s32 $0x1  }
0x2: {  	[smem:$0x3F90] =	sst lr;
	_ =	strace $0xD0000000  }
0x3: {  	_ = 	snop  }
0x4: {  	_ = 	snop  }
0x5: {  	_ = 	snop  }
0x6: {  	_ = 	snop  }
0x7: {  	_ = 	snop  }
__scs_overlays_trampoline_lowered:
0x8: {  	[smem:$0x3F9F] =	sst s0  }
0x9: {  	[smem:$0x3FA0] =	sst s1  }
0xa: {  	[smem:$0x3FA1] =	sst s2  }
0xb: {  	[smem:$0x3FA2] =	sst s3  }
0xc: {  	[smem:$0x3FA3] =	sst s4  }
0xd: {  	[smem:$0x3FA4] =	sst s5  }
0xe: {  	[smem:$0x3FA5] =	sst s6  }
0xf: {  	[smem:$0x3FA6] =	sst s7  }
0x10: {  	[smem:$0x3FA7] =	sst s8  }
0x11: {  	[smem:$0x3FA8] =	sst s9;
	s0 =	simm.s32 @!p0 $0x0  }
0x12: {  	s1 =	sld [smem:$0x3F8E];
	s0 =	simm.s32 @p0 $0x1  }
0x13: {  	[smem:$0x3FA9] =	sst s0;
	s0 =	simm.s32 @!p1 $0x0  }
0x14: {  	s2 =	sld [smem:$0x3F8D];
	s0 =	simm.s32 @p1 $0x1  }
0x15: {  	[smem:$0x3FAA] =	sst s0;
	s0 =	simm.s32 @!p2 $0x0  }
0x16: {  	s3 =	sld [smem:$0x3FDB];
	s0 =	simm.s32 @p2 $0x1  }
0x17: {  	s4 =	simm.s32 $0x1BF5;
	[smem:$0x3FAC] =	sst s0  }
0x18: {  	s0 =	sld [smem:$0x3F8F];
	_ =	swait.ge [sflag:s4], $0x0  }
0x19: {  	s7 =	sld [smem:$0x3F90]  }
0x1a: {  	s8 =	sadd.s32 $0xFFFFE003, lr  }
0x1b: {  	s9 =	sadd.s32 $0xFFFFFEF7, lr;
	s5 =	simm.s32 $0xFFFFFFFF;
	p2 =	slt.u32 s8, $0xFFFFF086  }
0x1c: {  	p1 =	slt.u32 s9, $0xF7A;
	s5 =	simm.s32 @!p2 $0x0  }
0x1d: {  	s5 =	simm.s32 @p1 $0x1;
	p0 =	seq.s32 s7, s2  }
0x1e: {  	s7 =	smul.u32 @!p0 $0xF7A, s2;
	p2 =	seq.s32 @!p0 s5, $0x0  }
0x1f: {  	s9 =	smul.u32 $0xF7A, s1;
	s8 =	simm.s32 @!p0 $0x1BF5;
	p2 =	por !p2, p0  }
0x20: {  	[sflag:s8] =	ssyncset.s32 @!p0 $0xFFFFF086;
	s6 =	sadd.s32 @!p0 s3, s7;
	s7 =	simm.s32 @!p0 $0x108  }
0x21: {  	s3 =	sadd.s32 s3, s9;
	s6 =	sadd.s32 @!p0 $0x88, s6;
	s7 =	simm.s32 @p2 $0x1082  }
0x22: {  	[simem:s7], [sflag:s8] =	dma.local @!p0 [hbm:s6], $0xF7A  }
0x23: {  	s9 =	sor.u32 $0xD0000000, s2;
	s6 =	simm.s32 $0x108;
	_ =	swait.ge @!p0 [sflag:s8], $0x0  }
0x24: {  	s3 =	sadd.s32 $0x88, s3;
	s6 =	simm.s32 @!p1 $0x1082;
	[sflag:s4] =	ssyncset.s32 $0xFFFFF086  }
0x25: {  	[simem:s6], [sflag:s4] =	dma.local [hbm:s3], $0xF7A  }
0x26: {  	[smem:$0x3F90] =	sst s1;
	(tag) =	ssettag s2;
	_ =	strace s9  }
0x27: {  	s1 =	sld [smem:$0x3FA0]  }
0x28: {  	s2 =	sld [smem:$0x3FA1]  }
0x29: {  	s4 =	sld [smem:$0x3FA3]  }
0x2a: {  	p0 =	seq.s32 s5, $0x0;
	s5 =	sld [smem:$0x3FA4]  }
0x2b: {  	s6 =	sld [smem:$0x3FA5]  }
0x2c: {  	s7 =	sld [smem:$0x3FA6]  }
0x2d: {  	s3 =	simm.s32 $0x108;
	s8 =	sld [smem:$0x3FA7]  }
0x2e: {  	s3 =	simm.s32 @!p0 $0x1082;
	s9 =	sld [smem:$0x3FA8]  }
0x2f: {  	lr =	sadd.s32 s0, s3;
	s0 =	sld [smem:$0x3F9F]  }
0x30: {  	s3 =	sld [smem:$0x3FA2]  }
0x31: {  	[smem:$0x3FAB] =	sst s10  }
0x32: {  	s10 =	sld [smem:$0x3FA9];
	_ =	sdelay $0x3  }
0x33: {  	p0 =	seq.s32 s10, $0x1;
	s10 =	sld [smem:$0x3FAB];
	_ =	sdelay $0x3  }
0x34: {  	[smem:$0x3FAB] =	sst s10  }
0x35: {  	s10 =	sld [smem:$0x3FAA];
	_ =	sdelay $0x3  }
0x36: {  	p1 =	seq.s32 s10, $0x1;
	s10 =	sld [smem:$0x3FAB];
	_ =	sdelay $0x3  }
0x37: {  	[smem:$0x3FAB] =	sst s10  }
0x38: {  	s10 =	sld [smem:$0x3FAC]  }
0x39: {  	_ = 	snop;
	(pc) =	sbr.ind lr, $3  }
0x3a: {  	_ = 	snop  }
0x3b: {  	_ = 	snop  }
0x3c: {  	p2 =	seq.s32 s10, $0x1;
	s10 =	sld [smem:$0x3FAB]  }
0x3d: {  	_ =	shalt  }
0x3e: {  	_ =	shalt  }
0x3f: {  	_ =	shalt  }
0x40: {  	_ =	shalt  }
0x41: {  	_ =	shalt  }
0x42: {  	_ =	shalt  }
0x43: {  	_ =	shalt  }
0x44: {  	_ =	shalt  }
0x45: {  	_ =	shalt  }
0x46: {  	_ =	shalt  }
0x47: {  	_ =	shalt  }
0x48: {  	_ =	shalt  }
0x49: {  	_ =	shalt  }
0x4a: {  	_ =	shalt  }
0x4b: {  	_ =	shalt  }
0x4c: {  	_ =	shalt  }
0x4d: {  	_ =	shalt  }
0x4e: {  	_ =	shalt  }
0x4f: {  	_ =	shalt  }
0x50: {  	_ =	shalt  }
0x51: {  	_ =	shalt  }
0x52: {  	_ =	shalt  }
0x53: {  	_ =	shalt  }
0x54: {  	_ =	shalt  }
0x55: {  	_ =	shalt  }
0x56: {  	_ =	shalt  }
0x57: {  	_ =	shalt  }
0x58: {  	_ =	shalt  }
0x59: {  	_ =	shalt  }
0x5a: {  	_ =	shalt  }
0x5b: {  	_ =	shalt  }
0x5c: {  	_ =	shalt  }
0x5d: {  	_ =	shalt  }
0x5e: {  	_ =	shalt  }
0x5f: {  	_ =	shalt  }
0x60: {  	_ =	shalt  }
0x61: {  	_ =	shalt  }
0x62: {  	_ =	shalt  }
0x63: {  	_ =	shalt  }
0x64: {  	_ =	shalt  }
0x65: {  	_ =	shalt  }
0x66: {  	_ =	shalt  }
0x67: {  	_ =	shalt  }
0x68: {  	_ =	shalt  }
0x69: {  	_ =	shalt  }
0x6a: {  	_ =	shalt  }
0x6b: {  	_ =	shalt  }
0x6c: {  	_ =	shalt  }
0x6d: {  	_ =	shalt  }
0x6e: {  	_ =	shalt  }
0x6f: {  	_ =	shalt  }
0x70: {  	_ =	shalt  }
0x71: {  	_ =	shalt  }
0x72: {  	_ =	shalt  }
0x73: {  	_ =	shalt  }
0x74: {  	_ =	shalt  }
0x75: {  	_ =	shalt  }
0x76: {  	_ =	shalt  }
0x77: {  	_ =	shalt  }
0x78: {  	_ =	shalt  }
0x79: {  	_ =	shalt  }
0x7a: {  	_ =	shalt  }
0x7b: {  	_ =	shalt  }
0x7c: {  	_ =	shalt  }
0x7d: {  	_ =	shalt  }
0x7e: {  	_ =	shalt  }
0x7f: {  	_ =	shalt  }
0x80: {  	_ =	shalt  }
0x81: {  	_ =	shalt  }
0x82: {  	_ =	shalt  }
0x83: {  	_ =	shalt  }
0x84: {  	_ =	shalt  }
0x85: {  	_ =	shalt  }
0x86: {  	_ =	shalt  }
0x87: {  	_ =	shalt  }
.Lfunc_end0:
.L_simem_size_0:
called_computation.2_lowered:
.L_overlay_start_0:
0x88: {  	s2 =	sld [smem:$0x3FD9]  }
0x89: {  	s3 =	sld [smem:$0x3FFE];
	_ =	sdelay $0x1  }
0x8a: {  	s1 =	srdreg.scid  }
0x8b: {  	s0 =	sand.u32 $0x1, s1  }
0x8c: {  	s17 =	sshll.u32 s0, $0xA;
	s2 =	sadd.s32 s3, s2  }
0x8d: {  	s2 =	sadd.s32 s2, s17  }
0x8e: {  	[smem:$0x3FB7] =	sst s2  }
0x8f: {  	_ = 	snop  }
0x90: {  	s18 =	sld [smem:$0x3FD0];
	(tm) =	ssettm $0x1  }
0x91: {  	s19 =	sld [smem:$0x3FFB];
	_ =	sdelay $0x3  }
0x92: {  	_ =	strace s19  }
0x93: {  	s2 =	sld [smem:$0x3FFC];
	_ =	sdelay $0x3  }
0x94: {  	_ =	strace s2  }
0x95: {  	s2 =	sld [smem:$0x3FFD];
	_ =	sdelay $0x3  }
0x96: {  	_ =	strace s2  }
0x97: {  	_ =	strace $0x8FFFFFFF  }
0x98: {  	s20 =	sld [smem:$0x3FDB];
	_ =	sdelay $0x1  }
0x99: {  	s4 =	simm.s32 $_scs_section_size  }
0x9a: {  	s5 =	simm.s32 $_size__tile_overlayer_lowered;
	s6 =	simm.s32 $_tile_overlayer_lowered  }
0x9b: {  	s7 =	simm.s32 $0x1BFF;
	s21 =	sshll.u32 s6, $0x1;
	s4 =	sadd.s32 s4, s20  }
0x9c: {  	s22 =	simm.s32 $0x0;
	s5 =	sshll.u32 s5, $0x1;
	s6 =	sadd.s32 s21, s4  }
0x9d: {  	[timem:s22], [sflag:s7] =	dma.local [hbm:s6], s5  }
0x9e: {  	_ =	swait.ge [sflag:s7], s5  }
0x9f: {  	s5 =	ssub.s32 $0x0, s5;
	[sflag:s7] =	ssyncset.done $0x0  }
0xa0: {  	[sflag:s7] =	ssyncadd.s32 s5;
	_ =	sdelay $0x1  }
0xa1: {  	s23 =	simm.s32 $0x1B8B  }
0xa2: {  	_ =	swait.ge [sflag:s23], $0x1  }
0xa3: {  	[sflag:s23] =	ssyncset.done $0x0  }
0xa4: {  	[sflag:s23] =	ssyncadd.s32 $0xFFFFFFFF  }
0xa5: {  	s5 =	sld [smem:$0x0]  }
0xa6: {  	s6 =	sand.u32 $0xFFFFFFFE, s1  }
0xa7: {  	p0 =	sne.s32 s1, s6  }
0xa8: {  	s6 =	sshll.u32 @p0 s6, $0xE  }
0xa9: {  	s6 =	sadd.s32 @p0 $0x11B8D, s6;
	s7 =	sshll.u32 @p0 s5, $0x11  }
0xaa: {  	s6 =	sor.u32 @p0 s7, s6  }
0xab: {  	[sflag:s6] =	ssyncadd.remote.s32 @p0 $0x1;
	_ =	sdelay $0x1  }
0xac: {  	s6 =	simm.s32 @p0 $0x1B8D  }
0xad: {  	_ =	swait.eq @p0 [sflag:s6], $0x1  }
0xae: {  	[sflag:s6] =	ssyncadd.s32 @p0 $0xFFFFFFFF  }
0xaf: {  	s7 =	sshll.u32 @!p0 s1, $0xE  }
0xb0: {  	s7 =	sor.u32 @!p0 $0x4000, s7;
	s6 =	simm.s32 @!p0 $0x1B8D  }
0xb1: {  	s5 =	sshll.u32 @!p0 s5, $0x11;
	s7 =	sadd.s32 @!p0 $0x11B8D, s7;
	_ =	swait.eq @!p0 [sflag:s6], $0x1  }
0xb2: {  	s5 =	sor.u32 @!p0 s5, s7;
	[sflag:s6] =	ssyncadd.s32 @!p0 $0xFFFFFFFF  }
0xb3: {  	s25 =	simm.s32 $0x1B8E;
	s24 =	sld [smem:$0x3FFE];
	[sflag:s5] =	ssyncadd.remote.s32 @!p0 $0x1  }
0xb4: {  	s26 =	simm.s32 $execute0_lowered;
	[smem:$0x3FD2] =	sst s25  }
0xb5: {  	s6 =	sshll.u32 s26, $0x1;
	_ =	strace $0x8000004C;
	[dreg:$0x1] =	wrdreg $0xFFFFFFFF  }
0xb6: {  	s28 =	simm.s32 $_size_execute0_lowered;
	s4 =	sadd.s32 s4, s6;
	[dreg:$0x0] =	wrdreg $0x0  }
0xb7: {  	s6 =	sshll.u32 s28, $0x1;
	[dreg:$0x2] =	wrdreg s4  }
0xb8: {  	[dreg:$0x3] =	wrdreg s6  }
0xb9: {  	[dreg:$0x4] =	wrdreg $0xC0  }
0xba: {  	_ =	task [dreg:s22], $0x5FFFF  }
0xbb: {  	[dreg:$0x1] =	wrdreg $0xFFFFFFFF  }
0xbc: {  	[dreg:$0x0] =	wrdreg $0x60  }
0xbd: {  	[dreg:$0x2] =	wrdreg s18  }
0xbe: {  	[dreg:$0x3] =	wrdreg s24  }
0xbf: {  	[dreg:$0x4] =	wrdreg $0x9  }
0xc0: {  	_ =	task.clear_ibuf [dreg:s22], $0x5FFFF;
	_ =	strace $0x9000004C  }
0xc1: {  	s29 =	simm.s32 $0x9;
	_ =	strace $0x8000004E  }
0xc2: {  	_ =	swait.ge [sflag:s29], $0x1  }
0xc3: {  	[sflag:s29] =	ssyncadd.s32 $0xFFFFFFFF  }
0xc4: {  	_ =	strace $0x9000004E  }
0xc5: {  	_ =	sfence  }
0xc6: {  	s30 =	sld [smem:$0x0];
	_ =	sdelay $0x2  }
0xc7: {  	s31 =	sshll.u32 s1, $0xD;
	s1 =	sshrl.u32 s1, $0x2  }
0xc8: {  	s4 =	sand.u32 $0x4000, s31;
	s1 =	sadd.s32 s1, s30  }
0xc9: {  	s0 =	sor.u32 s4, s0;
	s1 =	sshll.u32 s1, $0x11  }
0xca: {  	s0 =	sor.u32 s1, s0  }
0xcb: {  	s0 =	sadd.s32 $0x8F2B, s0  }
0xcc: {  	[sflag:s0] =	ssyncadd.remote.s32 $0x1  }
0xcd: {  	_ =	sfence.sel $0xFFFF  }
0xce: {  	[dreg:$0x0] =	wrdreg $0xFFFFFFFF;
	(pc) =	sbr.abs _section_cstart, $3  }
0xcf: {  	[dreg:$0x1] =	wrdreg $0xFFFFFFFF  }
0xd0: {  	_ =	task.clear_ibuf [dreg:s22], $0x2FFFF;
	_ =	strace $0x9FFFFFFF  }
0xd1: {  	(tm) =	ssettm $0x7FFFFFFF  }
tec
execute0_lowered:
.L_overlay_start_1:
0x0: {  	(tag) =	ssettag $0x1  }
0x1: {  	s2 =	rddreg [dreg:$0x0]  }
0x2: {  	s7 =	rddreg [dreg:$0x1]  }
0x3: {  	s0 =	rddreg [dreg:$0x2]  }
0x4: {  	s1 =	srdreg.scid;
	_ =	strace $0x8000004D;
	s4 =	simm.s32 $0x1  }
0x5: {  	s9 =	simm.s32 $0x3;
	s12 =	simm.s32 $0x0;
	s5 =	sshll.u32 s1, $0x4  }
.Ltmp0:
0x6: {  	s1 =	stileid.u32;
	s5 =	sand.u32 $0x10, s5;
	(pc) =	sbr.rel .LBB2_1-.Ltmp0, $4  }
0x7: {  	s10 =	simm.s32 $0x0;
	s3 =	sadd.s32 $0x1C00, s7;
	s6 =	sor.u32 s1, s5  }
0x8: {  	[sflag:s4] =	ssyncpa.u1 $0x0;
	s5 =	simm.s32 $0x2;
	s6 =	sshll.u32 s6, $0x6  }
0x9: {  	s7 =	sadd.s32 $0x22200, s7;
	[sflag:s5] =	ssyncpa.u1 $0x0;
	s8 =	sadd.s32 $0x40, s6  }
0xa: {  	vm0 =	vmmov $0xff;
	vm1 =	vcmask $0x3F20;
	[sflag:s9] =	ssyncpa.u1 $0x0;
	s9 =	simm.s32 $0x40;
	s11 =	smov.u32 s6  }
.LBB2_9:
0xb: {  	p0 =	seq.s32 s10, $0x2  }
.Ltmp1:
0xc: {  	_ = 	snop;
	(pc) =	sbr.rel @p0 .LBB2_11-.Ltmp1, $1  }
0xd: {  	_ =	sdelay $0x3  }
.LBB2_10:
0xe: {  	s12 =	sadd.s32 $0x40, s11  }
0xf: {  	s13 =	smov.u32 s6;
	p0 =	slt.s32 s12, s8  }
0x10: {  	s13 =	smov.u32 @p0 s12  }
0x11: {  	s10 =	sadd.s32 $0x1, s10;
	s12 =	smov.u32 s11;
	s11 =	smov.u32 s13  }
.LBB2_1:
0x12: {  	p0 =	sne.s32 s10, $0x0  }
.Ltmp2:
0x13: {  	_ = 	snop;
	(pc) =	sbr.rel @!p0 .LBB2_2-.Ltmp2, $1  }
0x14: {  	_ =	sdelay $0x3  }
0x15: {  	s13 =	sand.u32 $0x1, s10  }
0x16: {  	p0 =	seq.s32 s13, $0x0  }
.Ltmp3:
0x17: {  	_ = 	snop;
	(pc) =	sbr.rel @p0 .LBB2_9-.Ltmp3, $1  }
0x18: {  	_ =	sdelay $0x3  }
0x19: {  	_ =	swait.ge [sflag:s5], $0x40  }
0x1a: {  	[sflag:s5] =	ssyncset.done $0x0  }
0x1b: {  	s13 =	simm.s32 $0x0;
	[sflag:s5] =	ssyncadd.s32 $0xFFFFFFC0  }
0x1c: {  	v0 =	vld.msk [tilespmem:s13+$0x40 ss:$0x1], $0xffff;
	_ =	sdelay $0x4  }
0x1d: {  	vm2 =	vgt.s32 v0, $0x0  }
0x1e: {  	v0 =	vnsel vm2, $0x0, v0  }
0x1f: {  	v0 =	vmin.u32 v0, $0x1FFF  }
0x20: {  	v0 =	vshll.u32 v0, $0x4;
	_ =	sdelay $0x3  }
0x21: {  	s13 =	simm.s32 $0x2080  }
0x22: {  	[tilespmem:s13], [sflag:$0x1] =	stream.indirect_vreg.gather [hbm:s2], $0x80, v0, vm0, $0x38;
	[tilespmem:$0x4080] =	vst v63  }
0x23: {  	s14 =	simm.s32 $0x2480;
	s31 =	simm.s32 $0x10  }
0x24: {  	[tilespmem:s14], [sflag:$0x1] =	stream.indirect_vreg.gather [hbm:s2], $0x80, v0, vm1, $0x38;
	[tilespmem:$0x4080] =	vst v63  }
0x25: {  	s14 =	simm.s32 $0x80;
	v0 =	vld.msk [tilespmem:s31+$0x40 ss:$0x1], $0xffff  }
.LBB2_5:
0x26: {  	p0 =	sne.s32 s14, $0xC0;
	_ =	sdelay $0x4  }
0x27: {  	vm2 =	vgt.s32 v0, $0x0  }
0x28: {  	v0 =	vnsel vm2, $0x0, v0  }
0x29: {  	v0 =	vmin.u32 v0, $0x1FFF  }
0x2a: {  	v0 =	vshll.u32 v0, $0x4;
	_ =	sdelay $0x3  }
.Ltmp4:
0x2b: {  	s13 =	sadd.s32 $0x800, s13;
	(pc) =	sbr.rel @p0 .LBB2_5-.Ltmp4, $4  }
0x2c: {  	[tilespmem:s13], [sflag:$0x1] =	stream.indirect_vreg.gather [hbm:s2], $0x80, v0, vm0, $0x38;
	[tilespmem:$0x4080] =	vst v63  }
0x2d: {  	s15 =	sshra.s32 s14, $0x2;
	s16 =	sadd.s32 $0x400, s13  }
0x2e: {  	[tilespmem:s16], [sflag:$0x1] =	stream.indirect_vreg.gather [hbm:s2], $0x80, v0, vm1, $0x38;
	[tilespmem:$0x4080] =	vst v63  }
0x2f: {  	s14 =	sadd.s32 $0x40, s14;
	v0 =	vld.msk [tilespmem:s15+$0x40 ss:$0x1], $0xffff  }
0x30: {  	_ =	sdelay $0x3  }
0x31: {  	vm2 =	vgt.s32 v0, $0x0  }
0x32: {  	v0 =	vnsel vm2, $0x0, v0  }
0x33: {  	v0 =	vmin.u32 v0, $0x1FFF  }
0x34: {  	v0 =	vshll.u32 v0, $0x4;
	_ =	sdelay $0x3  }
0x35: {  	s13 =	sadd.s32 $0x800, s13  }
0x36: {  	[tilespmem:s13], [sflag:$0x1] =	stream.indirect_vreg.gather [hbm:s2], $0x80, v0, vm0, $0x38;
	[tilespmem:$0x4080] =	vst v63  }
0x37: {  	s13 =	sadd.s32 $0x400, s13  }
0x38: {  	[tilespmem:s13], [sflag:$0x1] =	stream.indirect_vreg.gather [hbm:s2], $0x80, v0, vm1, $0x38;
	[tilespmem:$0x4080] =	vst v63  }
0x39: {  	s12 =	sshll.u32 s12, $0x4;
	s14 =	simm.s32 $0x80;
	_ =	swait.ge [sflag:s4], $0x2000  }
0x3a: {  	s15 =	simm.s32 $0x2480;
	s12 =	sadd.s32 s12, s7;
	[sflag:s4] =	ssyncset.done $0x0  }
0x3b: {  	s16 =	sadd.s32 $0x0, s12;
	s13 =	simm.s32 $0x2080;
	[sflag:s4] =	ssyncadd.s32 $0xFFFFE000  }
.LBB2_7:
0x3c: {  	[hbm:s16] =	stream.linear.scatter [tilespmem:s13], [sflag:$0x3], $0x400, $0x38;
	[tilespmem:$0x4080] =	vst v63  }
0x3d: {  	s16 =	smov.u32 s14;
	s13 =	smov.u32 s15;
	p0 =	sne.s32 s14, $0x380  }
.Ltmp5:
0x3e: {  	s14 =	sadd.s32 $0x80, s14;
	(pc) =	sbr.rel @p0 .LBB2_7-.Ltmp5, $2  }
0x3f: {  	_ =	sdelay $0x2  }
0x40: {  	s15 =	sadd.s32 $0x400, s15;
	s16 =	sadd.s32 s16, s12  }
.Ltmp6:
0x41: {  	(pc) =	sbr.rel .LBB2_9-.Ltmp6, $2  }
0x42: {  	_ =	sdelay $0x2  }
0x43: {  	[hbm:s16] =	stream.linear.scatter [tilespmem:s13], [sflag:$0x3], $0x400, $0x38;
	[tilespmem:$0x4080] =	vst v63  }
.LBB2_2:
.Ltmp7:
0x44: {  	(pc) =	sbr.rel .LBB2_10-.Ltmp7, $4  }
0x45: {  	_ = 	snop  }
0x46: {  	s12 =	sshrl.u32 s11, $0x3  }
0x47: {  	s13 =	sand.u32 $0x7, s11;
	s12 =	sadd.s32 s3, s12  }
0x48: {  	[tilespmem:s9], [sflag:$0x2] =	stream.linear.gather [hbm4b:s12+s13], $0x40, $0x38;
	[tilespmem:$0x4080] =	vst v63  }
.LBB2_11:
0x49: {  	s2 =	simm.s32 $0x3  }
0x4a: {  	_ =	swait.ge [sflag:s2], $0x2000  }
0x4b: {  	[sflag:s2] =	ssyncset.done $0x0  }
0x4c: {  	[sflag:s2] =	ssyncadd.s32 $0xFFFFE000  }
0x4d: {  	_ =	sfence.sel $0x180000  }
0x4e: {  	s3 =	simm.s32 $0x2;
	[bflag:$0x0] =	sbarrier.arrive $0xFFFF  }
0x4f: {  	[sflag:s3] =	ssyncpa.u1 $0x1  }
0x50: {  	s31 =	simm.s32 $0x1;
	[sflag:s2] =	ssyncpa.u1 $0x1  }
0x51: {  	[sflag:s31] =	ssyncpa.u1 $0x1  }
0x52: {  	p0 =	sne.s32 s1, $0x0;
	_ =	strace $0x9000004D  }
0x53: {  	s0 =	sadd.s32 @!p0 $0x100000, s0;
	[bflag:$0x2] =	sbarrier.arrive $0xFFFF  }
0x54: {  	[sflag:s0] =	ssyncadd.tile.s32 @!p0 $0x1;
	_ =	shalt  }
.Lfunc_end2:
_tile_overlayer_lowered:
.L_overlay_start_2:
0x55: {  	(tag) =	ssettag $0x2  }
0x56: {  	s0 =	rddreg [dreg:$0x0];
	s2 =	stileid.u32  }
0x57: {  	s1 =	rddreg [dreg:$0x1];
	p0 =	sne.s32 s2, $0x0  }
0x58: {  	s3 =	rddreg [dreg:$0x2];
	[bflag:$0x3] =	sbarrier.arrive $0xFFFF;
	s2 =	simm.s32 @!p0 $0x1C01  }
0x59: {  	[timem:s3], [sflag:s2] =	dma.local @!p0 [hbm:s0], s1  }
0x5a: {  	s0 =	simm.s32 @!p0 $0x1  }
0x5b: {  	_ =	swait.ge @!p0 [sflag:s0], s1  }
0x5c: {  	s1 =	ssub.s32 @!p0 $0x0, s1;
	[sflag:s0] =	ssyncset.done @!p0 $0x0  }
0x5d: {  	[sflag:s0] =	ssyncadd.s32 @!p0 s1  }
0x5e: {  	[bflag:$0x3] =	sbarrier.arrive $0xFFFF  }
0x5f: {  	_ =	shalt  }

// kernel: gather_offload_async_start.3
scs
__scs_entry_jumppad:
0x0: {  	(pc) =	sbr.rel $0x88, $3  }
0x1: {  	(tag) =	ssettag $0x0;
	lr =	simm.s32 $0x1  }
0x2: {  	[smem:$0x3F90] =	sst lr;
	_ =	strace $0xD0000000  }
0x3: {  	_ = 	snop  }
0x4: {  	_ = 	snop  }
0x5: {  	_ = 	snop  }
0x6: {  	_ = 	snop  }
0x7: {  	_ = 	snop  }
__scs_overlays_trampoline_lowered:
0x8: {  	[smem:$0x3F9F] =	sst s0  }
0x9: {  	[smem:$0x3FA0] =	sst s1  }
0xa: {  	[smem:$0x3FA1] =	sst s2  }
0xb: {  	[smem:$0x3FA2] =	sst s3  }
0xc: {  	[smem:$0x3FA3] =	sst s4  }
0xd: {  	[smem:$0x3FA4] =	sst s5  }
0xe: {  	[smem:$0x3FA5] =	sst s6  }
0xf: {  	[smem:$0x3FA6] =	sst s7  }
0x10: {  	[smem:$0x3FA7] =	sst s8  }
0x11: {  	[smem:$0x3FA8] =	sst s9;
	s0 =	simm.s32 @!p0 $0x0  }
0x12: {  	s1 =	sld [smem:$0x3F8E];
	s0 =	simm.s32 @p0 $0x1  }
0x13: {  	[smem:$0x3FA9] =	sst s0;
	s0 =	simm.s32 @!p1 $0x0  }
0x14: {  	s2 =	sld [smem:$0x3F8D];
	s0 =	simm.s32 @p1 $0x1  }
0x15: {  	[smem:$0x3FAA] =	sst s0;
	s0 =	simm.s32 @!p2 $0x0  }
0x16: {  	s3 =	sld [smem:$0x3FDB];
	s0 =	simm.s32 @p2 $0x1  }
0x17: {  	s4 =	simm.s32 $0x1BF5;
	[smem:$0x3FAC] =	sst s0  }
0x18: {  	s0 =	sld [smem:$0x3F8F];
	_ =	swait.ge [sflag:s4], $0x0  }
0x19: {  	s7 =	sld [smem:$0x3F90]  }
0x1a: {  	s8 =	sadd.s32 $0xFFFFE003, lr  }
0x1b: {  	s9 =	sadd.s32 $0xFFFFFEF7, lr;
	s5 =	simm.s32 $0xFFFFFFFF;
	p2 =	slt.u32 s8, $0xFFFFF086  }
0x1c: {  	p1 =	slt.u32 s9, $0xF7A;
	s5 =	simm.s32 @!p2 $0x0  }
0x1d: {  	s5 =	simm.s32 @p1 $0x1;
	p0 =	seq.s32 s7, s2  }
0x1e: {  	s7 =	smul.u32 @!p0 $0xF7A, s2;
	p2 =	seq.s32 @!p0 s5, $0x0  }
0x1f: {  	s9 =	smul.u32 $0xF7A, s1;
	s8 =	simm.s32 @!p0 $0x1BF5;
	p2 =	por !p2, p0  }
0x20: {  	[sflag:s8] =	ssyncset.s32 @!p0 $0xFFFFF086;
	s6 =	sadd.s32 @!p0 s3, s7;
	s7 =	simm.s32 @!p0 $0x108  }
0x21: {  	s3 =	sadd.s32 s3, s9;
	s6 =	sadd.s32 @!p0 $0x88, s6;
	s7 =	simm.s32 @p2 $0x1082  }
0x22: {  	[simem:s7], [sflag:s8] =	dma.local @!p0 [hbm:s6], $0xF7A  }
0x23: {  	s9 =	sor.u32 $0xD0000000, s2;
	s6 =	simm.s32 $0x108;
	_ =	swait.ge @!p0 [sflag:s8], $0x0  }
0x24: {  	s3 =	sadd.s32 $0x88, s3;
	s6 =	simm.s32 @!p1 $0x1082;
	[sflag:s4] =	ssyncset.s32 $0xFFFFF086  }
0x25: {  	[simem:s6], [sflag:s4] =	dma.local [hbm:s3], $0xF7A  }
0x26: {  	[smem:$0x3F90] =	sst s1;
	(tag) =	ssettag s2;
	_ =	strace s9  }
0x27: {  	s1 =	sld [smem:$0x3FA0]  }
0x28: {  	s2 =	sld [smem:$0x3FA1]  }
0x29: {  	s4 =	sld [smem:$0x3FA3]  }
0x2a: {  	p0 =	seq.s32 s5, $0x0;
	s5 =	sld [smem:$0x3FA4]  }
0x2b: {  	s6 =	sld [smem:$0x3FA5]  }
0x2c: {  	s7 =	sld [smem:$0x3FA6]  }
0x2d: {  	s3 =	simm.s32 $0x108;
	s8 =	sld [smem:$0x3FA7]  }
0x2e: {  	s3 =	simm.s32 @!p0 $0x1082;
	s9 =	sld [smem:$0x3FA8]  }
0x2f: {  	lr =	sadd.s32 s0, s3;
	s0 =	sld [smem:$0x3F9F]  }
0x30: {  	s3 =	sld [smem:$0x3FA2]  }
0x31: {  	[smem:$0x3FAB] =	sst s10  }
0x32: {  	s10 =	sld [smem:$0x3FA9];
	_ =	sdelay $0x3  }
0x33: {  	p0 =	seq.s32 s10, $0x1;
	s10 =	sld [smem:$0x3FAB];
	_ =	sdelay $0x3  }
0x34: {  	[smem:$0x3FAB] =	sst s10  }
0x35: {  	s10 =	sld [smem:$0x3FAA];
	_ =	sdelay $0x3  }
0x36: {  	p1 =	seq.s32 s10, $0x1;
	s10 =	sld [smem:$0x3FAB];
	_ =	sdelay $0x3  }
0x37: {  	[smem:$0x3FAB] =	sst s10  }
0x38: {  	s10 =	sld [smem:$0x3FAC]  }
0x39: {  	_ = 	snop;
	(pc) =	sbr.ind lr, $3  }
0x3a: {  	_ = 	snop  }
0x3b: {  	_ = 	snop  }
0x3c: {  	p2 =	seq.s32 s10, $0x1;
	s10 =	sld [smem:$0x3FAB]  }
0x3d: {  	_ =	shalt  }
0x3e: {  	_ =	shalt  }
0x3f: {  	_ =	shalt  }
0x40: {  	_ =	shalt  }
0x41: {  	_ =	shalt  }
0x42: {  	_ =	shalt  }
0x43: {  	_ =	shalt  }
0x44: {  	_ =	shalt  }
0x45: {  	_ =	shalt  }
0x46: {  	_ =	shalt  }
0x47: {  	_ =	shalt  }
0x48: {  	_ =	shalt  }
0x49: {  	_ =	shalt  }
0x4a: {  	_ =	shalt  }
0x4b: {  	_ =	shalt  }
0x4c: {  	_ =	shalt  }
0x4d: {  	_ =	shalt  }
0x4e: {  	_ =	shalt  }
0x4f: {  	_ =	shalt  }
0x50: {  	_ =	shalt  }
0x51: {  	_ =	shalt  }
0x52: {  	_ =	shalt  }
0x53: {  	_ =	shalt  }
0x54: {  	_ =	shalt  }
0x55: {  	_ =	shalt  }
0x56: {  	_ =	shalt  }
0x57: {  	_ =	shalt  }
0x58: {  	_ =	shalt  }
0x59: {  	_ =	shalt  }
0x5a: {  	_ =	shalt  }
0x5b: {  	_ =	shalt  }
0x5c: {  	_ =	shalt  }
0x5d: {  	_ =	shalt  }
0x5e: {  	_ =	shalt  }
0x5f: {  	_ =	shalt  }
0x60: {  	_ =	shalt  }
0x61: {  	_ =	shalt  }
0x62: {  	_ =	shalt  }
0x63: {  	_ =	shalt  }
0x64: {  	_ =	shalt  }
0x65: {  	_ =	shalt  }
0x66: {  	_ =	shalt  }
0x67: {  	_ =	shalt  }
0x68: {  	_ =	shalt  }
0x69: {  	_ =	shalt  }
0x6a: {  	_ =	shalt  }
0x6b: {  	_ =	shalt  }
0x6c: {  	_ =	shalt  }
0x6d: {  	_ =	shalt  }
0x6e: {  	_ =	shalt  }
0x6f: {  	_ =	shalt  }
0x70: {  	_ =	shalt  }
0x71: {  	_ =	shalt  }
0x72: {  	_ =	shalt  }
0x73: {  	_ =	shalt  }
0x74: {  	_ =	shalt  }
0x75: {  	_ =	shalt  }
0x76: {  	_ =	shalt  }
0x77: {  	_ =	shalt  }
0x78: {  	_ =	shalt  }
0x79: {  	_ =	shalt  }
0x7a: {  	_ =	shalt  }
0x7b: {  	_ =	shalt  }
0x7c: {  	_ =	shalt  }
0x7d: {  	_ =	shalt  }
0x7e: {  	_ =	shalt  }
0x7f: {  	_ =	shalt  }
0x80: {  	_ =	shalt  }
0x81: {  	_ =	shalt  }
0x82: {  	_ =	shalt  }
0x83: {  	_ =	shalt  }
0x84: {  	_ =	shalt  }
0x85: {  	_ =	shalt  }
0x86: {  	_ =	shalt  }
0x87: {  	_ =	shalt  }
.Lfunc_end0:
.L_simem_size_0:
called_computation.3_lowered:
.L_overlay_start_0:
0x88: {  	s2 =	sld [smem:$0x3FD9]  }
0x89: {  	s3 =	sld [smem:$0x3FFE];
	_ =	sdelay $0x1  }
0x8a: {  	s1 =	srdreg.scid  }
0x8b: {  	s0 =	sand.u32 $0x1, s1  }
0x8c: {  	s17 =	sshll.u32 s0, $0xA;
	s2 =	sadd.s32 s3, s2  }
0x8d: {  	s2 =	sadd.s32 s2, s17  }
0x8e: {  	[smem:$0x3FB7] =	sst s2  }
0x8f: {  	_ = 	snop  }
0x90: {  	s18 =	sld [smem:$0x3FC5];
	(tm) =	ssettm $0x1  }
0x91: {  	s19 =	sld [smem:$0x3FFB];
	_ =	sdelay $0x3  }
0x92: {  	_ =	strace s19  }
0x93: {  	s2 =	sld [smem:$0x3FFC];
	_ =	sdelay $0x3  }
0x94: {  	_ =	strace s2  }
0x95: {  	s2 =	sld [smem:$0x3FFD];
	_ =	sdelay $0x3  }
0x96: {  	_ =	strace s2  }
0x97: {  	_ =	strace $0x8FFFFFFF  }
0x98: {  	s20 =	sld [smem:$0x3FDB];
	_ =	sdelay $0x1  }
0x99: {  	s4 =	simm.s32 $_scs_section_size  }
0x9a: {  	s5 =	simm.s32 $_size__tile_overlayer_lowered;
	s6 =	simm.s32 $_tile_overlayer_lowered  }
0x9b: {  	s7 =	simm.s32 $0x1BFF;
	s21 =	sshll.u32 s6, $0x1;
	s4 =	sadd.s32 s4, s20  }
0x9c: {  	s22 =	simm.s32 $0x0;
	s5 =	sshll.u32 s5, $0x1;
	s6 =	sadd.s32 s21, s4  }
0x9d: {  	[timem:s22], [sflag:s7] =	dma.local [hbm:s6], s5  }
0x9e: {  	_ =	swait.ge [sflag:s7], s5  }
0x9f: {  	s5 =	ssub.s32 $0x0, s5;
	[sflag:s7] =	ssyncset.done $0x0  }
0xa0: {  	[sflag:s7] =	ssyncadd.s32 s5;
	_ =	sdelay $0x1  }
0xa1: {  	s23 =	simm.s32 $0x1B8B  }
0xa2: {  	_ =	swait.ge [sflag:s23], $0x1  }
0xa3: {  	[sflag:s23] =	ssyncset.done $0x0  }
0xa4: {  	[sflag:s23] =	ssyncadd.s32 $0xFFFFFFFF  }
0xa5: {  	s5 =	sld [smem:$0x0]  }
0xa6: {  	s6 =	sand.u32 $0xFFFFFFFE, s1  }
0xa7: {  	p0 =	sne.s32 s1, s6  }
0xa8: {  	s6 =	sshll.u32 @p0 s6, $0xE  }
0xa9: {  	s6 =	sadd.s32 @p0 $0x11B8D, s6;
	s7 =	sshll.u32 @p0 s5, $0x11  }
0xaa: {  	s6 =	sor.u32 @p0 s7, s6  }
0xab: {  	[sflag:s6] =	ssyncadd.remote.s32 @p0 $0x1;
	_ =	sdelay $0x1  }
0xac: {  	s6 =	simm.s32 @p0 $0x1B8D  }
0xad: {  	_ =	swait.eq @p0 [sflag:s6], $0x1  }
0xae: {  	[sflag:s6] =	ssyncadd.s32 @p0 $0xFFFFFFFF  }
0xaf: {  	s7 =	sshll.u32 @!p0 s1, $0xE  }
0xb0: {  	s7 =	sor.u32 @!p0 $0x4000, s7;
	s6 =	simm.s32 @!p0 $0x1B8D  }
0xb1: {  	s5 =	sshll.u32 @!p0 s5, $0x11;
	s7 =	sadd.s32 @!p0 $0x11B8D, s7;
	_ =	swait.eq @!p0 [sflag:s6], $0x1  }
0xb2: {  	s5 =	sor.u32 @!p0 s5, s7;
	[sflag:s6] =	ssyncadd.s32 @!p0 $0xFFFFFFFF  }
0xb3: {  	s25 =	simm.s32 $0x1B8E;
	s24 =	sld [smem:$0x3FFE];
	[sflag:s5] =	ssyncadd.remote.s32 @!p0 $0x1  }
0xb4: {  	s26 =	simm.s32 $execute0_lowered;
	[smem:$0x3FD2] =	sst s25  }
0xb5: {  	s6 =	sshll.u32 s26, $0x1;
	_ =	strace $0x80000049;
	[dreg:$0x1] =	wrdreg $0xFFFFFFFF  }
0xb6: {  	s28 =	simm.s32 $_size_execute0_lowered;
	s4 =	sadd.s32 s4, s6;
	[dreg:$0x0] =	wrdreg $0x0  }
0xb7: {  	s6 =	sshll.u32 s28, $0x1;
	[dreg:$0x2] =	wrdreg s4  }
0xb8: {  	[dreg:$0x3] =	wrdreg s6  }
0xb9: {  	[dreg:$0x4] =	wrdreg $0xC0  }
0xba: {  	_ =	task [dreg:s22], $0x5FFFF  }
0xbb: {  	[dreg:$0x1] =	wrdreg $0xFFFFFFFF  }
0xbc: {  	[dreg:$0x0] =	wrdreg $0x60  }
0xbd: {  	[dreg:$0x2] =	wrdreg s18  }
0xbe: {  	[dreg:$0x3] =	wrdreg s24  }
0xbf: {  	[dreg:$0x4] =	wrdreg $0xB  }
0xc0: {  	_ =	task.clear_ibuf [dreg:s22], $0x5FFFF;
	_ =	strace $0x90000049  }
0xc1: {  	s29 =	simm.s32 $0xB;
	_ =	strace $0x8000004B  }
0xc2: {  	_ =	swait.ge [sflag:s29], $0x1  }
0xc3: {  	[sflag:s29] =	ssyncadd.s32 $0xFFFFFFFF  }
0xc4: {  	_ =	strace $0x9000004B  }
0xc5: {  	_ =	sfence  }
0xc6: {  	s30 =	sld [smem:$0x0];
	_ =	sdelay $0x2  }
0xc7: {  	s31 =	sshll.u32 s1, $0xD;
	s1 =	sshrl.u32 s1, $0x2  }
0xc8: {  	s4 =	sand.u32 $0x4000, s31;
	s1 =	sadd.s32 s1, s30  }
0xc9: {  	s0 =	sor.u32 s4, s0;
	s1 =	sshll.u32 s1, $0x11  }
0xca: {  	s0 =	sor.u32 s1, s0  }
0xcb: {  	s0 =	sadd.s32 $0x8F2B, s0  }
0xcc: {  	[sflag:s0] =	ssyncadd.remote.s32 $0x1  }
0xcd: {  	_ =	sfence.sel $0xFFFF  }
0xce: {  	[dreg:$0x0] =	wrdreg $0xFFFFFFFF;
	(pc) =	sbr.abs _section_cstart, $3  }
0xcf: {  	[dreg:$0x1] =	wrdreg $0xFFFFFFFF  }
0xd0: {  	_ =	task.clear_ibuf [dreg:s22], $0x2FFFF;
	_ =	strace $0x9FFFFFFF  }
0xd1: {  	(tm) =	ssettm $0x7FFFFFFF  }
tec
execute0_lowered:
.L_overlay_start_1:
0x0: {  	(tag) =	ssettag $0x1  }
0x1: {  	s1 =	srdreg.scid;
	s2 =	rddreg [dreg:$0x0]  }
0x2: {  	s0 =	stileid.u32;
	s6 =	rddreg [dreg:$0x1];
	s1 =	sshll.u32 s1, $0x5  }
0x3: {  	s7 =	simm.s32 $0x1;
	s3 =	sshll.u32 s0, $0x6;
	s1 =	sand.u32 $0x20, s1  }
0x4: {  	s30 =	simm.s32 $0x2;
	s31 =	simm.s32 $0x3;
	s3 =	sor.u32 s3, s1  }
0x5: {  	s11 =	simm.s32 $0x0;
	s9 =	simm.s32 $0x0;
	s5 =	ssub.s32 $0x800, s3  }
0x6: {  	s4 =	sadd.s32 $0x1C00, s6;
	s6 =	sadd.s32 $0x2000, s6;
	s8 =	sand.u32 $0x3E0, s5  }
0x7: {  	s1 =	rddreg [dreg:$0x2];
	_ =	strace $0x8000004A;
	p0 =	sne.s32 s8, $0x0  }
0x8: {  	[sflag:s7] =	ssyncpa.u1 $0x0;
	s5 =	sshrl.u32 s5, $0xA;
	s7 =	simm.s32 @!p0 $0x0  }
0x9: {  	s10 =	smov.u32 s3;
	[sflag:s30] =	ssyncpa.u1 $0x0;
	s5 =	sadd.s32 s7, s5  }
0xa: {  	[sflag:s31] =	ssyncpa.u1 $0x0;
	s8 =	simm.s32 $0x0;
	s7 =	sadd.s32 $0x1, s5  }
.LBB2_1:
0xb: {  	p0 =	sge.u32 s9, s5  }
0xc: {  	s31 =	sadd.s32 $0xFFFFFFFF, s9;
	s12 =	sxor.u32 @!p0 $0xFFFFFFFF, s8;
	s13 =	sshrl.u32 @!p0 s10, $0x3  }
0xd: {  	s14 =	sand.u32 @!p0 $0x7, s10;
	s12 =	sand.u32 @!p0 $0x20, s12;
	s13 =	sadd.s32 @!p0 s4, s13  }
0xe: {  	[tilespmem:s12], [sflag:$0x2] =	stream.linear.gather @!p0 [hbm4b:s13+s14], $0x20, $0x38;
	[tilespmem:$0x80] =	vst v63  }
0xf: {  	p0 =	sge.u32 s31, s5  }
0x10: {  	s12 =	simm.s32 @!p0 $0x2  }
0x11: {  	_ =	swait.ge @!p0 [sflag:s12], $0x20  }
0x12: {  	[sflag:s12] =	ssyncset.done @!p0 $0x0  }
0x13: {  	[sflag:s12] =	ssyncadd.s32 @!p0 $0xFFFFFFE0;
	s12 =	sand.u32 @!p0 $0x20, s8  }
0x14: {  	(ifvalue) =	ssetifvalue @!p0 $0x7FFFFFFF;
	v0 =	vld.msk @!p0 [tilespmem:s12+$0x0 ss:$0x1], $0xffff;
	_ =	sdelay $0x4  }
0x15: {  	vm0 =	vgt.s32 @!p0 v0, $0x0  }
0x16: {  	v0 =	vnsel @!p0 vm0, $0x0, v0  }
0x17: {  	v0 =	vmin.u32 @!p0 v0, $0x1FFF;
	_ =	sdelay $0x2  }
0x18: {  	s14 =	simm.s32 @!p0 $0x0  }
0x19: {  	s13 =	sor.u32 @!p0 $0x40, s12;
	(ifvalue) =	ssetifvalue @!p0 $0x7FFFFFFF;
	s15 =	sor.u32 @!p0 $0x10, s12;
	vm0 =	vmmov @!p0 $0xffff  }
0x1a: {  	[tilespmem:s13], [sflag:$0x1] =	stream.indirect_vreg.gather @!p0 [hbm4b:s2+s14], $0x1, v0, vm0, $0x4038;
	[tilespmem:$0x80] =	vst v63  }
0x1b: {  	v0 =	vld.msk @!p0 [tilespmem:s15+$0x0 ss:$0x1], $0xffff;
	_ =	sdelay $0x4  }
0x1c: {  	vm1 =	vgt.s32 @!p0 v0, $0x0  }
0x1d: {  	v0 =	vnsel @!p0 vm1, $0x0, v0  }
0x1e: {  	v0 =	vmin.u32 @!p0 v0, $0x1FFF;
	_ =	sdelay $0x3  }
0x1f: {  	s12 =	sor.u32 @!p0 $0x50, s12;
	(ifvalue) =	ssetifvalue @!p0 $0x7FFFFFFF  }
0x20: {  	[tilespmem:s12], [sflag:$0x1] =	stream.indirect_vreg.gather @!p0 [hbm4b:s2+s14], $0x1, v0, vm0, $0x4038;
	[tilespmem:$0x80] =	vst v63  }
0x21: {  	s12 =	simm.s32 @!p0 $0x1  }
0x22: {  	_ =	swait.ge @!p0 [sflag:s12], $0x20  }
0x23: {  	s14 =	sshrl.u32 @!p0 s11, $0x3;
	[sflag:s12] =	ssyncset.done @!p0 $0x0  }
0x24: {  	s11 =	sand.u32 @!p0 $0x7, s11;
	[sflag:s12] =	ssyncadd.s32 @!p0 $0xFFFFFFE0;
	s12 =	sadd.s32 @!p0 s6, s14  }
0x25: {  	[hbm4b:s12+s11] =	stream.linear.scatter @!p0 [tilespmem:s13], [sflag:$0x3], $0x20, $0x38;
	[tilespmem:$0x80] =	vst v63  }
0x26: {  	s13 =	sadd.s32 $0x400, s10  }
0x27: {  	p1 =	sgt.s32 s13, $0x7FF  }
0x28: {  	s13 =	smov.u32 @p1 s3;
	p1 =	sne.s32 s9, s7  }
.Ltmp0:
0x29: {  	p0 =	slt.u32 s9, $0x2;
	(pc) =	sbr.rel @p1 .LBB2_1-.Ltmp0, $4  }
0x2a: {  	s12 =	simm.s32 @!p0 $0x3  }
0x2b: {  	_ =	swait.ge @!p0 [sflag:s12], $0x20  }
0x2c: {  	s8 =	sadd.s32 $0x20, s8;
	s11 =	smov.u32 s10;
	[sflag:s12] =	ssyncset.done @!p0 $0x0  }
0x2d: {  	s9 =	sadd.s32 $0x1, s9;
	s10 =	smov.u32 s13;
	[sflag:s12] =	ssyncadd.s32 @!p0 $0xFFFFFFE0  }
0x2e: {  	_ =	sfence.sel $0x180000  }
0x2f: {  	s2 =	simm.s32 $0x2;
	[bflag:$0x0] =	sbarrier.arrive $0xFFFF  }
0x30: {  	s30 =	simm.s32 $0x3;
	[sflag:s2] =	ssyncpa.u1 $0x1  }
0x31: {  	s31 =	simm.s32 $0x1;
	[sflag:s30] =	ssyncpa.u1 $0x1  }
0x32: {  	[sflag:s31] =	ssyncpa.u1 $0x1  }
0x33: {  	p0 =	sne.s32 s0, $0x0;
	_ =	strace $0x9000004A  }
0x34: {  	s0 =	sadd.s32 @!p0 $0x100000, s1;
	[bflag:$0x2] =	sbarrier.arrive $0xFFFF  }
0x35: {  	[sflag:s0] =	ssyncadd.tile.s32 @!p0 $0x1;
	_ =	shalt  }
.Lfunc_end2:
_tile_overlayer_lowered:
.L_overlay_start_2:
0x36: {  	(tag) =	ssettag $0x2  }
0x37: {  	s0 =	rddreg [dreg:$0x0];
	s2 =	stileid.u32  }
0x38: {  	s1 =	rddreg [dreg:$0x1];
	p0 =	sne.s32 s2, $0x0  }
0x39: {  	s3 =	rddreg [dreg:$0x2];
	[bflag:$0x3] =	sbarrier.arrive $0xFFFF;
	s2 =	simm.s32 @!p0 $0x1C01  }
0x3a: {  	[timem:s3], [sflag:s2] =	dma.local @!p0 [hbm:s0], s1  }
0x3b: {  	s0 =	simm.s32 @!p0 $0x1  }
0x3c: {  	_ =	swait.ge @!p0 [sflag:s0], s1  }
0x3d: {  	s1 =	ssub.s32 @!p0 $0x0, s1;
	[sflag:s0] =	ssyncset.done @!p0 $0x0  }
0x3e: {  	[sflag:s0] =	ssyncadd.s32 @!p0 s1  }
0x3f: {  	[bflag:$0x3] =	sbarrier.arrive $0xFFFF  }
0x40: {  	_ =	shalt  }

// kernel: gather_offload_async_start.4
scs
__scs_entry_jumppad:
0x0: {  	(pc) =	sbr.rel $0x88, $3  }
0x1: {  	(tag) =	ssettag $0x0;
	lr =	simm.s32 $0x1  }
0x2: {  	[smem:$0x3F90] =	sst lr;
	_ =	strace $0xD0000000  }
0x3: {  	_ = 	snop  }
0x4: {  	_ = 	snop  }
0x5: {  	_ = 	snop  }
0x6: {  	_ = 	snop  }
0x7: {  	_ = 	snop  }
__scs_overlays_trampoline_lowered:
0x8: {  	[smem:$0x3F9F] =	sst s0  }
0x9: {  	[smem:$0x3FA0] =	sst s1  }
0xa: {  	[smem:$0x3FA1] =	sst s2  }
0xb: {  	[smem:$0x3FA2] =	sst s3  }
0xc: {  	[smem:$0x3FA3] =	sst s4  }
0xd: {  	[smem:$0x3FA4] =	sst s5  }
0xe: {  	[smem:$0x3FA5] =	sst s6  }
0xf: {  	[smem:$0x3FA6] =	sst s7  }
0x10: {  	[smem:$0x3FA7] =	sst s8  }
0x11: {  	[smem:$0x3FA8] =	sst s9;
	s0 =	simm.s32 @!p0 $0x0  }
0x12: {  	s1 =	sld [smem:$0x3F8E];
	s0 =	simm.s32 @p0 $0x1  }
0x13: {  	[smem:$0x3FA9] =	sst s0;
	s0 =	simm.s32 @!p1 $0x0  }
0x14: {  	s2 =	sld [smem:$0x3F8D];
	s0 =	simm.s32 @p1 $0x1  }
0x15: {  	[smem:$0x3FAA] =	sst s0;
	s0 =	simm.s32 @!p2 $0x0  }
0x16: {  	s3 =	sld [smem:$0x3FDB];
	s0 =	simm.s32 @p2 $0x1  }
0x17: {  	s4 =	simm.s32 $0x1BF5;
	[smem:$0x3FAC] =	sst s0  }
0x18: {  	s0 =	sld [smem:$0x3F8F];
	_ =	swait.ge [sflag:s4], $0x0  }
0x19: {  	s7 =	sld [smem:$0x3F90]  }
0x1a: {  	s8 =	sadd.s32 $0xFFFFE003, lr  }
0x1b: {  	s9 =	sadd.s32 $0xFFFFFEF7, lr;
	s5 =	simm.s32 $0xFFFFFFFF;
	p2 =	slt.u32 s8, $0xFFFFF086  }
0x1c: {  	p1 =	slt.u32 s9, $0xF7A;
	s5 =	simm.s32 @!p2 $0x0  }
0x1d: {  	s5 =	simm.s32 @p1 $0x1;
	p0 =	seq.s32 s7, s2  }
0x1e: {  	s7 =	smul.u32 @!p0 $0xF7A, s2;
	p2 =	seq.s32 @!p0 s5, $0x0  }
0x1f: {  	s9 =	smul.u32 $0xF7A, s1;
	s8 =	simm.s32 @!p0 $0x1BF5;
	p2 =	por !p2, p0  }
0x20: {  	[sflag:s8] =	ssyncset.s32 @!p0 $0xFFFFF086;
	s6 =	sadd.s32 @!p0 s3, s7;
	s7 =	simm.s32 @!p0 $0x108  }
0x21: {  	s3 =	sadd.s32 s3, s9;
	s6 =	sadd.s32 @!p0 $0x88, s6;
	s7 =	simm.s32 @p2 $0x1082  }
0x22: {  	[simem:s7], [sflag:s8] =	dma.local @!p0 [hbm:s6], $0xF7A  }
0x23: {  	s9 =	sor.u32 $0xD0000000, s2;
	s6 =	simm.s32 $0x108;
	_ =	swait.ge @!p0 [sflag:s8], $0x0  }
0x24: {  	s3 =	sadd.s32 $0x88, s3;
	s6 =	simm.s32 @!p1 $0x1082;
	[sflag:s4] =	ssyncset.s32 $0xFFFFF086  }
0x25: {  	[simem:s6], [sflag:s4] =	dma.local [hbm:s3], $0xF7A  }
0x26: {  	[smem:$0x3F90] =	sst s1;
	(tag) =	ssettag s2;
	_ =	strace s9  }
0x27: {  	s1 =	sld [smem:$0x3FA0]  }
0x28: {  	s2 =	sld [smem:$0x3FA1]  }
0x29: {  	s4 =	sld [smem:$0x3FA3]  }
0x2a: {  	p0 =	seq.s32 s5, $0x0;
	s5 =	sld [smem:$0x3FA4]  }
0x2b: {  	s6 =	sld [smem:$0x3FA5]  }
0x2c: {  	s7 =	sld [smem:$0x3FA6]  }
0x2d: {  	s3 =	simm.s32 $0x108;
	s8 =	sld [smem:$0x3FA7]  }
0x2e: {  	s3 =	simm.s32 @!p0 $0x1082;
	s9 =	sld [smem:$0x3FA8]  }
0x2f: {  	lr =	sadd.s32 s0, s3;
	s0 =	sld [smem:$0x3F9F]  }
0x30: {  	s3 =	sld [smem:$0x3FA2]  }
0x31: {  	[smem:$0x3FAB] =	sst s10  }
0x32: {  	s10 =	sld [smem:$0x3FA9];
	_ =	sdelay $0x3  }
0x33: {  	p0 =	seq.s32 s10, $0x1;
	s10 =	sld [smem:$0x3FAB];
	_ =	sdelay $0x3  }
0x34: {  	[smem:$0x3FAB] =	sst s10  }
0x35: {  	s10 =	sld [smem:$0x3FAA];
	_ =	sdelay $0x3  }
0x36: {  	p1 =	seq.s32 s10, $0x1;
	s10 =	sld [smem:$0x3FAB];
	_ =	sdelay $0x3  }
0x37: {  	[smem:$0x3FAB] =	sst s10  }
0x38: {  	s10 =	sld [smem:$0x3FAC]  }
0x39: {  	_ = 	snop;
	(pc) =	sbr.ind lr, $3  }
0x3a: {  	_ = 	snop  }
0x3b: {  	_ = 	snop  }
0x3c: {  	p2 =	seq.s32 s10, $0x1;
	s10 =	sld [smem:$0x3FAB]  }
0x3d: {  	_ =	shalt  }
0x3e: {  	_ =	shalt  }
0x3f: {  	_ =	shalt  }
0x40: {  	_ =	shalt  }
0x41: {  	_ =	shalt  }
0x42: {  	_ =	shalt  }
0x43: {  	_ =	shalt  }
0x44: {  	_ =	shalt  }
0x45: {  	_ =	shalt  }
0x46: {  	_ =	shalt  }
0x47: {  	_ =	shalt  }
0x48: {  	_ =	shalt  }
0x49: {  	_ =	shalt  }
0x4a: {  	_ =	shalt  }
0x4b: {  	_ =	shalt  }
0x4c: {  	_ =	shalt  }
0x4d: {  	_ =	shalt  }
0x4e: {  	_ =	shalt  }
0x4f: {  	_ =	shalt  }
0x50: {  	_ =	shalt  }
0x51: {  	_ =	shalt  }
0x52: {  	_ =	shalt  }
0x53: {  	_ =	shalt  }
0x54: {  	_ =	shalt  }
0x55: {  	_ =	shalt  }
0x56: {  	_ =	shalt  }
0x57: {  	_ =	shalt  }
0x58: {  	_ =	shalt  }
0x59: {  	_ =	shalt  }
0x5a: {  	_ =	shalt  }
0x5b: {  	_ =	shalt  }
0x5c: {  	_ =	shalt  }
0x5d: {  	_ =	shalt  }
0x5e: {  	_ =	shalt  }
0x5f: {  	_ =	shalt  }
0x60: {  	_ =	shalt  }
0x61: {  	_ =	shalt  }
0x62: {  	_ =	shalt  }
0x63: {  	_ =	shalt  }
0x64: {  	_ =	shalt  }
0x65: {  	_ =	shalt  }
0x66: {  	_ =	shalt  }
0x67: {  	_ =	shalt  }
0x68: {  	_ =	shalt  }
0x69: {  	_ =	shalt  }
0x6a: {  	_ =	shalt  }
0x6b: {  	_ =	shalt  }
0x6c: {  	_ =	shalt  }
0x6d: {  	_ =	shalt  }
0x6e: {  	_ =	shalt  }
0x6f: {  	_ =	shalt  }
0x70: {  	_ =	shalt  }
0x71: {  	_ =	shalt  }
0x72: {  	_ =	shalt  }
0x73: {  	_ =	shalt  }
0x74: {  	_ =	shalt  }
0x75: {  	_ =	shalt  }
0x76: {  	_ =	shalt  }
0x77: {  	_ =	shalt  }
0x78: {  	_ =	shalt  }
0x79: {  	_ =	shalt  }
0x7a: {  	_ =	shalt  }
0x7b: {  	_ =	shalt  }
0x7c: {  	_ =	shalt  }
0x7d: {  	_ =	shalt  }
0x7e: {  	_ =	shalt  }
0x7f: {  	_ =	shalt  }
0x80: {  	_ =	shalt  }
0x81: {  	_ =	shalt  }
0x82: {  	_ =	shalt  }
0x83: {  	_ =	shalt  }
0x84: {  	_ =	shalt  }
0x85: {  	_ =	shalt  }
0x86: {  	_ =	shalt  }
0x87: {  	_ =	shalt  }
.Lfunc_end0:
.L_simem_size_0:
called_computation.4_lowered:
.L_overlay_start_0:
0x88: {  	s2 =	sld [smem:$0x3FD9]  }
0x89: {  	s3 =	sld [smem:$0x3FFE];
	_ =	sdelay $0x1  }
0x8a: {  	s1 =	srdreg.scid  }
0x8b: {  	s0 =	sand.u32 $0x1, s1  }
0x8c: {  	s17 =	sshll.u32 s0, $0xA;
	s2 =	sadd.s32 s3, s2  }
0x8d: {  	s2 =	sadd.s32 s2, s17  }
0x8e: {  	[smem:$0x3FB7] =	sst s2  }
0x8f: {  	_ = 	snop  }
0x90: {  	s2 =	sld [smem:$0x3FC6];
	(tm) =	ssettm $0x1  }
0x91: {  	s18 =	sld [smem:$0x3FFB];
	_ =	sdelay $0x3  }
0x92: {  	_ =	strace s18  }
0x93: {  	s3 =	sld [smem:$0x3FFC];
	_ =	sdelay $0x3  }
0x94: {  	_ =	strace s3  }
0x95: {  	s3 =	sld [smem:$0x3FFD];
	_ =	sdelay $0x3  }
0x96: {  	_ =	strace s3  }
0x97: {  	_ =	strace $0x8FFFFFFF  }
0x98: {  	s19 =	sld [smem:$0x3FDB];
	_ =	sdelay $0x1  }
0x99: {  	s4 =	simm.s32 $_scs_section_size  }
0x9a: {  	s5 =	simm.s32 $_size__tile_overlayer_lowered;
	s6 =	simm.s32 $_tile_overlayer_lowered  }
0x9b: {  	s22 =	simm.s32 $0x1BFF;
	s21 =	sshll.u32 s6, $0x1;
	s3 =	sadd.s32 s4, s19  }
0x9c: {  	s7 =	simm.s32 $0x0;
	s20 =	sshll.u32 s5, $0x1;
	s5 =	sadd.s32 s21, s3  }
0x9d: {  	[timem:s7], [sflag:s22] =	dma.local [hbm:s5], s20  }
0x9e: {  	_ =	swait.ge [sflag:s22], s20  }
0x9f: {  	s4 =	ssub.s32 $0x0, s20;
	[sflag:s22] =	ssyncset.done $0x0  }
0xa0: {  	[sflag:s22] =	ssyncadd.s32 s4;
	_ =	sdelay $0x1  }
0xa1: {  	s23 =	simm.s32 $0x1B8B  }
0xa2: {  	_ =	swait.ge [sflag:s23], $0x1  }
0xa3: {  	[sflag:s23] =	ssyncset.done $0x0  }
0xa4: {  	s25 =	simm.s32 $0x1B8E;
	s24 =	sld [smem:$0x3FFE];
	[sflag:s23] =	ssyncadd.s32 $0xFFFFFFFF  }
0xa5: {  	s26 =	simm.s32 $execute0_lowered;
	[smem:$0x3FD2] =	sst s25  }
0xa6: {  	s5 =	sshll.u32 s26, $0x1;
	_ =	strace $0x80000046;
	[dreg:$0x1] =	wrdreg $0xFFFFFFFF  }
0xa7: {  	s28 =	simm.s32 $_size_execute0_lowered;
	s3 =	sadd.s32 s3, s5;
	[dreg:$0x0] =	wrdreg $0x0  }
0xa8: {  	s5 =	sshll.u32 s28, $0x1;
	[dreg:$0x2] =	wrdreg s3  }
0xa9: {  	[dreg:$0x3] =	wrdreg s5  }
0xaa: {  	[dreg:$0x4] =	wrdreg $0xC0  }
0xab: {  	_ =	task [dreg:s7], $0x5FFFF  }
0xac: {  	[dreg:$0x1] =	wrdreg $0xFFFFFFFF  }
0xad: {  	[dreg:$0x0] =	wrdreg $0x60  }
0xae: {  	[dreg:$0x2] =	wrdreg s2  }
0xaf: {  	[dreg:$0x3] =	wrdreg s24  }
0xb0: {  	[dreg:$0x4] =	wrdreg $0xA  }
0xb1: {  	_ =	task.clear_ibuf [dreg:s7], $0x5FFFF;
	_ =	strace $0x90000046  }
0xb2: {  	s29 =	simm.s32 $0xA;
	_ =	strace $0x80000048  }
0xb3: {  	_ =	swait.ge [sflag:s29], $0x1  }
0xb4: {  	[sflag:s29] =	ssyncadd.s32 $0xFFFFFFFF  }
0xb5: {  	_ =	strace $0x90000048  }
0xb6: {  	_ =	sfence  }
0xb7: {  	s30 =	sld [smem:$0x0];
	_ =	sdelay $0x2  }
0xb8: {  	s31 =	sshll.u32 s1, $0xD;
	s1 =	sshrl.u32 s1, $0x2  }
0xb9: {  	s3 =	sand.u32 $0x4000, s31;
	s1 =	sadd.s32 s1, s30  }
0xba: {  	s0 =	sor.u32 s3, s0;
	s1 =	sshll.u32 s1, $0x11  }
0xbb: {  	s0 =	sor.u32 s1, s0  }
0xbc: {  	s0 =	sadd.s32 $0x8F2B, s0  }
0xbd: {  	[sflag:s0] =	ssyncadd.remote.s32 $0x1  }
0xbe: {  	_ =	sfence.sel $0xFFFF  }
0xbf: {  	[dreg:$0x0] =	wrdreg $0xFFFFFFFF;
	(pc) =	sbr.abs _section_cstart, $3  }
0xc0: {  	[dreg:$0x1] =	wrdreg $0xFFFFFFFF  }
0xc1: {  	_ =	task.clear_ibuf [dreg:s7], $0x2FFFF;
	_ =	strace $0x9FFFFFFF  }
0xc2: {  	(tm) =	ssettm $0x7FFFFFFF  }
0xc3: {  	_ =	shalt  }
tec
execute0_lowered:
.L_overlay_start_1:
0x0: {  	(tag) =	ssettag $0x1  }
0x1: {  	s1 =	srdreg.scid;
	s2 =	rddreg [dreg:$0x0]  }
0x2: {  	s0 =	stileid.u32;
	s6 =	rddreg [dreg:$0x1];
	s1 =	sshll.u32 s1, $0x5  }
0x3: {  	s7 =	simm.s32 $0x1;
	s3 =	sshll.u32 s0, $0x6;
	s1 =	sand.u32 $0x20, s1  }
0x4: {  	s30 =	simm.s32 $0x2;
	s31 =	simm.s32 $0x3;
	s3 =	sor.u32 s3, s1  }
0x5: {  	s11 =	simm.s32 $0x0;
	s9 =	simm.s32 $0x0;
	s5 =	ssub.s32 $0x800, s3  }
0x6: {  	s4 =	sadd.s32 $0x1C00, s6;
	s6 =	sadd.s32 $0x1E00, s6;
	s8 =	sand.u32 $0x3E0, s5  }
0x7: {  	s1 =	rddreg [dreg:$0x2];
	_ =	strace $0x80000047;
	p0 =	sne.s32 s8, $0x0  }
0x8: {  	[sflag:s7] =	ssyncpa.u1 $0x0;
	s5 =	sshrl.u32 s5, $0xA;
	s7 =	simm.s32 @!p0 $0x0  }
0x9: {  	s10 =	smov.u32 s3;
	[sflag:s30] =	ssyncpa.u1 $0x0;
	s5 =	sadd.s32 s7, s5  }
0xa: {  	[sflag:s31] =	ssyncpa.u1 $0x0;
	s8 =	simm.s32 $0x0;
	s7 =	sadd.s32 $0x1, s5  }
.LBB2_1:
0xb: {  	p0 =	sge.u32 s9, s5  }
0xc: {  	s31 =	sadd.s32 $0xFFFFFFFF, s9;
	s12 =	sxor.u32 @!p0 $0xFFFFFFFF, s8;
	s13 =	sshrl.u32 @!p0 s10, $0x3  }
0xd: {  	s14 =	sand.u32 @!p0 $0x7, s10;
	s12 =	sand.u32 @!p0 $0x20, s12;
	s13 =	sadd.s32 @!p0 s4, s13  }
0xe: {  	[tilespmem:s12], [sflag:$0x2] =	stream.linear.gather @!p0 [hbm4b:s13+s14], $0x20, $0x38;
	[tilespmem:$0x80] =	vst v63  }
0xf: {  	p0 =	sge.u32 s31, s5  }
0x10: {  	s12 =	simm.s32 @!p0 $0x2  }
0x11: {  	_ =	swait.ge @!p0 [sflag:s12], $0x20  }
0x12: {  	[sflag:s12] =	ssyncset.done @!p0 $0x0  }
0x13: {  	[sflag:s12] =	ssyncadd.s32 @!p0 $0xFFFFFFE0;
	s12 =	sand.u32 @!p0 $0x20, s8  }
0x14: {  	(ifvalue) =	ssetifvalue @!p0 $0x7FFFFFFF;
	v0 =	vld.msk @!p0 [tilespmem:s12+$0x0 ss:$0x1], $0xffff;
	_ =	sdelay $0x4  }
0x15: {  	vm0 =	vgt.s32 @!p0 v0, $0x0  }
0x16: {  	v0 =	vnsel @!p0 vm0, $0x0, v0  }
0x17: {  	v0 =	vmin.u32 @!p0 v0, $0x1FFF;
	_ =	sdelay $0x2  }
0x18: {  	s14 =	simm.s32 @!p0 $0x0  }
0x19: {  	s13 =	sor.u32 @!p0 $0x40, s12;
	(ifvalue) =	ssetifvalue @!p0 $0x7FFFFFFF;
	s15 =	sor.u32 @!p0 $0x10, s12;
	vm0 =	vmmov @!p0 $0xffff  }
0x1a: {  	[tilespmem:s13], [sflag:$0x1] =	stream.indirect_vreg.gather @!p0 [hbm4b:s2+s14], $0x1, v0, vm0, $0x4038;
	[tilespmem:$0x80] =	vst v63  }
0x1b: {  	v0 =	vld.msk @!p0 [tilespmem:s15+$0x0 ss:$0x1], $0xffff;
	_ =	sdelay $0x4  }
0x1c: {  	vm1 =	vgt.s32 @!p0 v0, $0x0  }
0x1d: {  	v0 =	vnsel @!p0 vm1, $0x0, v0  }
0x1e: {  	v0 =	vmin.u32 @!p0 v0, $0x1FFF;
	_ =	sdelay $0x3  }
0x1f: {  	s12 =	sor.u32 @!p0 $0x50, s12;
	(ifvalue) =	ssetifvalue @!p0 $0x7FFFFFFF  }
0x20: {  	[tilespmem:s12], [sflag:$0x1] =	stream.indirect_vreg.gather @!p0 [hbm4b:s2+s14], $0x1, v0, vm0, $0x4038;
	[tilespmem:$0x80] =	vst v63  }
0x21: {  	s12 =	simm.s32 @!p0 $0x1  }
0x22: {  	_ =	swait.ge @!p0 [sflag:s12], $0x20  }
0x23: {  	s14 =	sshrl.u32 @!p0 s11, $0x3;
	[sflag:s12] =	ssyncset.done @!p0 $0x0  }
0x24: {  	s11 =	sand.u32 @!p0 $0x7, s11;
	[sflag:s12] =	ssyncadd.s32 @!p0 $0xFFFFFFE0;
	s12 =	sadd.s32 @!p0 s6, s14  }
0x25: {  	[hbm4b:s12+s11] =	stream.linear.scatter @!p0 [tilespmem:s13], [sflag:$0x3], $0x20, $0x38;
	[tilespmem:$0x80] =	vst v63  }
0x26: {  	s13 =	sadd.s32 $0x400, s10  }
0x27: {  	p1 =	sgt.s32 s13, $0x7FF  }
0x28: {  	s13 =	smov.u32 @p1 s3;
	p1 =	sne.s32 s9, s7  }
.Ltmp0:
0x29: {  	p0 =	slt.u32 s9, $0x2;
	(pc) =	sbr.rel @p1 .LBB2_1-.Ltmp0, $4  }
0x2a: {  	s12 =	simm.s32 @!p0 $0x3  }
0x2b: {  	_ =	swait.ge @!p0 [sflag:s12], $0x20  }
0x2c: {  	s8 =	sadd.s32 $0x20, s8;
	s11 =	smov.u32 s10;
	[sflag:s12] =	ssyncset.done @!p0 $0x0  }
0x2d: {  	s9 =	sadd.s32 $0x1, s9;
	s10 =	smov.u32 s13;
	[sflag:s12] =	ssyncadd.s32 @!p0 $0xFFFFFFE0  }
0x2e: {  	_ =	sfence.sel $0x180000  }
0x2f: {  	s2 =	simm.s32 $0x2;
	[bflag:$0x0] =	sbarrier.arrive $0xFFFF  }
0x30: {  	s30 =	simm.s32 $0x3;
	[sflag:s2] =	ssyncpa.u1 $0x1  }
0x31: {  	s31 =	simm.s32 $0x1;
	[sflag:s30] =	ssyncpa.u1 $0x1  }
0x32: {  	[sflag:s31] =	ssyncpa.u1 $0x1  }
0x33: {  	p0 =	sne.s32 s0, $0x0;
	_ =	strace $0x90000047  }
0x34: {  	s0 =	sadd.s32 @!p0 $0x100000, s1;
	[bflag:$0x2] =	sbarrier.arrive $0xFFFF  }
0x35: {  	[sflag:s0] =	ssyncadd.tile.s32 @!p0 $0x1;
	_ =	shalt  }
.Lfunc_end2:
_tile_overlayer_lowered:
.L_overlay_start_2:
0x36: {  	(tag) =	ssettag $0x2  }
0x37: {  	s0 =	rddreg [dreg:$0x0];
	s2 =	stileid.u32  }
0x38: {  	s1 =	rddreg [dreg:$0x1];
	p0 =	sne.s32 s2, $0x0  }
0x39: {  	s3 =	rddreg [dreg:$0x2];
	[bflag:$0x3] =	sbarrier.arrive $0xFFFF;
	s2 =	simm.s32 @!p0 $0x1C01  }
0x3a: {  	[timem:s3], [sflag:s2] =	dma.local @!p0 [hbm:s0], s1  }
0x3b: {  	s0 =	simm.s32 @!p0 $0x1  }
0x3c: {  	_ =	swait.ge @!p0 [sflag:s0], s1  }
0x3d: {  	s1 =	ssub.s32 @!p0 $0x0, s1;
	[sflag:s0] =	ssyncset.done @!p0 $0x0  }
0x3e: {  	[sflag:s0] =	ssyncadd.s32 @!p0 s1  }
0x3f: {  	[bflag:$0x3] =	sbarrier.arrive $0xFFFF  }
0x40: {  	_ =	shalt  }

// kernel: gather_offload_async_start
scs
__scs_entry_jumppad:
0x0: {  	(pc) =	sbr.rel $0x88, $3  }
0x1: {  	(tag) =	ssettag $0x0;
	lr =	simm.s32 $0x1  }
0x2: {  	[smem:$0x3F90] =	sst lr;
	_ =	strace $0xD0000000  }
0x3: {  	_ = 	snop  }
0x4: {  	_ = 	snop  }
0x5: {  	_ = 	snop  }
0x6: {  	_ = 	snop  }
0x7: {  	_ = 	snop  }
__scs_overlays_trampoline_lowered:
0x8: {  	[smem:$0x3F9F] =	sst s0  }
0x9: {  	[smem:$0x3FA0] =	sst s1  }
0xa: {  	[smem:$0x3FA1] =	sst s2  }
0xb: {  	[smem:$0x3FA2] =	sst s3  }
0xc: {  	[smem:$0x3FA3] =	sst s4  }
0xd: {  	[smem:$0x3FA4] =	sst s5  }
0xe: {  	[smem:$0x3FA5] =	sst s6  }
0xf: {  	[smem:$0x3FA6] =	sst s7  }
0x10: {  	[smem:$0x3FA7] =	sst s8  }
0x11: {  	[smem:$0x3FA8] =	sst s9;
	s0 =	simm.s32 @!p0 $0x0  }
0x12: {  	s1 =	sld [smem:$0x3F8E];
	s0 =	simm.s32 @p0 $0x1  }
0x13: {  	[smem:$0x3FA9] =	sst s0;
	s0 =	simm.s32 @!p1 $0x0  }
0x14: {  	s2 =	sld [smem:$0x3F8D];
	s0 =	simm.s32 @p1 $0x1  }
0x15: {  	[smem:$0x3FAA] =	sst s0;
	s0 =	simm.s32 @!p2 $0x0  }
0x16: {  	s3 =	sld [smem:$0x3FDB];
	s0 =	simm.s32 @p2 $0x1  }
0x17: {  	s4 =	simm.s32 $0x1BF5;
	[smem:$0x3FAC] =	sst s0  }
0x18: {  	s0 =	sld [smem:$0x3F8F];
	_ =	swait.ge [sflag:s4], $0x0  }
0x19: {  	s7 =	sld [smem:$0x3F90]  }
0x1a: {  	s8 =	sadd.s32 $0xFFFFE003, lr  }
0x1b: {  	s9 =	sadd.s32 $0xFFFFFEF7, lr;
	s5 =	simm.s32 $0xFFFFFFFF;
	p2 =	slt.u32 s8, $0xFFFFF086  }
0x1c: {  	p1 =	slt.u32 s9, $0xF7A;
	s5 =	simm.s32 @!p2 $0x0  }
0x1d: {  	s5 =	simm.s32 @p1 $0x1;
	p0 =	seq.s32 s7, s2  }
0x1e: {  	s7 =	smul.u32 @!p0 $0xF7A, s2;
	p2 =	seq.s32 @!p0 s5, $0x0  }
0x1f: {  	s9 =	smul.u32 $0xF7A, s1;
	s8 =	simm.s32 @!p0 $0x1BF5;
	p2 =	por !p2, p0  }
0x20: {  	[sflag:s8] =	ssyncset.s32 @!p0 $0xFFFFF086;
	s6 =	sadd.s32 @!p0 s3, s7;
	s7 =	simm.s32 @!p0 $0x108  }
0x21: {  	s3 =	sadd.s32 s3, s9;
	s6 =	sadd.s32 @!p0 $0x88, s6;
	s7 =	simm.s32 @p2 $0x1082  }
0x22: {  	[simem:s7], [sflag:s8] =	dma.local @!p0 [hbm:s6], $0xF7A  }
0x23: {  	s9 =	sor.u32 $0xD0000000, s2;
	s6 =	simm.s32 $0x108;
	_ =	swait.ge @!p0 [sflag:s8], $0x0  }
0x24: {  	s3 =	sadd.s32 $0x88, s3;
	s6 =	simm.s32 @!p1 $0x1082;
	[sflag:s4] =	ssyncset.s32 $0xFFFFF086  }
0x25: {  	[simem:s6], [sflag:s4] =	dma.local [hbm:s3], $0xF7A  }
0x26: {  	[smem:$0x3F90] =	sst s1;
	(tag) =	ssettag s2;
	_ =	strace s9  }
0x27: {  	s1 =	sld [smem:$0x3FA0]  }
0x28: {  	s2 =	sld [smem:$0x3FA1]  }
0x29: {  	s4 =	sld [smem:$0x3FA3]  }
0x2a: {  	p0 =	seq.s32 s5, $0x0;
	s5 =	sld [smem:$0x3FA4]  }
0x2b: {  	s6 =	sld [smem:$0x3FA5]  }
0x2c: {  	s7 =	sld [smem:$0x3FA6]  }
0x2d: {  	s3 =	simm.s32 $0x108;
	s8 =	sld [smem:$0x3FA7]  }
0x2e: {  	s3 =	simm.s32 @!p0 $0x1082;
	s9 =	sld [smem:$0x3FA8]  }
0x2f: {  	lr =	sadd.s32 s0, s3;
	s0 =	sld [smem:$0x3F9F]  }
0x30: {  	s3 =	sld [smem:$0x3FA2]  }
0x31: {  	[smem:$0x3FAB] =	sst s10  }
0x32: {  	s10 =	sld [smem:$0x3FA9];
	_ =	sdelay $0x3  }
0x33: {  	p0 =	seq.s32 s10, $0x1;
	s10 =	sld [smem:$0x3FAB];
	_ =	sdelay $0x3  }
0x34: {  	[smem:$0x3FAB] =	sst s10  }
0x35: {  	s10 =	sld [smem:$0x3FAA];
	_ =	sdelay $0x3  }
0x36: {  	p1 =	seq.s32 s10, $0x1;
	s10 =	sld [smem:$0x3FAB];
	_ =	sdelay $0x3  }
0x37: {  	[smem:$0x3FAB] =	sst s10  }
0x38: {  	s10 =	sld [smem:$0x3FAC]  }
0x39: {  	_ = 	snop;
	(pc) =	sbr.ind lr, $3  }
0x3a: {  	_ = 	snop  }
0x3b: {  	_ = 	snop  }
0x3c: {  	p2 =	seq.s32 s10, $0x1;
	s10 =	sld [smem:$0x3FAB]  }
0x3d: {  	_ =	shalt  }
0x3e: {  	_ =	shalt  }
0x3f: {  	_ =	shalt  }
0x40: {  	_ =	shalt  }
0x41: {  	_ =	shalt  }
0x42: {  	_ =	shalt  }
0x43: {  	_ =	shalt  }
0x44: {  	_ =	shalt  }
0x45: {  	_ =	shalt  }
0x46: {  	_ =	shalt  }
0x47: {  	_ =	shalt  }
0x48: {  	_ =	shalt  }
0x49: {  	_ =	shalt  }
0x4a: {  	_ =	shalt  }
0x4b: {  	_ =	shalt  }
0x4c: {  	_ =	shalt  }
0x4d: {  	_ =	shalt  }
0x4e: {  	_ =	shalt  }
0x4f: {  	_ =	shalt  }
0x50: {  	_ =	shalt  }
0x51: {  	_ =	shalt  }
0x52: {  	_ =	shalt  }
0x53: {  	_ =	shalt  }
0x54: {  	_ =	shalt  }
0x55: {  	_ =	shalt  }
0x56: {  	_ =	shalt  }
0x57: {  	_ =	shalt  }
0x58: {  	_ =	shalt  }
0x59: {  	_ =	shalt  }
0x5a: {  	_ =	shalt  }
0x5b: {  	_ =	shalt  }
0x5c: {  	_ =	shalt  }
0x5d: {  	_ =	shalt  }
0x5e: {  	_ =	shalt  }
0x5f: {  	_ =	shalt  }
0x60: {  	_ =	shalt  }
0x61: {  	_ =	shalt  }
0x62: {  	_ =	shalt  }
0x63: {  	_ =	shalt  }
0x64: {  	_ =	shalt  }
0x65: {  	_ =	shalt  }
0x66: {  	_ =	shalt  }
0x67: {  	_ =	shalt  }
0x68: {  	_ =	shalt  }
0x69: {  	_ =	shalt  }
0x6a: {  	_ =	shalt  }
0x6b: {  	_ =	shalt  }
0x6c: {  	_ =	shalt  }
0x6d: {  	_ =	shalt  }
0x6e: {  	_ =	shalt  }
0x6f: {  	_ =	shalt  }
0x70: {  	_ =	shalt  }
0x71: {  	_ =	shalt  }
0x72: {  	_ =	shalt  }
0x73: {  	_ =	shalt  }
0x74: {  	_ =	shalt  }
0x75: {  	_ =	shalt  }
0x76: {  	_ =	shalt  }
0x77: {  	_ =	shalt  }
0x78: {  	_ =	shalt  }
0x79: {  	_ =	shalt  }
0x7a: {  	_ =	shalt  }
0x7b: {  	_ =	shalt  }
0x7c: {  	_ =	shalt  }
0x7d: {  	_ =	shalt  }
0x7e: {  	_ =	shalt  }
0x7f: {  	_ =	shalt  }
0x80: {  	_ =	shalt  }
0x81: {  	_ =	shalt  }
0x82: {  	_ =	shalt  }
0x83: {  	_ =	shalt  }
0x84: {  	_ =	shalt  }
0x85: {  	_ =	shalt  }
0x86: {  	_ =	shalt  }
0x87: {  	_ =	shalt  }
.Lfunc_end0:
.L_simem_size_0:
called_computation_lowered:
.L_overlay_start_0:
0x88: {  	s2 =	sld [smem:$0x3FD9]  }
0x89: {  	s3 =	sld [smem:$0x3FFE];
	_ =	sdelay $0x1  }
0x8a: {  	s1 =	srdreg.scid  }
0x8b: {  	s0 =	sand.u32 $0x1, s1  }
0x8c: {  	s17 =	sshll.u32 s0, $0xA;
	s2 =	sadd.s32 s3, s2  }
0x8d: {  	s2 =	sadd.s32 s2, s17  }
0x8e: {  	[smem:$0x3FB7] =	sst s2  }
0x8f: {  	_ = 	snop  }
0x90: {  	s18 =	sld [smem:$0x3FC9];
	(tm) =	ssettm $0x1  }
0x91: {  	s19 =	sld [smem:$0x3FFB];
	_ =	sdelay $0x3  }
0x92: {  	_ =	strace s19  }
0x93: {  	s2 =	sld [smem:$0x3FFC];
	_ =	sdelay $0x3  }
0x94: {  	_ =	strace s2  }
0x95: {  	s2 =	sld [smem:$0x3FFD];
	_ =	sdelay $0x3  }
0x96: {  	_ =	strace s2  }
0x97: {  	_ =	strace $0x8FFFFFFF  }
0x98: {  	s20 =	sld [smem:$0x3FDB];
	_ =	sdelay $0x1  }
0x99: {  	s4 =	simm.s32 $_scs_section_size  }
0x9a: {  	s5 =	simm.s32 $_size__tile_overlayer_lowered;
	s6 =	simm.s32 $_tile_overlayer_lowered  }
0x9b: {  	s7 =	simm.s32 $0x1BFF;
	s21 =	sshll.u32 s6, $0x1;
	s4 =	sadd.s32 s4, s20  }
0x9c: {  	s22 =	simm.s32 $0x0;
	s5 =	sshll.u32 s5, $0x1;
	s6 =	sadd.s32 s21, s4  }
0x9d: {  	[timem:s22], [sflag:s7] =	dma.local [hbm:s6], s5  }
0x9e: {  	_ =	swait.ge [sflag:s7], s5  }
0x9f: {  	s5 =	ssub.s32 $0x0, s5;
	[sflag:s7] =	ssyncset.done $0x0  }
0xa0: {  	[sflag:s7] =	ssyncadd.s32 s5;
	_ =	sdelay $0x1  }
0xa1: {  	s23 =	simm.s32 $0x1B8B  }
0xa2: {  	_ =	swait.ge [sflag:s23], $0x1  }
0xa3: {  	[sflag:s23] =	ssyncset.done $0x0  }
0xa4: {  	[sflag:s23] =	ssyncadd.s32 $0xFFFFFFFF  }
0xa5: {  	s5 =	sld [smem:$0x0]  }
0xa6: {  	s6 =	sand.u32 $0xFFFFFFFE, s1  }
0xa7: {  	p0 =	sne.s32 s1, s6  }
0xa8: {  	s6 =	sshll.u32 @p0 s6, $0xE  }
0xa9: {  	s6 =	sadd.s32 @p0 $0x11B8D, s6;
	s7 =	sshll.u32 @p0 s5, $0x11  }
0xaa: {  	s6 =	sor.u32 @p0 s7, s6  }
0xab: {  	[sflag:s6] =	ssyncadd.remote.s32 @p0 $0x1;
	_ =	sdelay $0x1  }
0xac: {  	s6 =	simm.s32 @p0 $0x1B8D  }
0xad: {  	_ =	swait.eq @p0 [sflag:s6], $0x1  }
0xae: {  	[sflag:s6] =	ssyncadd.s32 @p0 $0xFFFFFFFF  }
0xaf: {  	s7 =	sshll.u32 @!p0 s1, $0xE  }
0xb0: {  	s7 =	sor.u32 @!p0 $0x4000, s7;
	s6 =	simm.s32 @!p0 $0x1B8D  }
0xb1: {  	s5 =	sshll.u32 @!p0 s5, $0x11;
	s7 =	sadd.s32 @!p0 $0x11B8D, s7;
	_ =	swait.eq @!p0 [sflag:s6], $0x1  }
0xb2: {  	s5 =	sor.u32 @!p0 s5, s7;
	[sflag:s6] =	ssyncadd.s32 @!p0 $0xFFFFFFFF  }
0xb3: {  	s25 =	simm.s32 $0x1B8E;
	s24 =	sld [smem:$0x3FFE];
	[sflag:s5] =	ssyncadd.remote.s32 @!p0 $0x1  }
0xb4: {  	s26 =	simm.s32 $execute0_lowered;
	[smem:$0x3FD2] =	sst s25  }
0xb5: {  	s6 =	sshll.u32 s26, $0x1;
	_ =	strace $0x80000052;
	[dreg:$0x1] =	wrdreg $0xFFFFFFFF  }
0xb6: {  	s28 =	simm.s32 $_size_execute0_lowered;
	s4 =	sadd.s32 s4, s6;
	[dreg:$0x0] =	wrdreg $0x0  }
0xb7: {  	s6 =	sshll.u32 s28, $0x1;
	[dreg:$0x2] =	wrdreg s4  }
0xb8: {  	[dreg:$0x3] =	wrdreg s6  }
0xb9: {  	[dreg:$0x4] =	wrdreg $0xC0  }
0xba: {  	_ =	task [dreg:s22], $0x5FFFF  }
0xbb: {  	[dreg:$0x1] =	wrdreg $0xFFFFFFFF  }
0xbc: {  	[dreg:$0x0] =	wrdreg $0x60  }
0xbd: {  	[dreg:$0x2] =	wrdreg s18  }
0xbe: {  	[dreg:$0x3] =	wrdreg s24  }
0xbf: {  	[dreg:$0x4] =	wrdreg $0xB  }
0xc0: {  	_ =	task.clear_ibuf [dreg:s22], $0x5FFFF;
	_ =	strace $0x90000052  }
0xc1: {  	s29 =	simm.s32 $0xB;
	_ =	strace $0x80000054  }
0xc2: {  	_ =	swait.ge [sflag:s29], $0x1  }
0xc3: {  	[sflag:s29] =	ssyncadd.s32 $0xFFFFFFFF  }
0xc4: {  	_ =	strace $0x90000054  }
0xc5: {  	_ =	sfence  }
0xc6: {  	s30 =	sld [smem:$0x0];
	_ =	sdelay $0x2  }
0xc7: {  	s31 =	sshll.u32 s1, $0xD;
	s1 =	sshrl.u32 s1, $0x2  }
0xc8: {  	s4 =	sand.u32 $0x4000, s31;
	s1 =	sadd.s32 s1, s30  }
0xc9: {  	s0 =	sor.u32 s4, s0;
	s1 =	sshll.u32 s1, $0x11  }
0xca: {  	s0 =	sor.u32 s1, s0  }
0xcb: {  	s0 =	sadd.s32 $0x8F2B, s0  }
0xcc: {  	[sflag:s0] =	ssyncadd.remote.s32 $0x1  }
0xcd: {  	_ =	sfence.sel $0xFFFF  }
0xce: {  	[dreg:$0x0] =	wrdreg $0xFFFFFFFF;
	(pc) =	sbr.abs _section_cstart, $3  }
0xcf: {  	[dreg:$0x1] =	wrdreg $0xFFFFFFFF  }
0xd0: {  	_ =	task.clear_ibuf [dreg:s22], $0x2FFFF;
	_ =	strace $0x9FFFFFFF  }
0xd1: {  	(tm) =	ssettm $0x7FFFFFFF  }
tec
execute0_lowered:
.L_overlay_start_1:
0x0: {  	(tag) =	ssettag $0x1  }
0x1: {  	s2 =	rddreg [dreg:$0x0]  }
0x2: {  	s7 =	rddreg [dreg:$0x1]  }
0x3: {  	s0 =	rddreg [dreg:$0x2]  }
0x4: {  	s1 =	srdreg.scid;
	_ =	strace $0x80000053;
	s4 =	simm.s32 $0x1  }
0x5: {  	s9 =	simm.s32 $0x3;
	s12 =	simm.s32 $0x0;
	s5 =	sshll.u32 s1, $0x4  }
.Ltmp0:
0x6: {  	s1 =	stileid.u32;
	s5 =	sand.u32 $0x10, s5;
	(pc) =	sbr.rel .LBB2_1-.Ltmp0, $4  }
0x7: {  	s10 =	simm.s32 $0x0;
	s3 =	sadd.s32 $0x1C00, s7;
	s6 =	sor.u32 s1, s5  }
0x8: {  	[sflag:s4] =	ssyncpa.u1 $0x0;
	s5 =	simm.s32 $0x2;
	s6 =	sshll.u32 s6, $0x6  }
0x9: {  	s7 =	sadd.s32 $0x32200, s7;
	[sflag:s5] =	ssyncpa.u1 $0x0;
	s8 =	sadd.s32 $0x40, s6  }
0xa: {  	vm0 =	vmmov $0xff;
	vm1 =	vcmask $0x3F20;
	[sflag:s9] =	ssyncpa.u1 $0x0;
	s9 =	simm.s32 $0x40;
	s11 =	smov.u32 s6  }
.LBB2_9:
0xb: {  	p0 =	seq.s32 s10, $0x2  }
.Ltmp1:
0xc: {  	_ = 	snop;
	(pc) =	sbr.rel @p0 .LBB2_11-.Ltmp1, $1  }
0xd: {  	_ =	sdelay $0x3  }
.LBB2_10:
0xe: {  	s12 =	sadd.s32 $0x40, s11  }
0xf: {  	s13 =	smov.u32 s6;
	p0 =	slt.s32 s12, s8  }
0x10: {  	s13 =	smov.u32 @p0 s12  }
0x11: {  	s10 =	sadd.s32 $0x1, s10;
	s12 =	smov.u32 s11;
	s11 =	smov.u32 s13  }
.LBB2_1:
0x12: {  	p0 =	sne.s32 s10, $0x0  }
.Ltmp2:
0x13: {  	_ = 	snop;
	(pc) =	sbr.rel @!p0 .LBB2_2-.Ltmp2, $1  }
0x14: {  	_ =	sdelay $0x3  }
0x15: {  	s13 =	sand.u32 $0x1, s10  }
0x16: {  	p0 =	seq.s32 s13, $0x0  }
.Ltmp3:
0x17: {  	_ = 	snop;
	(pc) =	sbr.rel @p0 .LBB2_9-.Ltmp3, $1  }
0x18: {  	_ =	sdelay $0x3  }
0x19: {  	_ =	swait.ge [sflag:s5], $0x40  }
0x1a: {  	[sflag:s5] =	ssyncset.done $0x0  }
0x1b: {  	s13 =	simm.s32 $0x0;
	[sflag:s5] =	ssyncadd.s32 $0xFFFFFFC0  }
0x1c: {  	v0 =	vld.msk [tilespmem:s13+$0x40 ss:$0x1], $0xffff;
	_ =	sdelay $0x4  }
0x1d: {  	vm2 =	vgt.s32 v0, $0x0  }
0x1e: {  	v0 =	vnsel vm2, $0x0, v0  }
0x1f: {  	v0 =	vmin.u32 v0, $0x1FFF  }
0x20: {  	v0 =	vshll.u32 v0, $0x4;
	_ =	sdelay $0x3  }
0x21: {  	s13 =	simm.s32 $0x2080  }
0x22: {  	[tilespmem:s13], [sflag:$0x1] =	stream.indirect_vreg.gather [hbm:s2], $0x80, v0, vm0, $0x38;
	[tilespmem:$0x4080] =	vst v63  }
0x23: {  	s14 =	simm.s32 $0x2480;
	s31 =	simm.s32 $0x10  }
0x24: {  	[tilespmem:s14], [sflag:$0x1] =	stream.indirect_vreg.gather [hbm:s2], $0x80, v0, vm1, $0x38;
	[tilespmem:$0x4080] =	vst v63  }
0x25: {  	s14 =	simm.s32 $0x80;
	v0 =	vld.msk [tilespmem:s31+$0x40 ss:$0x1], $0xffff  }
.LBB2_5:
0x26: {  	p0 =	sne.s32 s14, $0xC0;
	_ =	sdelay $0x4  }
0x27: {  	vm2 =	vgt.s32 v0, $0x0  }
0x28: {  	v0 =	vnsel vm2, $0x0, v0  }
0x29: {  	v0 =	vmin.u32 v0, $0x1FFF  }
0x2a: {  	v0 =	vshll.u32 v0, $0x4;
	_ =	sdelay $0x3  }
.Ltmp4:
0x2b: {  	s13 =	sadd.s32 $0x800, s13;
	(pc) =	sbr.rel @p0 .LBB2_5-.Ltmp4, $4  }
0x2c: {  	[tilespmem:s13], [sflag:$0x1] =	stream.indirect_vreg.gather [hbm:s2], $0x80, v0, vm0, $0x38;
	[tilespmem:$0x4080] =	vst v63  }
0x2d: {  	s15 =	sshra.s32 s14, $0x2;
	s16 =	sadd.s32 $0x400, s13  }
0x2e: {  	[tilespmem:s16], [sflag:$0x1] =	stream.indirect_vreg.gather [hbm:s2], $0x80, v0, vm1, $0x38;
	[tilespmem:$0x4080] =	vst v63  }
0x2f: {  	s14 =	sadd.s32 $0x40, s14;
	v0 =	vld.msk [tilespmem:s15+$0x40 ss:$0x1], $0xffff  }
0x30: {  	_ =	sdelay $0x3  }
0x31: {  	vm2 =	vgt.s32 v0, $0x0  }
0x32: {  	v0 =	vnsel vm2, $0x0, v0  }
0x33: {  	v0 =	vmin.u32 v0, $0x1FFF  }
0x34: {  	v0 =	vshll.u32 v0, $0x4;
	_ =	sdelay $0x3  }
0x35: {  	s13 =	sadd.s32 $0x800, s13  }
0x36: {  	[tilespmem:s13], [sflag:$0x1] =	stream.indirect_vreg.gather [hbm:s2], $0x80, v0, vm0, $0x38;
	[tilespmem:$0x4080] =	vst v63  }
0x37: {  	s13 =	sadd.s32 $0x400, s13  }
0x38: {  	[tilespmem:s13], [sflag:$0x1] =	stream.indirect_vreg.gather [hbm:s2], $0x80, v0, vm1, $0x38;
	[tilespmem:$0x4080] =	vst v63  }
0x39: {  	s12 =	sshll.u32 s12, $0x4;
	s14 =	simm.s32 $0x80;
	_ =	swait.ge [sflag:s4], $0x2000  }
0x3a: {  	s15 =	simm.s32 $0x2480;
	s12 =	sadd.s32 s12, s7;
	[sflag:s4] =	ssyncset.done $0x0  }
0x3b: {  	s16 =	sadd.s32 $0x0, s12;
	s13 =	simm.s32 $0x2080;
	[sflag:s4] =	ssyncadd.s32 $0xFFFFE000  }
.LBB2_7:
0x3c: {  	[hbm:s16] =	stream.linear.scatter [tilespmem:s13], [sflag:$0x3], $0x400, $0x38;
	[tilespmem:$0x4080] =	vst v63  }
0x3d: {  	s16 =	smov.u32 s14;
	s13 =	smov.u32 s15;
	p0 =	sne.s32 s14, $0x380  }
.Ltmp5:
0x3e: {  	s14 =	sadd.s32 $0x80, s14;
	(pc) =	sbr.rel @p0 .LBB2_7-.Ltmp5, $2  }
0x3f: {  	_ =	sdelay $0x2  }
0x40: {  	s15 =	sadd.s32 $0x400, s15;
	s16 =	sadd.s32 s16, s12  }
.Ltmp6:
0x41: {  	(pc) =	sbr.rel .LBB2_9-.Ltmp6, $2  }
0x42: {  	_ =	sdelay $0x2  }
0x43: {  	[hbm:s16] =	stream.linear.scatter [tilespmem:s13], [sflag:$0x3], $0x400, $0x38;
	[tilespmem:$0x4080] =	vst v63  }
.LBB2_2:
.Ltmp7:
0x44: {  	(pc) =	sbr.rel .LBB2_10-.Ltmp7, $4  }
0x45: {  	_ = 	snop  }
0x46: {  	s12 =	sshrl.u32 s11, $0x3  }
0x47: {  	s13 =	sand.u32 $0x7, s11;
	s12 =	sadd.s32 s3, s12  }
0x48: {  	[tilespmem:s9], [sflag:$0x2] =	stream.linear.gather [hbm4b:s12+s13], $0x40, $0x38;
	[tilespmem:$0x4080] =	vst v63  }
.LBB2_11:
0x49: {  	s2 =	simm.s32 $0x3  }
0x4a: {  	_ =	swait.ge [sflag:s2], $0x2000  }
0x4b: {  	[sflag:s2] =	ssyncset.done $0x0  }
0x4c: {  	[sflag:s2] =	ssyncadd.s32 $0xFFFFE000  }
0x4d: {  	_ =	sfence.sel $0x180000  }
0x4e: {  	s3 =	simm.s32 $0x2;
	[bflag:$0x0] =	sbarrier.arrive $0xFFFF  }
0x4f: {  	[sflag:s3] =	ssyncpa.u1 $0x1  }
0x50: {  	s31 =	simm.s32 $0x1;
	[sflag:s2] =	ssyncpa.u1 $0x1  }
0x51: {  	[sflag:s31] =	ssyncpa.u1 $0x1  }
0x52: {  	p0 =	sne.s32 s1, $0x0;
	_ =	strace $0x90000053  }
0x53: {  	s0 =	sadd.s32 @!p0 $0x100000, s0;
	[bflag:$0x2] =	sbarrier.arrive $0xFFFF  }
0x54: {  	[sflag:s0] =	ssyncadd.tile.s32 @!p0 $0x1;
	_ =	shalt  }
.Lfunc_end2:
_tile_overlayer_lowered:
.L_overlay_start_2:
0x55: {  	(tag) =	ssettag $0x2  }
0x56: {  	s0 =	rddreg [dreg:$0x0];
	s2 =	stileid.u32  }
0x57: {  	s1 =	rddreg [dreg:$0x1];
	p0 =	sne.s32 s2, $0x0  }
0x58: {  	s3 =	rddreg [dreg:$0x2];
	[bflag:$0x3] =	sbarrier.arrive $0xFFFF;
	s2 =	simm.s32 @!p0 $0x1C01  }
0x59: {  	[timem:s3], [sflag:s2] =	dma.local @!p0 [hbm:s0], s1  }
0x5a: {  	s0 =	simm.s32 @!p0 $0x1  }
0x5b: {  	_ =	swait.ge @!p0 [sflag:s0], s1  }
0x5c: {  	s1 =	ssub.s32 @!p0 $0x0, s1;
	[sflag:s0] =	ssyncset.done @!p0 $0x0  }
0x5d: {  	[sflag:s0] =	ssyncadd.s32 @!p0 s1  }
0x5e: {  	[bflag:$0x3] =	sbarrier.arrive $0xFFFF  }
0x5f: {  	_ =	shalt  }

// kernel: kernel.6.cloned.1.call-start
scs
__scs_entry_jumppad:
0x0: {  	(pc) =	sbr.rel $0x88, $3  }
0x1: {  	(tag) =	ssettag $0x0;
	lr =	simm.s32 $0x1  }
0x2: {  	[smem:$0x3F90] =	sst lr;
	_ =	strace $0xD0000000  }
0x3: {  	_ = 	snop  }
0x4: {  	_ = 	snop  }
0x5: {  	_ = 	snop  }
0x6: {  	_ = 	snop  }
0x7: {  	_ = 	snop  }
__scs_overlays_trampoline_lowered:
0x8: {  	[smem:$0x3F9F] =	sst s0  }
0x9: {  	[smem:$0x3FA0] =	sst s1  }
0xa: {  	[smem:$0x3FA1] =	sst s2  }
0xb: {  	[smem:$0x3FA2] =	sst s3  }
0xc: {  	[smem:$0x3FA3] =	sst s4  }
0xd: {  	[smem:$0x3FA4] =	sst s5  }
0xe: {  	[smem:$0x3FA5] =	sst s6  }
0xf: {  	[smem:$0x3FA6] =	sst s7  }
0x10: {  	[smem:$0x3FA7] =	sst s8  }
0x11: {  	[smem:$0x3FA8] =	sst s9;
	s0 =	simm.s32 @!p0 $0x0  }
0x12: {  	s1 =	sld [smem:$0x3F8E];
	s0 =	simm.s32 @p0 $0x1  }
0x13: {  	[smem:$0x3FA9] =	sst s0;
	s0 =	simm.s32 @!p1 $0x0  }
0x14: {  	s2 =	sld [smem:$0x3F8D];
	s0 =	simm.s32 @p1 $0x1  }
0x15: {  	[smem:$0x3FAA] =	sst s0;
	s0 =	simm.s32 @!p2 $0x0  }
0x16: {  	s3 =	sld [smem:$0x3FDB];
	s0 =	simm.s32 @p2 $0x1  }
0x17: {  	s4 =	simm.s32 $0x1BF5;
	[smem:$0x3FAC] =	sst s0  }
0x18: {  	s0 =	sld [smem:$0x3F8F];
	_ =	swait.ge [sflag:s4], $0x0  }
0x19: {  	s7 =	sld [smem:$0x3F90]  }
0x1a: {  	s8 =	sadd.s32 $0xFFFFE003, lr  }
0x1b: {  	s9 =	sadd.s32 $0xFFFFFEF7, lr;
	s5 =	simm.s32 $0xFFFFFFFF;
	p2 =	slt.u32 s8, $0xFFFFF086  }
0x1c: {  	p1 =	slt.u32 s9, $0xF7A;
	s5 =	simm.s32 @!p2 $0x0  }
0x1d: {  	s5 =	simm.s32 @p1 $0x1;
	p0 =	seq.s32 s7, s2  }
0x1e: {  	s7 =	smul.u32 @!p0 $0xF7A, s2;
	p2 =	seq.s32 @!p0 s5, $0x0  }
0x1f: {  	s9 =	smul.u32 $0xF7A, s1;
	s8 =	simm.s32 @!p0 $0x1BF5;
	p2 =	por !p2, p0  }
0x20: {  	[sflag:s8] =	ssyncset.s32 @!p0 $0xFFFFF086;
	s6 =	sadd.s32 @!p0 s3, s7;
	s7 =	simm.s32 @!p0 $0x108  }
0x21: {  	s3 =	sadd.s32 s3, s9;
	s6 =	sadd.s32 @!p0 $0x88, s6;
	s7 =	simm.s32 @p2 $0x1082  }
0x22: {  	[simem:s7], [sflag:s8] =	dma.local @!p0 [hbm:s6], $0xF7A  }
0x23: {  	s9 =	sor.u32 $0xD0000000, s2;
	s6 =	simm.s32 $0x108;
	_ =	swait.ge @!p0 [sflag:s8], $0x0  }
0x24: {  	s3 =	sadd.s32 $0x88, s3;
	s6 =	simm.s32 @!p1 $0x1082;
	[sflag:s4] =	ssyncset.s32 $0xFFFFF086  }
0x25: {  	[simem:s6], [sflag:s4] =	dma.local [hbm:s3], $0xF7A  }
0x26: {  	[smem:$0x3F90] =	sst s1;
	(tag) =	ssettag s2;
	_ =	strace s9  }
0x27: {  	s1 =	sld [smem:$0x3FA0]  }
0x28: {  	s2 =	sld [smem:$0x3FA1]  }
0x29: {  	s4 =	sld [smem:$0x3FA3]  }
0x2a: {  	p0 =	seq.s32 s5, $0x0;
	s5 =	sld [smem:$0x3FA4]  }
0x2b: {  	s6 =	sld [smem:$0x3FA5]  }
0x2c: {  	s7 =	sld [smem:$0x3FA6]  }
0x2d: {  	s3 =	simm.s32 $0x108;
	s8 =	sld [smem:$0x3FA7]  }
0x2e: {  	s3 =	simm.s32 @!p0 $0x1082;
	s9 =	sld [smem:$0x3FA8]  }
0x2f: {  	lr =	sadd.s32 s0, s3;
	s0 =	sld [smem:$0x3F9F]  }
0x30: {  	s3 =	sld [smem:$0x3FA2]  }
0x31: {  	[smem:$0x3FAB] =	sst s10  }
0x32: {  	s10 =	sld [smem:$0x3FA9];
	_ =	sdelay $0x3  }
0x33: {  	p0 =	seq.s32 s10, $0x1;
	s10 =	sld [smem:$0x3FAB];
	_ =	sdelay $0x3  }
0x34: {  	[smem:$0x3FAB] =	sst s10  }
0x35: {  	s10 =	sld [smem:$0x3FAA];
	_ =	sdelay $0x3  }
0x36: {  	p1 =	seq.s32 s10, $0x1;
	s10 =	sld [smem:$0x3FAB];
	_ =	sdelay $0x3  }
0x37: {  	[smem:$0x3FAB] =	sst s10  }
0x38: {  	s10 =	sld [smem:$0x3FAC]  }
0x39: {  	_ = 	snop;
	(pc) =	sbr.ind lr, $3  }
0x3a: {  	_ = 	snop  }
0x3b: {  	_ = 	snop  }
0x3c: {  	p2 =	seq.s32 s10, $0x1;
	s10 =	sld [smem:$0x3FAB]  }
0x3d: {  	_ =	shalt  }
0x3e: {  	_ =	shalt  }
0x3f: {  	_ =	shalt  }
0x40: {  	_ =	shalt  }
0x41: {  	_ =	shalt  }
0x42: {  	_ =	shalt  }
0x43: {  	_ =	shalt  }
0x44: {  	_ =	shalt  }
0x45: {  	_ =	shalt  }
0x46: {  	_ =	shalt  }
0x47: {  	_ =	shalt  }
0x48: {  	_ =	shalt  }
0x49: {  	_ =	shalt  }
0x4a: {  	_ =	shalt  }
0x4b: {  	_ =	shalt  }
0x4c: {  	_ =	shalt  }
0x4d: {  	_ =	shalt  }
0x4e: {  	_ =	shalt  }
0x4f: {  	_ =	shalt  }
0x50: {  	_ =	shalt  }
0x51: {  	_ =	shalt  }
0x52: {  	_ =	shalt  }
0x53: {  	_ =	shalt  }
0x54: {  	_ =	shalt  }
0x55: {  	_ =	shalt  }
0x56: {  	_ =	shalt  }
0x57: {  	_ =	shalt  }
0x58: {  	_ =	shalt  }
0x59: {  	_ =	shalt  }
0x5a: {  	_ =	shalt  }
0x5b: {  	_ =	shalt  }
0x5c: {  	_ =	shalt  }
0x5d: {  	_ =	shalt  }
0x5e: {  	_ =	shalt  }
0x5f: {  	_ =	shalt  }
0x60: {  	_ =	shalt  }
0x61: {  	_ =	shalt  }
0x62: {  	_ =	shalt  }
0x63: {  	_ =	shalt  }
0x64: {  	_ =	shalt  }
0x65: {  	_ =	shalt  }
0x66: {  	_ =	shalt  }
0x67: {  	_ =	shalt  }
0x68: {  	_ =	shalt  }
0x69: {  	_ =	shalt  }
0x6a: {  	_ =	shalt  }
0x6b: {  	_ =	shalt  }
0x6c: {  	_ =	shalt  }
0x6d: {  	_ =	shalt  }
0x6e: {  	_ =	shalt  }
0x6f: {  	_ =	shalt  }
0x70: {  	_ =	shalt  }
0x71: {  	_ =	shalt  }
0x72: {  	_ =	shalt  }
0x73: {  	_ =	shalt  }
0x74: {  	_ =	shalt  }
0x75: {  	_ =	shalt  }
0x76: {  	_ =	shalt  }
0x77: {  	_ =	shalt  }
0x78: {  	_ =	shalt  }
0x79: {  	_ =	shalt  }
0x7a: {  	_ =	shalt  }
0x7b: {  	_ =	shalt  }
0x7c: {  	_ =	shalt  }
0x7d: {  	_ =	shalt  }
0x7e: {  	_ =	shalt  }
0x7f: {  	_ =	shalt  }
0x80: {  	_ =	shalt  }
0x81: {  	_ =	shalt  }
0x82: {  	_ =	shalt  }
0x83: {  	_ =	shalt  }
0x84: {  	_ =	shalt  }
0x85: {  	_ =	shalt  }
0x86: {  	_ =	shalt  }
0x87: {  	_ =	shalt  }
.Lfunc_end0:
.L_simem_size_0:
called_computation.5_lowered:
.L_overlay_start_0:
0x88: {  	s2 =	sld [smem:$0x3FD9]  }
0x89: {  	s3 =	sld [smem:$0x3FFE];
	_ =	sdelay $0x1  }
0x8a: {  	s1 =	srdreg.scid  }
0x8b: {  	s0 =	sand.u32 $0x1, s1  }
0x8c: {  	s17 =	sshll.u32 s0, $0xA;
	s2 =	sadd.s32 s3, s2  }
0x8d: {  	s2 =	sadd.s32 s2, s17  }
0x8e: {  	[smem:$0x3FB7] =	sst s2  }
0x8f: {  	_ = 	snop  }
0x90: {  	s2 =	sld [smem:$0x3FD0];
	(tm) =	ssettm $0x1  }
0x91: {  	s18 =	sld [smem:$0x3FFB];
	_ =	sdelay $0x3  }
0x92: {  	_ =	strace s18  }
0x93: {  	s3 =	sld [smem:$0x3FFC];
	_ =	sdelay $0x3  }
0x94: {  	_ =	strace s3  }
0x95: {  	s3 =	sld [smem:$0x3FFD];
	_ =	sdelay $0x3  }
0x96: {  	_ =	strace s3  }
0x97: {  	_ =	strace $0x8FFFFFFF  }
0x98: {  	s19 =	sld [smem:$0x3FDB];
	_ =	sdelay $0x1  }
0x99: {  	s4 =	simm.s32 $_scs_section_size  }
0x9a: {  	s5 =	simm.s32 $_size__tile_overlayer_lowered;
	s6 =	simm.s32 $_tile_overlayer_lowered  }
0x9b: {  	s22 =	simm.s32 $0x1BFF;
	s21 =	sshll.u32 s6, $0x1;
	s3 =	sadd.s32 s4, s19  }
0x9c: {  	s7 =	simm.s32 $0x0;
	s20 =	sshll.u32 s5, $0x1;
	s5 =	sadd.s32 s21, s3  }
0x9d: {  	[timem:s7], [sflag:s22] =	dma.local [hbm:s5], s20  }
0x9e: {  	_ =	swait.ge [sflag:s22], s20  }
0x9f: {  	s4 =	ssub.s32 $0x0, s20;
	[sflag:s22] =	ssyncset.done $0x0  }
0xa0: {  	[sflag:s22] =	ssyncadd.s32 s4;
	_ =	sdelay $0x1  }
0xa1: {  	s23 =	simm.s32 $0x1B8B  }
0xa2: {  	_ =	swait.ge [sflag:s23], $0x1  }
0xa3: {  	[sflag:s23] =	ssyncset.done $0x0  }
0xa4: {  	s25 =	simm.s32 $0x1B8E;
	s24 =	sld [smem:$0x3FFE];
	[sflag:s23] =	ssyncadd.s32 $0xFFFFFFFF  }
0xa5: {  	s26 =	simm.s32 $execute0_lowered;
	[smem:$0x3FD2] =	sst s25  }
0xa6: {  	s5 =	sshll.u32 s26, $0x1;
	_ =	strace $0x80000055;
	[dreg:$0x1] =	wrdreg $0xFFFFFFFF  }
0xa7: {  	s28 =	simm.s32 $_size_execute0_lowered;
	s3 =	sadd.s32 s3, s5;
	[dreg:$0x0] =	wrdreg $0x0  }
0xa8: {  	s5 =	sshll.u32 s28, $0x1;
	[dreg:$0x2] =	wrdreg s3  }
0xa9: {  	[dreg:$0x3] =	wrdreg s5  }
0xaa: {  	[dreg:$0x4] =	wrdreg $0xC0  }
0xab: {  	_ =	task [dreg:s7], $0x5FFFF  }
0xac: {  	[dreg:$0x1] =	wrdreg $0xFFFFFFFF  }
0xad: {  	[dreg:$0x0] =	wrdreg $0x60  }
0xae: {  	[dreg:$0x2] =	wrdreg s2  }
0xaf: {  	[dreg:$0x3] =	wrdreg s24  }
0xb0: {  	[dreg:$0x4] =	wrdreg $0x0  }
0xb1: {  	[dreg:$0x5] =	wrdreg $0x9  }
0xb2: {  	_ =	task.clear_ibuf [dreg:s7], $0x6FFFF;
	_ =	strace $0x90000055  }
0xb3: {  	s29 =	simm.s32 $0x9;
	_ =	strace $0x80000057  }
0xb4: {  	_ =	swait.ge [sflag:s29], $0x1  }
0xb5: {  	[sflag:s29] =	ssyncadd.s32 $0xFFFFFFFF  }
0xb6: {  	_ =	strace $0x90000057  }
0xb7: {  	_ =	sfence  }
0xb8: {  	s30 =	sld [smem:$0x0];
	_ =	sdelay $0x2  }
0xb9: {  	s31 =	sshll.u32 s1, $0xD;
	s1 =	sshrl.u32 s1, $0x2  }
0xba: {  	s3 =	sand.u32 $0x4000, s31;
	s1 =	sadd.s32 s1, s30  }
0xbb: {  	s0 =	sor.u32 s3, s0;
	s1 =	sshll.u32 s1, $0x11  }
0xbc: {  	s0 =	sor.u32 s1, s0  }
0xbd: {  	s0 =	sadd.s32 $0x8F2B, s0  }
0xbe: {  	[sflag:s0] =	ssyncadd.remote.s32 $0x1  }
0xbf: {  	_ =	sfence.sel $0xFFFF  }
0xc0: {  	[dreg:$0x0] =	wrdreg $0xFFFFFFFF;
	(pc) =	sbr.abs _section_cstart, $3  }
0xc1: {  	[dreg:$0x1] =	wrdreg $0xFFFFFFFF  }
0xc2: {  	_ =	task.clear_ibuf [dreg:s7], $0x2FFFF;
	_ =	strace $0x9FFFFFFF  }
0xc3: {  	(tm) =	ssettm $0x7FFFFFFF  }
tec
execute0_lowered:
.L_overlay_start_1:
0x0: {  	(tag) =	ssettag $0x1  }
0x1: {  	s0 =	rddreg [dreg:$0x0]  }
0x2: {  	s1 =	rddreg [dreg:$0x1]  }
0x3: {  	s2 =	rddreg [dreg:$0x2];
	s3 =	simm.s32 $0x0  }
0x4: {  	s23 =	stileid.u32;
	s5 =	srdreg.scid;
	s21 =	simm.s32 $0x1D080  }
0x5: {  	s22 =	simm.s32 $0x1;
	s28 =	simm.s32 $0x80;
	s4 =	smul.u32 $0x110, s23  }
0x6: {  	s29 =	simm.s32 $0x0;
	[smem:$0x7FF] =	sst s3;
	s7 =	smul.u32 $0x63000, s23  }
0x7: {  	s25 =	sadd.s32 $0x2E00, s1;
	s9 =	smul.u32 $0x64000, s23;
	s6 =	sadd.s32 $0x3400, s1  }
0x8: {  	s30 =	smul.u32 $0x8800, s23;
	s31 =	sshll.u32 s23, $0x6;
	_ =	strace $0x80000056  }
0x9: {  	[dreg:$0x4] =	wrdreg s25;
	s24 =	sor.u32 $0x1C01, s31;
	s19 =	sadd.s32 s4, s1  }
0xa: {  	s4 =	sand.u32 $0x1, s5;
	s7 =	sshrl.u32 s7, $0x2;
	s9 =	sshrl.u32 s9, $0x2  }
0xb: {  	s8 =	ssub.s32 $0x2, s4;
	s25 =	sadd.s32 s7, s2;
	s7 =	smul.u32 $0x318, s23  }
0xc: {  	s9 =	sadd.s32 s9, s2;
	s20 =	sadd.s32 $0x1C00, s19;
	s23 =	simm.s32 $0x19000  }
0xd: {  	s26 =	sshrl.u32 s8, $0x1;
	s10 =	sadd.s32 $0x2800, s9;
	s11 =	sadd.s32 $0x5000, s9  }
0xe: {  	s12 =	sadd.s32 $0x7800, s9;
	s13 =	sadd.s32 $0xA000, s9;
	s14 =	sadd.s32 $0xC800, s9  }
0xf: {  	s15 =	sadd.s32 $0xF000, s9;
	s16 =	sadd.s32 $0x11800, s9;
	s17 =	sadd.s32 $0x14000, s9  }
0x10: {  	s18 =	sadd.s32 $0x16800, s9;
	s25 =	sshrl.u32 s25, $0x3;
	s1 =	ssub.s32 s8, s26  }
0x11: {  	s26 =	simm.s32 $0x19080;
	s8 =	smax.u32 s1, $0x1;
	s1 =	sadd.s32 s30, s0  }
.LBB2_1:
0x12: {  	s0 =	rddreg [dreg:$0x4]  }
0x13: {  	[tilespmem:s21], [sflag:$0x1] =	stream.linear.gather [hbm4b:s0+s3], $0x2800, $0x38;
	[tilespmem:$0x1F880] =	vst v63  }
0x14: {  	_ =	swait.ge [sflag:s22], $0x2800  }
0x15: {  	[sflag:s22] =	ssyncset.done $0x0  }
0x16: {  	s30 =	simm.s32 $0x0;
	[sflag:s22] =	ssyncadd.s32 $0xFFFFD800  }
.LBB2_2:
0x17: {  	[spmem:s9] =	stream.linear.scatter [tilespmem:s21], [sflag:$0x1], $0x2800, $0x38;
	[tilespmem:$0x1F880] =	vst v63  }
0x18: {  	_ =	swait.ge [sflag:s22], $0x2800  }
0x19: {  	[sflag:s22] =	ssyncset.done $0x0  }
0x1a: {  	[sflag:s22] =	ssyncadd.s32 $0xFFFFD800  }
0x1b: {  	[spmem:s10] =	stream.linear.scatter [tilespmem:s21], [sflag:$0x1], $0x2800, $0x38;
	[tilespmem:$0x1F880] =	vst v63  }
0x1c: {  	_ =	swait.ge [sflag:s22], $0x2800  }
0x1d: {  	[sflag:s22] =	ssyncset.done $0x0  }
0x1e: {  	[sflag:s22] =	ssyncadd.s32 $0xFFFFD800  }
0x1f: {  	[spmem:s11] =	stream.linear.scatter [tilespmem:s21], [sflag:$0x1], $0x2800, $0x38;
	[tilespmem:$0x1F880] =	vst v63  }
0x20: {  	_ =	swait.ge [sflag:s22], $0x2800  }
0x21: {  	[sflag:s22] =	ssyncset.done $0x0  }
0x22: {  	[sflag:s22] =	ssyncadd.s32 $0xFFFFD800  }
0x23: {  	[spmem:s12] =	stream.linear.scatter [tilespmem:s21], [sflag:$0x1], $0x2800, $0x38;
	[tilespmem:$0x1F880] =	vst v63  }
0x24: {  	_ =	swait.ge [sflag:s22], $0x2800  }
0x25: {  	[sflag:s22] =	ssyncset.done $0x0  }
0x26: {  	[sflag:s22] =	ssyncadd.s32 $0xFFFFD800  }
0x27: {  	[spmem:s13] =	stream.linear.scatter [tilespmem:s21], [sflag:$0x1], $0x2800, $0x38;
	[tilespmem:$0x1F880] =	vst v63  }
0x28: {  	_ =	swait.ge [sflag:s22], $0x2800  }
0x29: {  	[sflag:s22] =	ssyncset.done $0x0  }
0x2a: {  	[sflag:s22] =	ssyncadd.s32 $0xFFFFD800  }
0x2b: {  	[spmem:s14] =	stream.linear.scatter [tilespmem:s21], [sflag:$0x1], $0x2800, $0x38;
	[tilespmem:$0x1F880] =	vst v63  }
0x2c: {  	_ =	swait.ge [sflag:s22], $0x2800  }
0x2d: {  	[sflag:s22] =	ssyncset.done $0x0  }
0x2e: {  	[sflag:s22] =	ssyncadd.s32 $0xFFFFD800  }
0x2f: {  	[spmem:s15] =	stream.linear.scatter [tilespmem:s21], [sflag:$0x1], $0x2800, $0x38;
	[tilespmem:$0x1F880] =	vst v63  }
0x30: {  	_ =	swait.ge [sflag:s22], $0x2800  }
0x31: {  	[sflag:s22] =	ssyncset.done $0x0  }
0x32: {  	[sflag:s22] =	ssyncadd.s32 $0xFFFFD800  }
0x33: {  	[spmem:s16] =	stream.linear.scatter [tilespmem:s21], [sflag:$0x1], $0x2800, $0x38;
	[tilespmem:$0x1F880] =	vst v63  }
0x34: {  	_ =	swait.ge [sflag:s22], $0x2800  }
0x35: {  	[sflag:s22] =	ssyncset.done $0x0  }
0x36: {  	[sflag:s22] =	ssyncadd.s32 $0xFFFFD800  }
0x37: {  	[spmem:s17] =	stream.linear.scatter [tilespmem:s21], [sflag:$0x1], $0x2800, $0x38;
	[tilespmem:$0x1F880] =	vst v63  }
0x38: {  	_ =	swait.ge [sflag:s22], $0x2800  }
0x39: {  	[sflag:s22] =	ssyncset.done $0x0  }
0x3a: {  	[sflag:s22] =	ssyncadd.s32 $0xFFFFD800  }
0x3b: {  	[spmem:s18] =	stream.linear.scatter [tilespmem:s21], [sflag:$0x1], $0x2800, $0x38;
	[tilespmem:$0x1F880] =	vst v63  }
0x3c: {  	_ =	swait.ge [sflag:s22], $0x2800  }
0x3d: {  	[sflag:s22] =	ssyncset.done $0x0  }
0x3e: {  	[sflag:s22] =	ssyncadd.s32 $0xFFFFD800  }
0x3f: {  	s0 =	sadd.s32 $0x0, s20;
	[bflag:$0x0] =	sbarrier.arrive $0xFFFF  }
0x40: {  	[tilespmem:s23], [sflag:$0x1] =	stream.linear.gather [hbm4b:s0+s3], $0x80, $0x38;
	[tilespmem:$0x1F880] =	vst v63  }
0x41: {  	_ =	swait.ge [sflag:s22], $0x80  }
0x42: {  	[sflag:s22] =	ssyncset.done $0x0  }
0x43: {  	[sflag:s22] =	ssyncadd.s32 $0xFFFFFF80  }
0x44: {  	[tilespmem:s26], [sflag:$0x1] =	stream.linear.gather [hbm4b:s1+s3], $0x4000, $0x38;
	[tilespmem:$0x1F880] =	vst v63  }
0x45: {  	_ =	swait.ge [sflag:s22], $0x4000  }
0x46: {  	s19 =	sshll.u32 s30, $0x1;
	[sflag:s22] =	ssyncset.done $0x0  }
0x47: {  	s0 =	sor.u32 s4, s19;
	[sflag:s22] =	ssyncadd.s32 $0xFFFFC000  }
0x48: {  	s31 =	smul.u32 $0x3180, s0;
	v1 =	vld [tilespmem:$0x19050]  }
0x49: {  	v3 =	vld [tilespmem:$0x19060]  }
0x4a: {  	s19 =	smov.u32 s1;
	s0 =	simm.s32 $0x10;
	v0 =	vmov s31;
	v2 =	vld [tilespmem:$0x19070]  }
.LBB2_3:
0x4b: {  	p0 =	sne.s32 s0, $0x100  }
0x4c: {  	v4 =	vld [tilespmem:$0x19030];
	s19 =	sadd.s32 $0x800, s19;
	s5 =	smov.u32 s0;
	s0 =	sadd.s32 $0x10, s0  }
0x4d: {  	v5 =	vld [tilespmem:$0x19010]  }
0x4e: {  	v6 =	vld [tilespmem:$0x19020]  }
0x4f: {  	v7 =	vld [tilespmem:$0x19000];
	v3 =	vsub.s32 v3, v0  }
0x50: {  	v1 =	vsub.s32 v1, v0;
	v8 =	vld [tilespmem:$0x19040];
	v3 =	vmin.u32 v3, $0x3180;
	v2 =	vsub.s32 v2, v0  }
0x51: {  	v1 =	vmin.u32 v1, $0x3180;
	v4 =	vsub.s32 v4, v0;
	[tilespmem:$0x19060] =	vst v3;
	v2 =	vmin.u32 v2, $0x3180  }
0x52: {  	v3 =	vsub.s32 v5, v0;
	v4 =	vmin.u32 v4, $0x3180;
	[tilespmem:$0x19070] =	vst v2  }
0x53: {  	v2 =	vmin.u32 v3, $0x3180;
	v3 =	vsub.s32 v6, v0;
	[tilespmem:$0x19050] =	vst v1  }
0x54: {  	v1 =	vsub.s32 v7, v0;
	v3 =	vmin.u32 v3, $0x3180;
	[tilespmem:$0x19030] =	vst v4  }
0x55: {  	v1 =	vmin.u32 v1, $0x3180;
	[tilespmem:$0x19010] =	vst v2;
	v2 =	vsub.s32 v8, v0  }
0x56: {  	[tilespmem:$0x19020] =	vst v3;
	v2 =	vmin.u32 v2, $0x3180  }
0x57: {  	[tilespmem:$0x19040] =	vst v2  }
0x58: {  	[tilespmem:$0x19000] =	vst v1  }
0x59: {  	[spmem:s2] =	stream.indirect.scatter.add.f32 [tilespmem:s26], [sflag:$0x1], $0x80, s23, s28, $0xb8;
	[tilespmem:$0x1F880] =	vst v63  }
0x5a: {  	_ =	swait.ge [sflag:s22], $0x4000  }
0x5b: {  	[sflag:s22] =	ssyncset.done $0x0  }
0x5c: {  	s5 =	sadd.s32 s5, s20;
	[sflag:s22] =	ssyncadd.s32 $0xFFFFC000  }
0x5d: {  	[tilespmem:s23], [sflag:$0x1] =	stream.linear.gather [hbm4b:s5+s3], $0x80, $0x38;
	[tilespmem:$0x1F880] =	vst v63  }
0x5e: {  	_ =	swait.ge [sflag:s22], $0x80  }
0x5f: {  	[sflag:s22] =	ssyncset.done $0x0  }
0x60: {  	[sflag:s22] =	ssyncadd.s32 $0xFFFFFF80  }
0x61: {  	[tilespmem:s26], [sflag:$0x1] =	stream.linear.gather [hbm4b:s19+s3], $0x4000, $0x38;
	[tilespmem:$0x1F880] =	vst v63  }
0x62: {  	_ =	swait.ge [sflag:s22], $0x4000  }
.Ltmp0:
0x63: {  	[sflag:s22] =	ssyncset.done $0x0;
	(pc) =	sbr.rel @p0 .LBB2_3-.Ltmp0, $4  }
0x64: {  	[sflag:s22] =	ssyncadd.s32 $0xFFFFC000  }
0x65: {  	v1 =	vld [tilespmem:$0x19050]  }
0x66: {  	v3 =	vld [tilespmem:$0x19060]  }
0x67: {  	v2 =	vld [tilespmem:$0x19070]  }
0x68: {  	v4 =	vld [tilespmem:$0x19030]  }
0x69: {  	v5 =	vld [tilespmem:$0x19010]  }
0x6a: {  	v6 =	vld [tilespmem:$0x19020];
	v1 =	vsub.s32 v1, v0  }
0x6b: {  	v7 =	vld [tilespmem:$0x19040];
	v3 =	vsub.s32 v3, v0;
	v1 =	vmin.u32 v1, $0x3180  }
0x6c: {  	v8 =	vld [tilespmem:$0x19000];
	v3 =	vmin.u32 v3, $0x3180;
	v2 =	vsub.s32 v2, v0;
	[tilespmem:$0x19050] =	vst v1  }
0x6d: {  	[tilespmem:$0x19060] =	vst v3;
	v2 =	vmin.u32 v2, $0x3180;
	v58 =	vsub.s32 v4, v0  }
0x6e: {  	v59 =	vsub.s32 v5, v0;
	[tilespmem:$0x19070] =	vst v2;
	v3 =	vmin.u32 v58, $0x3180  }
0x6f: {  	v61 =	vsub.s32 v6, v0;
	v60 =	vmin.u32 v59, $0x3180;
	[tilespmem:$0x19030] =	vst v3  }
0x70: {  	v62 =	vsub.s32 v7, v0;
	v2 =	vmin.u32 v61, $0x3180;
	[tilespmem:$0x19010] =	vst v60  }
0x71: {  	v63 =	vsub.s32 v8, v0;
	v1 =	vmin.u32 v62, $0x3180;
	[tilespmem:$0x19020] =	vst v2  }
0x72: {  	v0 =	vmin.u32 v63, $0x3180;
	[tilespmem:$0x19040] =	vst v1  }
0x73: {  	[tilespmem:$0x19000] =	vst v0  }
0x74: {  	[spmem:s2] =	stream.indirect.scatter.add.f32 [tilespmem:s26], [sflag:$0x1], $0x80, s23, s28, $0xb8;
	[tilespmem:$0x1F880] =	vst v63  }
0x75: {  	_ =	swait.ge [sflag:s22], $0x4000  }
0x76: {  	s0 =	sadd.s32 s7, s31;
	[sflag:s22] =	ssyncset.done $0x0  }
0x77: {  	s30 =	sadd.s32 $0x1, s30;
	s0 =	sshll.u32 s0, $0x4;
	[sflag:s22] =	ssyncadd.s32 $0xFFFFC000  }
0x78: {  	p0 =	sne.s32 s30, $0x4;
	s0 =	sadd.s32 s6, s0;
	[bflag:$0x0] =	sbarrier.arrive $0xFFFF  }
0x79: {  	[hbm:s0], [sflag:s24] =	dma.local [spmem:s25], $0x3180  }
.Ltmp1:
0x7a: {  	_ =	swait.ge [sflag:s22], $0x3180;
	(pc) =	sbr.rel @p0 .LBB2_2-.Ltmp1, $3  }
0x7b: {  	[sflag:s22] =	ssyncset.done $0x0  }
0x7c: {  	[sflag:s22] =	ssyncadd.s32 $0xFFFFCE80  }
0x7d: {  	[bflag:$0x0] =	sbarrier.arrive $0xFFFF;
	_ =	sdelay $0x1  }
0x7e: {  	s29 =	sadd.s32 $0x1, s29  }
0x7f: {  	p0 =	sne.s32 s29, s8  }
.Ltmp2:
0x80: {  	_ = 	snop;
	(pc) =	sbr.rel @p0 .LBB2_1-.Ltmp2, $1  }
0x81: {  	_ =	sdelay $0x3  }
0x82: {  	_ =	sfence.sel $0x180000  }
0x83: {  	[bflag:$0x0] =	sbarrier.arrive $0xFFFF  }
0x84: {  	_ =	strace $0x90000056  }
0x85: {  	s0 =	stileid.u32;
	[bflag:$0x2] =	sbarrier.arrive $0xFFFF  }
0x86: {  	p0 =	sne.s32 s0, $0x0;
	s0 =	rddreg [dreg:$0x3]  }
0x87: {  	s0 =	sadd.s32 @!p0 $0x100000, s0  }
0x88: {  	[sflag:s0] =	ssyncadd.tile.s32 @!p0 $0x1;
	_ =	shalt  }
.Lfunc_end2:
_tile_overlayer_lowered:
.L_overlay_start_2:
0x89: {  	(tag) =	ssettag $0x2  }
0x8a: {  	s0 =	rddreg [dreg:$0x0];
	s2 =	stileid.u32  }
0x8b: {  	s1 =	rddreg [dreg:$0x1];
	p0 =	sne.s32 s2, $0x0  }
0x8c: {  	s3 =	rddreg [dreg:$0x2];
	[bflag:$0x3] =	sbarrier.arrive $0xFFFF;
	s2 =	simm.s32 @!p0 $0x1C01  }
0x8d: {  	[timem:s3], [sflag:s2] =	dma.local @!p0 [hbm:s0], s1  }
0x8e: {  	s0 =	simm.s32 @!p0 $0x1  }
0x8f: {  	_ =	swait.ge @!p0 [sflag:s0], s1  }
0x90: {  	s1 =	ssub.s32 @!p0 $0x0, s1;
	[sflag:s0] =	ssyncset.done @!p0 $0x0  }
0x91: {  	[sflag:s0] =	ssyncadd.s32 @!p0 s1  }
0x92: {  	[bflag:$0x3] =	sbarrier.arrive $0xFFFF  }
0x93: {  	_ =	shalt  }

</sc_bundles>
